<compile_context>
chip_gen: v7x
topology: tpu7x:2x2x1
jax: 0.10.2.dev20260603
libtpu: 0.0.44.dev20260713+nightly
codegen_flags: <defaults>
</compile_context>

<pallas_src>
import functools

import jax
import jax.numpy as jnp
from jax import lax
from jax.experimental import pallas as pl
from jax.experimental.pallas import tpu as pltpu
from jax.experimental.pallas import tpu_sc as plsc

_NC = 1
_NS = 16
_L = 16
_NW = _NC * _NS


def _lse_body(logits_ref, out_ref):
    t = pl.program_id(1)
    x = logits_ref[0]
    s = jnp.sum(jnp.exp(x), axis=1, keepdims=True)
    partial = jnp.sum(jnp.log(s)).reshape(1, 1)

    @pl.when(t == 0)
    def _():
        out_ref[0] = jnp.zeros((1, 1), jnp.float32)

    out_ref[0] += partial


def _sc_gather_body(ppw, cpw, table_hbm, hyp_hbm, out_hbm,
                    hyp_v, buf_v, acc_v, sem):
    wid = lax.axis_index("s") * _NC + lax.axis_index("c")
    base = wid * ppw
    pltpu.sync_copy(hyp_hbm.at[pl.ds(base, ppw)], hyp_v)
    iota = lax.iota(jnp.int32, _L)

    def group(g, acc):
        g0 = pl.multiple_of(g * cpw, cpw)
        hvs = [hyp_v[pl.ds(g0 + j * _L, _L)] for j in range(cpw // _L)]
        copies = []
        for s in range(cpw):
            h = hvs[s // _L][s % _L]
            voff = pl.multiple_of(
                lax.shift_left(lax.shift_right_logical(h, 7), 7), 128)
            row0 = pl.multiple_of(base + g0 + (s & ~7), 8)
            copies.append(pltpu.async_copy(
                table_hbm.at[pl.ds(row0, 8), pl.ds(voff, 128)],
                buf_v.at[s], sem))
        for c in copies:
            c.wait()
        for s in range(cpw):
            h = hvs[s // _L][s % _L]
            lo = lax.shift_left(
                lax.shift_right_logical(jnp.bitwise_and(h, 127), 4), 4)
            chunk = buf_v[s, s % 8, pl.ds(lo, _L)]
            lane = jnp.bitwise_and(h, _L - 1)
            acc = acc + jnp.where(iota == lane, chunk, 0.0)
        return acc

    acc = lax.fori_loop(0, ppw // cpw, group, jnp.zeros((_L,), jnp.float32))
    acc_v[...] = acc
    pltpu.sync_copy(acc_v, out_hbm.at[wid])


def kernel(logits, hyp):
    b, t, v = logits.shape
    bt = b * t
    ppw = bt // _NW

    table = logits.reshape(bt, v)
    hyp_flat = hyp.astype(jnp.int32).reshape(bt)

    sc_gather = functools.partial(
        pl.kernel,
        out_type=jax.ShapeDtypeStruct((_NW, _L), jnp.float32),
        mesh=plsc.VectorSubcoreMesh(core_axis_name="c", subcore_axis_name="s", num_cores=1),
        scratch_types=[
            pltpu.VMEM((ppw,), jnp.int32),
            pltpu.VMEM((32, 8, 128), jnp.float32),
            pltpu.VMEM((_L,), jnp.float32),
            pltpu.SemaphoreType.DMA,
        ],
    )(functools.partial(_sc_gather_body, ppw, 32))
    g_parts = sc_gather(table, hyp_flat)
    g = g_parts.reshape(b, (_NW // b) * _L).sum(axis=1)

    tb = 256
    nt = t // tb
    lse = pl.pallas_call(
        _lse_body,
        grid=(b, nt),
        in_specs=[pl.BlockSpec((1, tb, v), lambda i, j: (i, j, 0))],
        out_specs=pl.BlockSpec((1, 1, 1), lambda i, j: (i, 0, 0)),
        out_shape=jax.ShapeDtypeStruct((b, 1, 1), jnp.float32),
        compiler_params=pltpu.CompilerParams(
            dimension_semantics=("arbitrary", "arbitrary"),
        ),
    )(logits)

    return g - lse[:, 0, 0]

# --- scband reference (transcript-rebuilt; emitter-appended) ---
"""Pipeline reference for scband-sequence-log-probabilities-7756710937363 (READ-ONLY COPY).

The authoritative reference and input builder live on the scoring server;
editing this copy changes nothing except your own understanding.
"""

import jax, jax.numpy as jnp
import numpy as np


def setup_inputs(seed: int = 0) -> dict:
    key = jax.random.key(seed)
    k1, k2 = jax.random.split(key)
    logits = jax.random.normal(k1, (2, 2048, 16384), dtype=jnp.float32)
    hyp = jax.random.randint(k2, (2, 2048), 0, 16384, dtype=jnp.int64) if jax.config.jax_enable_x64 else jax.random.randint(k2, (2, 2048), 0, 16384, dtype=jnp.int32)
    return {"logits": logits, "hyp": hyp}


def reference(logits, hyp):
    # SequenceLogProbabilities with dim=1, eos=None (tensor path):
    # logits: (B, T, num_classes), hyp: (B, T) -> log_probs: (B,)
    num_classes = logits.shape[-1]
    lp = jax.nn.log_softmax(logits, axis=-1)
    mask = (hyp < 0) | (hyp >= num_classes)
    hyp_safe = jnp.where(mask, 0, hyp)
    gathered = jnp.take_along_axis(lp, hyp_safe[..., None], axis=-1)[..., 0]
    gathered = jnp.where(mask, 0.0, gathered)
    return gathered.sum(axis=1)

if __name__ == "__main__":
    import jax
    _d = setup_inputs()
    print(jax.jit(kernel)(*tuple(_d.values())))

</pallas_src>

<mosaic_0001>
#map = affine_map<(d0, d1) -> (0, 0)>
#map1 = affine_map<(d0, d1) -> (0)>
module attributes {stable_mosaic.version = 14 : i64} {
  func.func @_sc_gather_body(%arg0: i32, %arg1: i32, %arg2: memref<4096x16384xf32, #tpu.memory_space<hbm>>, %arg3: memref<4096xi32, #tpu.memory_space<hbm>>, %arg4: memref<16x16xf32, #tpu.memory_space<hbm>>, %arg5: memref<256xi32, #tpu.memory_space<vmem>>, %arg6: memref<32x8x128xf32, #tpu.memory_space<vmem>>, %arg7: memref<16xf32, #tpu.memory_space<vmem>>, %arg8: memref<!tpu.dma_semaphore, #tpu.memory_space<semaphore_mem>>) attributes {dimension_semantics = [#tpu.dimension_semantics<core_parallel>, #tpu.dimension_semantics<subcore_parallel>], iteration_bounds = array<i64: 1, 16>, scalar_prefetch = 0 : i64, scratch_operands = 4 : i64, tpu.core_type = #tpu.core_type<sc_vector_subcore>, window_params = [{transform_indices = #map}, {transform_indices = #map1}, {transform_indices = #map}]} {
    %mul3A = arith.constant 1 : i32
    %mul3A_0 = arith.muli %arg1, %mul3A : i32
    %add3A = arith.addi %mul3A_0, %arg0 : i32
    %mul3A_1 = arith.constant 256 : i32
    %mul3A_2 = arith.muli %add3A, %mul3A_1 : i32
    "tpu.region"() ({
      %run_scoped3A = tpu.sem_alloc : memref<!tpu.dma_semaphore, #tpu.memory_space<semaphore_mem>>
      %dma_start3A = tpu.memref_slice %arg3[%mul3A_2] : memref<4096xi32, #tpu.memory_space<hbm>> -> memref<256xi32, #tpu.memory_space<hbm>>
      %dma_start3A_12 = tpu.memref_slice %arg3[%mul3A_2] : memref<4096xi32, #tpu.memory_space<hbm>> -> memref<256xi32, #tpu.memory_space<hbm>>
      tpu.enqueue_dma source(%dma_start3A_12 : memref<256xi32, #tpu.memory_space<hbm>>) target(%arg5 : memref<256xi32, #tpu.memory_space<vmem>>) target_semaphore(%run_scoped3A : memref<!tpu.dma_semaphore, #tpu.memory_space<semaphore_mem>>)
      %dma_wait3A = tpu.memref_slice %arg3[%mul3A_2] : memref<4096xi32, #tpu.memory_space<hbm>> -> memref<256xi32, #tpu.memory_space<hbm>>
      %dma_wait3A_13 = tpu.memref_slice %arg3[%mul3A_2] : memref<4096xi32, #tpu.memory_space<hbm>> -> memref<256xi32, #tpu.memory_space<hbm>>
      tpu.wait_dma2 semaphore(%run_scoped3A : memref<!tpu.dma_semaphore, #tpu.memory_space<semaphore_mem>>) src(%dma_wait3A_13 : memref<256xi32, #tpu.memory_space<hbm>>) dst(%arg5 : memref<256xi32, #tpu.memory_space<vmem>>)
      tpu.yield
    }) : () -> ()
    %iota3A = tpu.iota {dimensions = array<i32: 0>} : vector<16xi32>
    %broadcast_in_dim3A = arith.constant 0.000000e+00 : f32
    %broadcast_in_dim3A_3 = vector.broadcast %broadcast_in_dim3A : f32 to vector<16xf32>
    %scan3A = arith.constant 0 : i32
    %scan3A_4 = arith.constant 8 : i32
    %scan3A_5 = arith.addi %scan3A, %scan3A_4 : i32
    %scan3A_6 = arith.constant 1 : i32
    %scan3A_7 = scf.for %scan3A_12 = %scan3A to %scan3A_5 step %scan3A_6 iter_args(%scan3A_13 = %broadcast_in_dim3A_3) -> (vector<16xf32>)  : i32 {
      %mul3A_14 = arith.constant 32 : i32
      %mul3A_15 = arith.muli %scan3A_12, %mul3A_14 : i32
      %multiple_of3A = tpu.assume_multiple %mul3A_15, 32 : i32
      %add3A_16 = arith.constant 0 : i32
      %add3A_17 = arith.addi %multiple_of3A, %add3A_16 : i32
      %get3A = arith.index_cast %add3A_17 : i32 to index
      %get3A_18 = tpu.vector_load %arg5[%get3A] {strides = array<i32>} : memref<256xi32, #tpu.memory_space<vmem>>, vector<16xi32>,
      %get3A_19 = vector.shape_cast %get3A_18 : vector<16xi32> to vector<16xi32>
      %add3A_20 = arith.constant 16 : i32
      %add3A_21 = arith.addi %multiple_of3A, %add3A_20 : i32
      %get3A_22 = arith.index_cast %add3A_21 : i32 to index
      %get3A_23 = tpu.vector_load %arg5[%get3A_22] {strides = array<i32>} : memref<256xi32, #tpu.memory_space<vmem>>, vector<16xi32>,
      %get3A_24 = vector.shape_cast %get3A_23 : vector<16xi32> to vector<16xi32>
      %slice3A = vector.extract_strided_slice %get3A_19 {offsets = [0], sizes = [1], strides = [1]} : vector<16xi32> to vector<1xi32>
      %squeeze3A = vector.extract %slice3A[0] : i32 from vector<1xi32>
      %shift_right_logical3A = arith.constant 7 : i32
      %shift_right_logical3A_25 = arith.shrui %squeeze3A, %shift_right_logical3A : i32
      %shift_left3A = arith.constant 7 : i32
      %shift_left3A_26 = arith.shli %shift_right_logical3A_25, %shift_left3A : i32
      %multiple_of3A_27 = tpu.assume_multiple %shift_left3A_26, 128 : i32
      %add3A_28 = arith.addi %mul3A_2, %multiple_of3A : i32
      %add3A_29 = arith.constant 0 : i32
      %add3A_30 = arith.addi %add3A_28, %add3A_29 : i32
      %multiple_of3A_31 = tpu.assume_multiple %add3A_30, 8 : i32
      %dma_start3A = arith.constant 0 : i32
      %dma_start3A_32 = arith.constant 0 : i32
      %dma_start3A_33 = arith.constant 0 : i32
      %dma_start3A_34 = tpu.memref_slice %arg6[%dma_start3A, %dma_start3A_32, %dma_start3A_33] : memref<32x8x128xf32, #tpu.memory_space<vmem>> -> memref<1x8x128xf32, #tpu.memory_space<vmem>>
      %dma_start3A_35 = tpu.memref_squeeze %dma_start3A_34 : memref<1x8x128xf32, #tpu.memory_space<vmem>> -> memref<8x128xf32, #tpu.memory_space<vmem>>
      %dma_start3A_36 = tpu.memref_slice %arg2[%multiple_of3A_31, %multiple_of3A_27] : memref<4096x16384xf32, #tpu.memory_space<hbm>> -> memref<8x128xf32, #tpu.memory_space<hbm>>
      %dma_start3A_37 = arith.constant 0 : i32
      %dma_start3A_38 = arith.constant 0 : i32
      %dma_start3A_39 = tpu.memref_slice %arg6[%dma_start3A, %dma_start3A_37, %dma_start3A_38] : memref<32x8x128xf32, #tpu.memory_space<vmem>> -> memref<1x8x128xf32, #tpu.memory_space<vmem>>
      %dma_start3A_40 = tpu.memref_squeeze %dma_start3A_39 : memref<1x8x128xf32, #tpu.memory_space<vmem>> -> memref<8x128xf32, #tpu.memory_space<vmem>>
      %dma_start3A_41 = tpu.memref_slice %arg2[%multiple_of3A_31, %multiple_of3A_27] : memref<4096x16384xf32, #tpu.memory_space<hbm>> -> memref<8x128xf32, #tpu.memory_space<hbm>>
      tpu.enqueue_dma source(%dma_start3A_41 : memref<8x128xf32, #tpu.memory_space<hbm>>) target(%dma_start3A_40 : memref<8x128xf32, #tpu.memory_space<vmem>>) target_semaphore(%arg8 : memref<!tpu.dma_semaphore, #tpu.memory_space<semaphore_mem>>)
      %slice3A_42 = vector.extract_strided_slice %get3A_19 {offsets = [1], sizes = [1], strides = [1]} : vector<16xi32> to vector<1xi32>
      %squeeze3A_43 = vector.extract %slice3A_42[0] : i32 from vector<1xi32>
      %shift_right_logical3A_44 = arith.constant 7 : i32
      %shift_right_logical3A_45 = arith.shrui %squeeze3A_43, %shift_right_logical3A_44 : i32
      %shift_left3A_46 = arith.constant 7 : i32
      %shift_left3A_47 = arith.shli %shift_right_logical3A_45, %shift_left3A_46 : i32
      %multiple_of3A_48 = tpu.assume_multiple %shift_left3A_47, 128 : i32
      %add3A_49 = arith.addi %mul3A_2, %multiple_of3A : i32
      %add3A_50 = arith.constant 0 : i32
      %add3A_51 = arith.addi %add3A_49, %add3A_50 : i32
      %multiple_of3A_52 = tpu.assume_multiple %add3A_51, 8 : i32
      %dma_start3A_53 = arith.constant 1 : i32
      %dma_start3A_54 = arith.constant 0 : i32
      %dma_start3A_55 = arith.constant 0 : i32
      %dma_start3A_56 = tpu.memref_slice %arg6[%dma_start3A_53, %dma_start3A_54, %dma_start3A_55] : memref<32x8x128xf32, #tpu.memory_space<vmem>> -> memref<1x8x128xf32, #tpu.memory_space<vmem>>
      %dma_start3A_57 = tpu.memref_squeeze %dma_start3A_56 : memref<1x8x128xf32, #tpu.memory_space<vmem>> -> memref<8x128xf32, #tpu.memory_space<vmem>>
      %dma_start3A_58 = tpu.memref_slice %arg2[%multiple_of3A_52, %multiple_of3A_48] : memref<4096x16384xf32, #tpu.memory_space<hbm>> -> memref<8x128xf32, #tpu.memory_space<hbm>>
      %dma_start3A_59 = arith.constant 0 : i32
      %dma_start3A_60 = arith.constant 0 : i32
      %dma_start3A_61 = tpu.memref_slice %arg6[%dma_start3A_53, %dma_start3A_59, %dma_start3A_60] : memref<32x8x128xf32, #tpu.memory_space<vmem>> -> memref<1x8x128xf32, #tpu.memory_space<vmem>>
      %dma_start3A_62 = tpu.memref_squeeze %dma_start3A_61 : memref<1x8x128xf32, #tpu.memory_space<vmem>> -> memref<8x128xf32, #tpu.memory_space<vmem>>
      %dma_start3A_63 = tpu.memref_slice %arg2[%multiple_of3A_52, %multiple_of3A_48] : memref<4096x16384xf32, #tpu.memory_space<hbm>> -> memref<8x128xf32, #tpu.memory_space<hbm>>
      tpu.enqueue_dma source(%dma_start3A_63 : memref<8x128xf32, #tpu.memory_space<hbm>>) target(%dma_start3A_62 : memref<8x128xf32, #tpu.memory_space<vmem>>) target_semaphore(%arg8 : memref<!tpu.dma_semaphore, #tpu.memory_space<semaphore_mem>>)
      %slice3A_64 = vector.extract_strided_slice %get3A_19 {offsets = [2], sizes = [1], strides = [1]} : vector<16xi32> to vector<1xi32>
      %squeeze3A_65 = vector.extract %slice3A_64[0] : i32 from vector<1xi32>
      %shift_right_logical3A_66 = arith.constant 7 : i32
      %shift_right_logical3A_67 = arith.shrui %squeeze3A_65, %shift_right_logical3A_66 : i32
      %shift_left3A_68 = arith.constant 7 : i32
      %shift_left3A_69 = arith.shli %shift_right_logical3A_67, %shift_left3A_68 : i32
      %multiple_of3A_70 = tpu.assume_multiple %shift_left3A_69, 128 : i32
      %add3A_71 = arith.addi %mul3A_2, %multiple_of3A : i32
      %add3A_72 = arith.constant 0 : i32
      %add3A_73 = arith.addi %add3A_71, %add3A_72 : i32
      %multiple_of3A_74 = tpu.assume_multiple %add3A_73, 8 : i32
      %dma_start3A_75 = arith.constant 2 : i32
      %dma_start3A_76 = arith.constant 0 : i32
      %dma_start3A_77 = arith.constant 0 : i32
      %dma_start3A_78 = tpu.memref_slice %arg6[%dma_start3A_75, %dma_start3A_76, %dma_start3A_77] : memref<32x8x128xf32, #tpu.memory_space<vmem>> -> memref<1x8x128xf32, #tpu.memory_space<vmem>>
      %dma_start3A_79 = tpu.memref_squeeze %dma_start3A_78 : memref<1x8x128xf32, #tpu.memory_space<vmem>> -> memref<8x128xf32, #tpu.memory_space<vmem>>
      %dma_start3A_80 = tpu.memref_slice %arg2[%multiple_of3A_74, %multiple_of3A_70] : memref<4096x16384xf32, #tpu.memory_space<hbm>> -> memref<8x128xf32, #tpu.memory_space<hbm>>
      %dma_start3A_81 = arith.constant 0 : i32
      %dma_start3A_82 = arith.constant 0 : i32
      %dma_start3A_83 = tpu.memref_slice %arg6[%dma_start3A_75, %dma_start3A_81, %dma_start3A_82] : memref<32x8x128xf32, #tpu.memory_space<vmem>> -> memref<1x8x128xf32, #tpu.memory_space<vmem>>
      %dma_start3A_84 = tpu.memref_squeeze %dma_start3A_83 : memref<1x8x128xf32, #tpu.memory_space<vmem>> -> memref<8x128xf32, #tpu.memory_space<vmem>>
      %dma_start3A_85 = tpu.memref_slice %arg2[%multiple_of3A_74, %multiple_of3A_70] : memref<4096x16384xf32, #tpu.memory_space<hbm>> -> memref<8x128xf32, #tpu.memory_space<hbm>>
      tpu.enqueue_dma source(%dma_start3A_85 : memref<8x128xf32, #tpu.memory_space<hbm>>) target(%dma_start3A_84 : memref<8x128xf32, #tpu.memory_space<vmem>>) target_semaphore(%arg8 : memref<!tpu.dma_semaphore, #tpu.memory_space<semaphore_mem>>)
      %slice3A_86 = vector.extract_strided_slice %get3A_19 {offsets = [3], sizes = [1], strides = [1]} : vector<16xi32> to vector<1xi32>
      %squeeze3A_87 = vector.extract %slice3A_86[0] : i32 from vector<1xi32>
      %shift_right_logical3A_88 = arith.constant 7 : i32
      %shift_right_logical3A_89 = arith.shrui %squeeze3A_87, %shift_right_logical3A_88 : i32
      %shift_left3A_90 = arith.constant 7 : i32
      %shift_left3A_91 = arith.shli %shift_right_logical3A_89, %shift_left3A_90 : i32
      %multiple_of3A_92 = tpu.assume_multiple %shift_left3A_91, 128 : i32
      %add3A_93 = arith.addi %mul3A_2, %multiple_of3A : i32
      %add3A_94 = arith.constant 0 : i32
      %add3A_95 = arith.addi %add3A_93, %add3A_94 : i32
      %multiple_of3A_96 = tpu.assume_multiple %add3A_95, 8 : i32
      %dma_start3A_97 = arith.constant 3 : i32
      %dma_start3A_98 = arith.constant 0 : i32
      %dma_start3A_99 = arith.constant 0 : i32
      %dma_start3A_100 = tpu.memref_slice %arg6[%dma_start3A_97, %dma_start3A_98, %dma_start3A_99] : memref<32x8x128xf32, #tpu.memory_space<vmem>> -> memref<1x8x128xf32, #tpu.memory_space<vmem>>
      %dma_start3A_101 = tpu.memref_squeeze %dma_start3A_100 : memref<1x8x128xf32, #tpu.memory_space<vmem>> -> memref<8x128xf32, #tpu.memory_space<vmem>>
      %dma_start3A_102 = tpu.memref_slice %arg2[%multiple_of3A_96, %multiple_of3A_92] : memref<4096x16384xf32, #tpu.memory_space<hbm>> -> memref<8x128xf32, #tpu.memory_space<hbm>>
      %dma_start3A_103 = arith.constant 0 : i32
      %dma_start3A_104 = arith.constant 0 : i32
      %dma_start3A_105 = tpu.memref_slice %arg6[%dma_start3A_97, %dma_start3A_103, %dma_start3A_104] : memref<32x8x128xf32, #tpu.memory_space<vmem>> -> memref<1x8x128xf32, #tpu.memory_space<vmem>>
      %dma_start3A_106 = tpu.memref_squeeze %dma_start3A_105 : memref<1x8x128xf32, #tpu.memory_space<vmem>> -> memref<8x128xf32, #tpu.memory_space<vmem>>
      %dma_start3A_107 = tpu.memref_slice %arg2[%multiple_of3A_96, %multiple_of3A_92] : memref<4096x16384xf32, #tpu.memory_space<hbm>> -> memref<8x128xf32, #tpu.memory_space<hbm>>
      tpu.enqueue_dma source(%dma_start3A_107 : memref<8x128xf32, #tpu.memory_space<hbm>>) target(%dma_start3A_106 : memref<8x128xf32, #tpu.memory_space<vmem>>) target_semaphore(%arg8 : memref<!tpu.dma_semaphore, #tpu.memory_space<semaphore_mem>>)
      %slice3A_108 = vector.extract_strided_slice %get3A_19 {offsets = [4], sizes = [1], strides = [1]} : vector<16xi32> to vector<1xi32>
      %squeeze3A_109 = vector.extract %slice3A_108[0] : i32 from vector<1xi32>
      %shift_right_logical3A_110 = arith.constant 7 : i32
      %shift_right_logical3A_111 = arith.shrui %squeeze3A_109, %shift_right_logical3A_110 : i32
      %shift_left3A_112 = arith.constant 7 : i32
      %shift_left3A_113 = arith.shli %shift_right_logical3A_111, %shift_left3A_112 : i32
      %multiple_of3A_114 = tpu.assume_multiple %shift_left3A_113, 128 : i32
      %add3A_115 = arith.addi %mul3A_2, %multiple_of3A : i32
      %add3A_116 = arith.constant 0 : i32
      %add3A_117 = arith.addi %add3A_115, %add3A_116 : i32
      %multiple_of3A_118 = tpu.assume_multiple %add3A_117, 8 : i32
      %dma_start3A_119 = arith.constant 4 : i32
      %dma_start3A_120 = arith.constant 0 : i32
      %dma_start3A_121 = arith.constant 0 : i32
      %dma_start3A_122 = tpu.memref_slice %arg6[%dma_start3A_119, %dma_start3A_120, %dma_start3A_121] : memref<32x8x128xf32, #tpu.memory_space<vmem>> -> memref<1x8x128xf32, #tpu.memory_space<vmem>>
      %dma_start3A_123 = tpu.memref_squeeze %dma_start3A_122 : memref<1x8x128xf32, #tpu.memory_space<vmem>> -> memref<8x128xf32, #tpu.memory_space<vmem>>
      %dma_start3A_124 = tpu.memref_slice %arg2[%multiple_of3A_118, %multiple_of3A_114] : memref<4096x16384xf32, #tpu.memory_space<hbm>> -> memref<8x128xf32, #tpu.memory_space<hbm>>
      %dma_start3A_125 = arith.constant 0 : i32
      %dma_start3A_126 = arith.constant 0 : i32
      %dma_start3A_127 = tpu.memref_slice %arg6[%dma_start3A_119, %dma_start3A_125, %dma_start3A_126] : memref<32x8x128xf32, #tpu.memory_space<vmem>> -> memref<1x8x128xf32, #tpu.memory_space<vmem>>
      %dma_start3A_128 = tpu.memref_squeeze %dma_start3A_127 : memref<1x8x128xf32, #tpu.memory_space<vmem>> -> memref<8x128xf32, #tpu.memory_space<vmem>>
      %dma_start3A_129 = tpu.memref_slice %arg2[%multiple_of3A_118, %multiple_of3A_114] : memref<4096x16384xf32, #tpu.memory_space<hbm>> -> memref<8x128xf32, #tpu.memory_space<hbm>>
      tpu.enqueue_dma source(%dma_start3A_129 : memref<8x128xf32, #tpu.memory_space<hbm>>) target(%dma_start3A_128 : memref<8x128xf32, #tpu.memory_space<vmem>>) target_semaphore(%arg8 : memref<!tpu.dma_semaphore, #tpu.memory_space<semaphore_mem>>)
      %slice3A_130 = vector.extract_strided_slice %get3A_19 {offsets = [5], sizes = [1], strides = [1]} : vector<16xi32> to vector<1xi32>
      %squeeze3A_131 = vector.extract %slice3A_130[0] : i32 from vector<1xi32>
      %shift_right_logical3A_132 = arith.constant 7 : i32
      %shift_right_logical3A_133 = arith.shrui %squeeze3A_131, %shift_right_logical3A_132 : i32
      %shift_left3A_134 = arith.constant 7 : i32
      %shift_left3A_135 = arith.shli %shift_right_logical3A_133, %shift_left3A_134 : i32
      %multiple_of3A_136 = tpu.assume_multiple %shift_left3A_135, 128 : i32
      %add3A_137 = arith.addi %mul3A_2, %multiple_of3A : i32
      %add3A_138 = arith.constant 0 : i32
      %add3A_139 = arith.addi %add3A_137, %add3A_138 : i32
      %multiple_of3A_140 = tpu.assume_multiple %add3A_139, 8 : i32
      %dma_start3A_141 = arith.constant 5 : i32
      %dma_start3A_142 = arith.constant 0 : i32
      %dma_start3A_143 = arith.constant 0 : i32
      %dma_start3A_144 = tpu.memref_slice %arg6[%dma_start3A_141, %dma_start3A_142, %dma_start3A_143] : memref<32x8x128xf32, #tpu.memory_space<vmem>> -> memref<1x8x128xf32, #tpu.memory_space<vmem>>
      %dma_start3A_145 = tpu.memref_squeeze %dma_start3A_144 : memref<1x8x128xf32, #tpu.memory_space<vmem>> -> memref<8x128xf32, #tpu.memory_space<vmem>>
      %dma_start3A_146 = tpu.memref_slice %arg2[%multiple_of3A_140, %multiple_of3A_136] : memref<4096x16384xf32, #tpu.memory_space<hbm>> -> memref<8x128xf32, #tpu.memory_space<hbm>>
      %dma_start3A_147 = arith.constant 0 : i32
      %dma_start3A_148 = arith.constant 0 : i32
      %dma_start3A_149 = tpu.memref_slice %arg6[%dma_start3A_141, %dma_start3A_147, %dma_start3A_148] : memref<32x8x128xf32, #tpu.memory_space<vmem>> -> memref<1x8x128xf32, #tpu.memory_space<vmem>>
      %dma_start3A_150 = tpu.memref_squeeze %dma_start3A_149 : memref<1x8x128xf32, #tpu.memory_space<vmem>> -> memref<8x128xf32, #tpu.memory_space<vmem>>
      %dma_start3A_151 = tpu.memref_slice %arg2[%multiple_of3A_140, %multiple_of3A_136] : memref<4096x16384xf32, #tpu.memory_space<hbm>> -> memref<8x128xf32, #tpu.memory_space<hbm>>
      tpu.enqueue_dma source(%dma_start3A_151 : memref<8x128xf32, #tpu.memory_space<hbm>>) target(%dma_start3A_150 : memref<8x128xf32, #tpu.memory_space<vmem>>) target_semaphore(%arg8 : memref<!tpu.dma_semaphore, #tpu.memory_space<semaphore_mem>>)
      %slice3A_152 = vector.extract_strided_slice %get3A_19 {offsets = [6], sizes = [1], strides = [1]} : vector<16xi32> to vector<1xi32>
      %squeeze3A_153 = vector.extract %slice3A_152[0] : i32 from vector<1xi32>
      %shift_right_logical3A_154 = arith.constant 7 : i32
      %shift_right_logical3A_155 = arith.shrui %squeeze3A_153, %shift_right_logical3A_154 : i32
      %shift_left3A_156 = arith.constant 7 : i32
      %shift_left3A_157 = arith.shli %shift_right_logical3A_155, %shift_left3A_156 : i32
      %multiple_of3A_158 = tpu.assume_multiple %shift_left3A_157, 128 : i32
      %add3A_159 = arith.addi %mul3A_2, %multiple_of3A : i32
      %add3A_160 = arith.constant 0 : i32
      %add3A_161 = arith.addi %add3A_159, %add3A_160 : i32
      %multiple_of3A_162 = tpu.assume_multiple %add3A_161, 8 : i32
      %dma_start3A_163 = arith.constant 6 : i32
      %dma_start3A_164 = arith.constant 0 : i32
      %dma_start3A_165 = arith.constant 0 : i32
      %dma_start3A_166 = tpu.memref_slice %arg6[%dma_start3A_163, %dma_start3A_164, %dma_start3A_165] : memref<32x8x128xf32, #tpu.memory_space<vmem>> -> memref<1x8x128xf32, #tpu.memory_space<vmem>>
      %dma_start3A_167 = tpu.memref_squeeze %dma_start3A_166 : memref<1x8x128xf32, #tpu.memory_space<vmem>> -> memref<8x128xf32, #tpu.memory_space<vmem>>
      %dma_start3A_168 = tpu.memref_slice %arg2[%multiple_of3A_162, %multiple_of3A_158] : memref<4096x16384xf32, #tpu.memory_space<hbm>> -> memref<8x128xf32, #tpu.memory_space<hbm>>
      %dma_start3A_169 = arith.constant 0 : i32
      %dma_start3A_170 = arith.constant 0 : i32
      %dma_start3A_171 = tpu.memref_slice %arg6[%dma_start3A_163, %dma_start3A_169, %dma_start3A_170] : memref<32x8x128xf32, #tpu.memory_space<vmem>> -> memref<1x8x128xf32, #tpu.memory_space<vmem>>
      %dma_start3A_172 = tpu.memref_squeeze %dma_start3A_171 : memref<1x8x128xf32, #tpu.memory_space<vmem>> -> memref<8x128xf32, #tpu.memory_space<vmem>>
      %dma_start3A_173 = tpu.memref_slice %arg2[%multiple_of3A_162, %multiple_of3A_158] : memref<4096x16384xf32, #tpu.memory_space<hbm>> -> memref<8x128xf32, #tpu.memory_space<hbm>>
      tpu.enqueue_dma source(%dma_start3A_173 : memref<8x128xf32, #tpu.memory_space<hbm>>) target(%dma_start3A_172 : memref<8x128xf32, #tpu.memory_space<vmem>>) target_semaphore(%arg8 : memref<!tpu.dma_semaphore, #tpu.memory_space<semaphore_mem>>)
      %slice3A_174 = vector.extract_strided_slice %get3A_19 {offsets = [7], sizes = [1], strides = [1]} : vector<16xi32> to vector<1xi32>
      %squeeze3A_175 = vector.extract %slice3A_174[0] : i32 from vector<1xi32>
      %shift_right_logical3A_176 = arith.constant 7 : i32
      %shift_right_logical3A_177 = arith.shrui %squeeze3A_175, %shift_right_logical3A_176 : i32
      %shift_left3A_178 = arith.constant 7 : i32
      %shift_left3A_179 = arith.shli %shift_right_logical3A_177, %shift_left3A_178 : i32
      %multiple_of3A_180 = tpu.assume_multiple %shift_left3A_179, 128 : i32
      %add3A_181 = arith.addi %mul3A_2, %multiple_of3A : i32
      %add3A_182 = arith.constant 0 : i32
      %add3A_183 = arith.addi %add3A_181, %add3A_182 : i32
      %multiple_of3A_184 = tpu.assume_multiple %add3A_183, 8 : i32
      %dma_start3A_185 = arith.constant 7 : i32
      %dma_start3A_186 = arith.constant 0 : i32
      %dma_start3A_187 = arith.constant 0 : i32
      %dma_start3A_188 = tpu.memref_slice %arg6[%dma_start3A_185, %dma_start3A_186, %dma_start3A_187] : memref<32x8x128xf32, #tpu.memory_space<vmem>> -> memref<1x8x128xf32, #tpu.memory_space<vmem>>
      %dma_start3A_189 = tpu.memref_squeeze %dma_start3A_188 : memref<1x8x128xf32, #tpu.memory_space<vmem>> -> memref<8x128xf32, #tpu.memory_space<vmem>>
      %dma_start3A_190 = tpu.memref_slice %arg2[%multiple_of3A_184, %multiple_of3A_180] : memref<4096x16384xf32, #tpu.memory_space<hbm>> -> memref<8x128xf32, #tpu.memory_space<hbm>>
      %dma_start3A_191 = arith.constant 0 : i32
      %dma_start3A_192 = arith.constant 0 : i32
      %dma_start3A_193 = tpu.memref_slice %arg6[%dma_start3A_185, %dma_start3A_191, %dma_start3A_192] : memref<32x8x128xf32, #tpu.memory_space<vmem>> -> memref<1x8x128xf32, #tpu.memory_space<vmem>>
      %dma_start3A_194 = tpu.memref_squeeze %dma_start3A_193 : memref<1x8x128xf32, #tpu.memory_space<vmem>> -> memref<8x128xf32, #tpu.memory_space<vmem>>
      %dma_start3A_195 = tpu.memref_slice %arg2[%multiple_of3A_184, %multiple_of3A_180] : memref<4096x16384xf32, #tpu.memory_space<hbm>> -> memref<8x128xf32, #tpu.memory_space<hbm>>
      tpu.enqueue_dma source(%dma_start3A_195 : memref<8x128xf32, #tpu.memory_space<hbm>>) target(%dma_start3A_194 : memref<8x128xf32, #tpu.memory_space<vmem>>) target_semaphore(%arg8 : memref<!tpu.dma_semaphore, #tpu.memory_space<semaphore_mem>>)
      %slice3A_196 = vector.extract_strided_slice %get3A_19 {offsets = [8], sizes = [1], strides = [1]} : vector<16xi32> to vector<1xi32>
      %squeeze3A_197 = vector.extract %slice3A_196[0] : i32 from vector<1xi32>
      %shift_right_logical3A_198 = arith.constant 7 : i32
      %shift_right_logical3A_199 = arith.shrui %squeeze3A_197, %shift_right_logical3A_198 : i32
      %shift_left3A_200 = arith.constant 7 : i32
      %shift_left3A_201 = arith.shli %shift_right_logical3A_199, %shift_left3A_200 : i32
      %multiple_of3A_202 = tpu.assume_multiple %shift_left3A_201, 128 : i32
      %add3A_203 = arith.addi %mul3A_2, %multiple_of3A : i32
      %add3A_204 = arith.constant 8 : i32
      %add3A_205 = arith.addi %add3A_203, %add3A_204 : i32
      %multiple_of3A_206 = tpu.assume_multiple %add3A_205, 8 : i32
      %dma_start3A_207 = arith.constant 8 : i32
      %dma_start3A_208 = arith.constant 0 : i32
      %dma_start3A_209 = arith.constant 0 : i32
      %dma_start3A_210 = tpu.memref_slice %arg6[%dma_start3A_207, %dma_start3A_208, %dma_start3A_209] : memref<32x8x128xf32, #tpu.memory_space<vmem>> -> memref<1x8x128xf32, #tpu.memory_space<vmem>>
      %dma_start3A_211 = tpu.memref_squeeze %dma_start3A_210 : memref<1x8x128xf32, #tpu.memory_space<vmem>> -> memref<8x128xf32, #tpu.memory_space<vmem>>
      %dma_start3A_212 = tpu.memref_slice %arg2[%multiple_of3A_206, %multiple_of3A_202] : memref<4096x16384xf32, #tpu.memory_space<hbm>> -> memref<8x128xf32, #tpu.memory_space<hbm>>
      %dma_start3A_213 = arith.constant 0 : i32
      %dma_start3A_214 = arith.constant 0 : i32
      %dma_start3A_215 = tpu.memref_slice %arg6[%dma_start3A_207, %dma_start3A_213, %dma_start3A_214] : memref<32x8x128xf32, #tpu.memory_space<vmem>> -> memref<1x8x128xf32, #tpu.memory_space<vmem>>
      %dma_start3A_216 = tpu.memref_squeeze %dma_start3A_215 : memref<1x8x128xf32, #tpu.memory_space<vmem>> -> memref<8x128xf32, #tpu.memory_space<vmem>>
      %dma_start3A_217 = tpu.memref_slice %arg2[%multiple_of3A_206, %multiple_of3A_202] : memref<4096x16384xf32, #tpu.memory_space<hbm>> -> memref<8x128xf32, #tpu.memory_space<hbm>>
      tpu.enqueue_dma source(%dma_start3A_217 : memref<8x128xf32, #tpu.memory_space<hbm>>) target(%dma_start3A_216 : memref<8x128xf32, #tpu.memory_space<vmem>>) target_semaphore(%arg8 : memref<!tpu.dma_semaphore, #tpu.memory_space<semaphore_mem>>)
      %slice3A_218 = vector.extract_strided_slice %get3A_19 {offsets = [9], sizes = [1], strides = [1]} : vector<16xi32> to vector<1xi32>
      %squeeze3A_219 = vector.extract %slice3A_218[0] : i32 from vector<1xi32>
      %shift_right_logical3A_220 = arith.constant 7 : i32
      %shift_right_logical3A_221 = arith.shrui %squeeze3A_219, %shift_right_logical3A_220 : i32
      %shift_left3A_222 = arith.constant 7 : i32
      %shift_left3A_223 = arith.shli %shift_right_logical3A_221, %shift_left3A_222 : i32
      %multiple_of3A_224 = tpu.assume_multiple %shift_left3A_223, 128 : i32
      %add3A_225 = arith.addi %mul3A_2, %multiple_of3A : i32
      %add3A_226 = arith.constant 8 : i32
      %add3A_227 = arith.addi %add3A_225, %add3A_226 : i32
      %multiple_of3A_228 = tpu.assume_multiple %add3A_227, 8 : i32
      %dma_start3A_229 = arith.constant 9 : i32
      %dma_start3A_230 = arith.constant 0 : i32
      %dma_start3A_231 = arith.constant 0 : i32
      %dma_start3A_232 = tpu.memref_slice %arg6[%dma_start3A_229, %dma_start3A_230, %dma_start3A_231] : memref<32x8x128xf32, #tpu.memory_space<vmem>> -> memref<1x8x128xf32, #tpu.memory_space<vmem>>
      %dma_start3A_233 = tpu.memref_squeeze %dma_start3A_232 : memref<1x8x128xf32, #tpu.memory_space<vmem>> -> memref<8x128xf32, #tpu.memory_space<vmem>>
      %dma_start3A_234 = tpu.memref_slice %arg2[%multiple_of3A_228, %multiple_of3A_224] : memref<4096x16384xf32, #tpu.memory_space<hbm>> -> memref<8x128xf32, #tpu.memory_space<hbm>>
      %dma_start3A_235 = arith.constant 0 : i32
      %dma_start3A_236 = arith.constant 0 : i32
      %dma_start3A_237 = tpu.memref_slice %arg6[%dma_start3A_229, %dma_start3A_235, %dma_start3A_236] : memref<32x8x128xf32, #tpu.memory_space<vmem>> -> memref<1x8x128xf32, #tpu.memory_space<vmem>>
      %dma_start3A_238 = tpu.memref_squeeze %dma_start3A_237 : memref<1x8x128xf32, #tpu.memory_space<vmem>> -> memref<8x128xf32, #tpu.memory_space<vmem>>
      %dma_start3A_239 = tpu.memref_slice %arg2[%multiple_of3A_228, %multiple_of3A_224] : memref<4096x16384xf32, #tpu.memory_space<hbm>> -> memref<8x128xf32, #tpu.memory_space<hbm>>
      tpu.enqueue_dma source(%dma_start3A_239 : memref<8x128xf32, #tpu.memory_space<hbm>>) target(%dma_start3A_238 : memref<8x128xf32, #tpu.memory_space<vmem>>) target_semaphore(%arg8 : memref<!tpu.dma_semaphore, #tpu.memory_space<semaphore_mem>>)
      %slice3A_240 = vector.extract_strided_slice %get3A_19 {offsets = [10], sizes = [1], strides = [1]} : vector<16xi32> to vector<1xi32>
      %squeeze3A_241 = vector.extract %slice3A_240[0] : i32 from vector<1xi32>
      %shift_right_logical3A_242 = arith.constant 7 : i32
      %shift_right_logical3A_243 = arith.shrui %squeeze3A_241, %shift_right_logical3A_242 : i32
      %shift_left3A_244 = arith.constant 7 : i32
      %shift_left3A_245 = arith.shli %shift_right_logical3A_243, %shift_left3A_244 : i32
      %multiple_of3A_246 = tpu.assume_multiple %shift_left3A_245, 128 : i32
      %add3A_247 = arith.addi %mul3A_2, %multiple_of3A : i32
      %add3A_248 = arith.constant 8 : i32
      %add3A_249 = arith.addi %add3A_247, %add3A_248 : i32
      %multiple_of3A_250 = tpu.assume_multiple %add3A_249, 8 : i32
      %dma_start3A_251 = arith.constant 10 : i32
      %dma_start3A_252 = arith.constant 0 : i32
      %dma_start3A_253 = arith.constant 0 : i32
      %dma_start3A_254 = tpu.memref_slice %arg6[%dma_start3A_251, %dma_start3A_252, %dma_start3A_253] : memref<32x8x128xf32, #tpu.memory_space<vmem>> -> memref<1x8x128xf32, #tpu.memory_space<vmem>>
      %dma_start3A_255 = tpu.memref_squeeze %dma_start3A_254 : memref<1x8x128xf32, #tpu.memory_space<vmem>> -> memref<8x128xf32, #tpu.memory_space<vmem>>
      %dma_start3A_256 = tpu.memref_slice %arg2[%multiple_of3A_250, %multiple_of3A_246] : memref<4096x16384xf32, #tpu.memory_space<hbm>> -> memref<8x128xf32, #tpu.memory_space<hbm>>
      %dma_start3A_257 = arith.constant 0 : i32
      %dma_start3A_258 = arith.constant 0 : i32
      %dma_start3A_259 = tpu.memref_slice %arg6[%dma_start3A_251, %dma_start3A_257, %dma_start3A_258] : memref<32x8x128xf32, #tpu.memory_space<vmem>> -> memref<1x8x128xf32, #tpu.memory_space<vmem>>
      %dma_start3A_260 = tpu.memref_squeeze %dma_start3A_259 : memref<1x8x128xf32, #tpu.memory_space<vmem>> -> memref<8x128xf32, #tpu.memory_space<vmem>>
      %dma_start3A_261 = tpu.memref_slice %arg2[%multiple_of3A_250, %multiple_of3A_246] : memref<4096x16384xf32, #tpu.memory_space<hbm>> -> memref<8x128xf32, #tpu.memory_space<hbm>>
      tpu.enqueue_dma source(%dma_start3A_261 : memref<8x128xf32, #tpu.memory_space<hbm>>) target(%dma_start3A_260 : memref<8x128xf32, #tpu.memory_space<vmem>>) target_semaphore(%arg8 : memref<!tpu.dma_semaphore, #tpu.memory_space<semaphore_mem>>)
      %slice3A_262 = vector.extract_strided_slice %get3A_19 {offsets = [11], sizes = [1], strides = [1]} : vector<16xi32> to vector<1xi32>
      %squeeze3A_263 = vector.extract %slice3A_262[0] : i32 from vector<1xi32>
      %shift_right_logical3A_264 = arith.constant 7 : i32
      %shift_right_logical3A_265 = arith.shrui %squeeze3A_263, %shift_right_logical3A_264 : i32
      %shift_left3A_266 = arith.constant 7 : i32
      %shift_left3A_267 = arith.shli %shift_right_logical3A_265, %shift_left3A_266 : i32
      %multiple_of3A_268 = tpu.assume_multiple %shift_left3A_267, 128 : i32
      %add3A_269 = arith.addi %mul3A_2, %multiple_of3A : i32
      %add3A_270 = arith.constant 8 : i32
      %add3A_271 = arith.addi %add3A_269, %add3A_270 : i32
      %multiple_of3A_272 = tpu.assume_multiple %add3A_271, 8 : i32
      %dma_start3A_273 = arith.constant 11 : i32
      %dma_start3A_274 = arith.constant 0 : i32
      %dma_start3A_275 = arith.constant 0 : i32
      %dma_start3A_276 = tpu.memref_slice %arg6[%dma_start3A_273, %dma_start3A_274, %dma_start3A_275] : memref<32x8x128xf32, #tpu.memory_space<vmem>> -> memref<1x8x128xf32, #tpu.memory_space<vmem>>
      %dma_start3A_277 = tpu.memref_squeeze %dma_start3A_276 : memref<1x8x128xf32, #tpu.memory_space<vmem>> -> memref<8x128xf32, #tpu.memory_space<vmem>>
      %dma_start3A_278 = tpu.memref_slice %arg2[%multiple_of3A_272, %multiple_of3A_268] : memref<4096x16384xf32, #tpu.memory_space<hbm>> -> memref<8x128xf32, #tpu.memory_space<hbm>>
      %dma_start3A_279 = arith.constant 0 : i32
      %dma_start3A_280 = arith.constant 0 : i32
      %dma_start3A_281 = tpu.memref_slice %arg6[%dma_start3A_273, %dma_start3A_279, %dma_start3A_280] : memref<32x8x128xf32, #tpu.memory_space<vmem>> -> memref<1x8x128xf32, #tpu.memory_space<vmem>>
      %dma_start3A_282 = tpu.memref_squeeze %dma_start3A_281 : memref<1x8x128xf32, #tpu.memory_space<vmem>> -> memref<8x128xf32, #tpu.memory_space<vmem>>
      %dma_start3A_283 = tpu.memref_slice %arg2[%multiple_of3A_272, %multiple_of3A_268] : memref<4096x16384xf32, #tpu.memory_space<hbm>> -> memref<8x128xf32, #tpu.memory_space<hbm>>
      tpu.enqueue_dma source(%dma_start3A_283 : memref<8x128xf32, #tpu.memory_space<hbm>>) target(%dma_start3A_282 : memref<8x128xf32, #tpu.memory_space<vmem>>) target_semaphore(%arg8 : memref<!tpu.dma_semaphore, #tpu.memory_space<semaphore_mem>>)
      %slice3A_284 = vector.extract_strided_slice %get3A_19 {offsets = [12], sizes = [1], strides = [1]} : vector<16xi32> to vector<1xi32>
      %squeeze3A_285 = vector.extract %slice3A_284[0] : i32 from vector<1xi32>
      %shift_right_logical3A_286 = arith.constant 7 : i32
      %shift_right_logical3A_287 = arith.shrui %squeeze3A_285, %shift_right_logical3A_286 : i32
      %shift_left3A_288 = arith.constant 7 : i32
      %shift_left3A_289 = arith.shli %shift_right_logical3A_287, %shift_left3A_288 : i32
      %multiple_of3A_290 = tpu.assume_multiple %shift_left3A_289, 128 : i32
      %add3A_291 = arith.addi %mul3A_2, %multiple_of3A : i32
      %add3A_292 = arith.constant 8 : i32
      %add3A_293 = arith.addi %add3A_291, %add3A_292 : i32
      %multiple_of3A_294 = tpu.assume_multiple %add3A_293, 8 : i32
      %dma_start3A_295 = arith.constant 12 : i32
      %dma_start3A_296 = arith.constant 0 : i32
      %dma_start3A_297 = arith.constant 0 : i32
      %dma_start3A_298 = tpu.memref_slice %arg6[%dma_start3A_295, %dma_start3A_296, %dma_start3A_297] : memref<32x8x128xf32, #tpu.memory_space<vmem>> -> memref<1x8x128xf32, #tpu.memory_space<vmem>>
      %dma_start3A_299 = tpu.memref_squeeze %dma_start3A_298 : memref<1x8x128xf32, #tpu.memory_space<vmem>> -> memref<8x128xf32, #tpu.memory_space<vmem>>
      %dma_start3A_300 = tpu.memref_slice %arg2[%multiple_of3A_294, %multiple_of3A_290] : memref<4096x16384xf32, #tpu.memory_space<hbm>> -> memref<8x128xf32, #tpu.memory_space<hbm>>
      %dma_start3A_301 = arith.constant 0 : i32
      %dma_start3A_302 = arith.constant 0 : i32
      %dma_start3A_303 = tpu.memref_slice %arg6[%dma_start3A_295, %dma_start3A_301, %dma_start3A_302] : memref<32x8x128xf32, #tpu.memory_space<vmem>> -> memref<1x8x128xf32, #tpu.memory_space<vmem>>
      %dma_start3A_304 = tpu.memref_squeeze %dma_start3A_303 : memref<1x8x128xf32, #tpu.memory_space<vmem>> -> memref<8x128xf32, #tpu.memory_space<vmem>>
      %dma_start3A_305 = tpu.memref_slice %arg2[%multiple_of3A_294, %multiple_of3A_290] : memref<4096x16384xf32, #tpu.memory_space<hbm>> -> memref<8x128xf32, #tpu.memory_space<hbm>>
      tpu.enqueue_dma source(%dma_start3A_305 : memref<8x128xf32, #tpu.memory_space<hbm>>) target(%dma_start3A_304 : memref<8x128xf32, #tpu.memory_space<vmem>>) target_semaphore(%arg8 : memref<!tpu.dma_semaphore, #tpu.memory_space<semaphore_mem>>)
      %slice3A_306 = vector.extract_strided_slice %get3A_19 {offsets = [13], sizes = [1], strides = [1]} : vector<16xi32> to vector<1xi32>
      %squeeze3A_307 = vector.extract %slice3A_306[0] : i32 from vector<1xi32>
      %shift_right_logical3A_308 = arith.constant 7 : i32
      %shift_right_logical3A_309 = arith.shrui %squeeze3A_307, %shift_right_logical3A_308 : i32
      %shift_left3A_310 = arith.constant 7 : i32
      %shift_left3A_311 = arith.shli %shift_right_logical3A_309, %shift_left3A_310 : i32
      %multiple_of3A_312 = tpu.assume_multiple %shift_left3A_311, 128 : i32
      %add3A_313 = arith.addi %mul3A_2, %multiple_of3A : i32
      %add3A_314 = arith.constant 8 : i32
      %add3A_315 = arith.addi %add3A_313, %add3A_314 : i32
      %multiple_of3A_316 = tpu.assume_multiple %add3A_315, 8 : i32
      %dma_start3A_317 = arith.constant 13 : i32
      %dma_start3A_318 = arith.constant 0 : i32
      %dma_start3A_319 = arith.constant 0 : i32
      %dma_start3A_320 = tpu.memref_slice %arg6[%dma_start3A_317, %dma_start3A_318, %dma_start3A_319] : memref<32x8x128xf32, #tpu.memory_space<vmem>> -> memref<1x8x128xf32, #tpu.memory_space<vmem>>
      %dma_start3A_321 = tpu.memref_squeeze %dma_start3A_320 : memref<1x8x128xf32, #tpu.memory_space<vmem>> -> memref<8x128xf32, #tpu.memory_space<vmem>>
      %dma_start3A_322 = tpu.memref_slice %arg2[%multiple_of3A_316, %multiple_of3A_312] : memref<4096x16384xf32, #tpu.memory_space<hbm>> -> memref<8x128xf32, #tpu.memory_space<hbm>>
      %dma_start3A_323 = arith.constant 0 : i32
      %dma_start3A_324 = arith.constant 0 : i32
      %dma_start3A_325 = tpu.memref_slice %arg6[%dma_start3A_317, %dma_start3A_323, %dma_start3A_324] : memref<32x8x128xf32, #tpu.memory_space<vmem>> -> memref<1x8x128xf32, #tpu.memory_space<vmem>>
      %dma_start3A_326 = tpu.memref_squeeze %dma_start3A_325 : memref<1x8x128xf32, #tpu.memory_space<vmem>> -> memref<8x128xf32, #tpu.memory_space<vmem>>
      %dma_start3A_327 = tpu.memref_slice %arg2[%multiple_of3A_316, %multiple_of3A_312] : memref<4096x16384xf32, #tpu.memory_space<hbm>> -> memref<8x128xf32, #tpu.memory_space<hbm>>
      tpu.enqueue_dma source(%dma_start3A_327 : memref<8x128xf32, #tpu.memory_space<hbm>>) target(%dma_start3A_326 : memref<8x128xf32, #tpu.memory_space<vmem>>) target_semaphore(%arg8 : memref<!tpu.dma_semaphore, #tpu.memory_space<semaphore_mem>>)
      %slice3A_328 = vector.extract_strided_slice %get3A_19 {offsets = [14], sizes = [1], strides = [1]} : vector<16xi32> to vector<1xi32>
      %squeeze3A_329 = vector.extract %slice3A_328[0] : i32 from vector<1xi32>
      %shift_right_logical3A_330 = arith.constant 7 : i32
      %shift_right_logical3A_331 = arith.shrui %squeeze3A_329, %shift_right_logical3A_330 : i32
      %shift_left3A_332 = arith.constant 7 : i32
      %shift_left3A_333 = arith.shli %shift_right_logical3A_331, %shift_left3A_332 : i32
      %multiple_of3A_334 = tpu.assume_multiple %shift_left3A_333, 128 : i32
      %add3A_335 = arith.addi %mul3A_2, %multiple_of3A : i32
      %add3A_336 = arith.constant 8 : i32
      %add3A_337 = arith.addi %add3A_335, %add3A_336 : i32
      %multiple_of3A_338 = tpu.assume_multiple %add3A_337, 8 : i32
      %dma_start3A_339 = arith.constant 14 : i32
      %dma_start3A_340 = arith.constant 0 : i32
      %dma_start3A_341 = arith.constant 0 : i32
      %dma_start3A_342 = tpu.memref_slice %arg6[%dma_start3A_339, %dma_start3A_340, %dma_start3A_341] : memref<32x8x128xf32, #tpu.memory_space<vmem>> -> memref<1x8x128xf32, #tpu.memory_space<vmem>>
      %dma_start3A_343 = tpu.memref_squeeze %dma_start3A_342 : memref<1x8x128xf32, #tpu.memory_space<vmem>> -> memref<8x128xf32, #tpu.memory_space<vmem>>
      %dma_start3A_344 = tpu.memref_slice %arg2[%multiple_of3A_338, %multiple_of3A_334] : memref<4096x16384xf32, #tpu.memory_space<hbm>> -> memref<8x128xf32, #tpu.memory_space<hbm>>
      %dma_start3A_345 = arith.constant 0 : i32
      %dma_start3A_346 = arith.constant 0 : i32
      %dma_start3A_347 = tpu.memref_slice %arg6[%dma_start3A_339, %dma_start3A_345, %dma_start3A_346] : memref<32x8x128xf32, #tpu.memory_space<vmem>> -> memref<1x8x128xf32, #tpu.memory_space<vmem>>
      %dma_start3A_348 = tpu.memref_squeeze %dma_start3A_347 : memref<1x8x128xf32, #tpu.memory_space<vmem>> -> memref<8x128xf32, #tpu.memory_space<vmem>>
      %dma_start3A_349 = tpu.memref_slice %arg2[%multiple_of3A_338, %multiple_of3A_334] : memref<4096x16384xf32, #tpu.memory_space<hbm>> -> memref<8x128xf32, #tpu.memory_space<hbm>>
      tpu.enqueue_dma source(%dma_start3A_349 : memref<8x128xf32, #tpu.memory_space<hbm>>) target(%dma_start3A_348 : memref<8x128xf32, #tpu.memory_space<vmem>>) target_semaphore(%arg8 : memref<!tpu.dma_semaphore, #tpu.memory_space<semaphore_mem>>)
      %slice3A_350 = vector.extract_strided_slice %get3A_19 {offsets = [15], sizes = [1], strides = [1]} : vector<16xi32> to vector<1xi32>
      %squeeze3A_351 = vector.extract %slice3A_350[0] : i32 from vector<1xi32>
      %shift_right_logical3A_352 = arith.constant 7 : i32
      %shift_right_logical3A_353 = arith.shrui %squeeze3A_351, %shift_right_logical3A_352 : i32
      %shift_left3A_354 = arith.constant 7 : i32
      %shift_left3A_355 = arith.shli %shift_right_logical3A_353, %shift_left3A_354 : i32
      %multiple_of3A_356 = tpu.assume_multiple %shift_left3A_355, 128 : i32
      %add3A_357 = arith.addi %mul3A_2, %multiple_of3A : i32
      %add3A_358 = arith.constant 8 : i32
      %add3A_359 = arith.addi %add3A_357, %add3A_358 : i32
      %multiple_of3A_360 = tpu.assume_multiple %add3A_359, 8 : i32
      %dma_start3A_361 = arith.constant 15 : i32
      %dma_start3A_362 = arith.constant 0 : i32
      %dma_start3A_363 = arith.constant 0 : i32
      %dma_start3A_364 = tpu.memref_slice %arg6[%dma_start3A_361, %dma_start3A_362, %dma_start3A_363] : memref<32x8x128xf32, #tpu.memory_space<vmem>> -> memref<1x8x128xf32, #tpu.memory_space<vmem>>
      %dma_start3A_365 = tpu.memref_squeeze %dma_start3A_364 : memref<1x8x128xf32, #tpu.memory_space<vmem>> -> memref<8x128xf32, #tpu.memory_space<vmem>>
      %dma_start3A_366 = tpu.memref_slice %arg2[%multiple_of3A_360, %multiple_of3A_356] : memref<4096x16384xf32, #tpu.memory_space<hbm>> -> memref<8x128xf32, #tpu.memory_space<hbm>>
      %dma_start3A_367 = arith.constant 0 : i32
      %dma_start3A_368 = arith.constant 0 : i32
      %dma_start3A_369 = tpu.memref_slice %arg6[%dma_start3A_361, %dma_start3A_367, %dma_start3A_368] : memref<32x8x128xf32, #tpu.memory_space<vmem>> -> memref<1x8x128xf32, #tpu.memory_space<vmem>>
      %dma_start3A_370 = tpu.memref_squeeze %dma_start3A_369 : memref<1x8x128xf32, #tpu.memory_space<vmem>> -> memref<8x128xf32, #tpu.memory_space<vmem>>
      %dma_start3A_371 = tpu.memref_slice %arg2[%multiple_of3A_360, %multiple_of3A_356] : memref<4096x16384xf32, #tpu.memory_space<hbm>> -> memref<8x128xf32, #tpu.memory_space<hbm>>
      tpu.enqueue_dma source(%dma_start3A_371 : memref<8x128xf32, #tpu.memory_space<hbm>>) target(%dma_start3A_370 : memref<8x128xf32, #tpu.memory_space<vmem>>) target_semaphore(%arg8 : memref<!tpu.dma_semaphore, #tpu.memory_space<semaphore_mem>>)
      %slice3A_372 = vector.extract_strided_slice %get3A_24 {offsets = [0], sizes = [1], strides = [1]} : vector<16xi32> to vector<1xi32>
      %squeeze3A_373 = vector.extract %slice3A_372[0] : i32 from vector<1xi32>
      %shift_right_logical3A_374 = arith.constant 7 : i32
      %shift_right_logical3A_375 = arith.shrui %squeeze3A_373, %shift_right_logical3A_374 : i32
      %shift_left3A_376 = arith.constant 7 : i32
      %shift_left3A_377 = arith.shli %shift_right_logical3A_375, %shift_left3A_376 : i32
      %multiple_of3A_378 = tpu.assume_multiple %shift_left3A_377, 128 : i32
      %add3A_379 = arith.addi %mul3A_2, %multiple_of3A : i32
      %add3A_380 = arith.constant 16 : i32
      %add3A_381 = arith.addi %add3A_379, %add3A_380 : i32
      %multiple_of3A_382 = tpu.assume_multiple %add3A_381, 8 : i32
      %dma_start3A_383 = arith.constant 16 : i32
      %dma_start3A_384 = arith.constant 0 : i32
      %dma_start3A_385 = arith.constant 0 : i32
      %dma_start3A_386 = tpu.memref_slice %arg6[%dma_start3A_383, %dma_start3A_384, %dma_start3A_385] : memref<32x8x128xf32, #tpu.memory_space<vmem>> -> memref<1x8x128xf32, #tpu.memory_space<vmem>>
      %dma_start3A_387 = tpu.memref_squeeze %dma_start3A_386 : memref<1x8x128xf32, #tpu.memory_space<vmem>> -> memref<8x128xf32, #tpu.memory_space<vmem>>
      %dma_start3A_388 = tpu.memref_slice %arg2[%multiple_of3A_382, %multiple_of3A_378] : memref<4096x16384xf32, #tpu.memory_space<hbm>> -> memref<8x128xf32, #tpu.memory_space<hbm>>
      %dma_start3A_389 = arith.constant 0 : i32
      %dma_start3A_390 = arith.constant 0 : i32
      %dma_start3A_391 = tpu.memref_slice %arg6[%dma_start3A_383, %dma_start3A_389, %dma_start3A_390] : memref<32x8x128xf32, #tpu.memory_space<vmem>> -> memref<1x8x128xf32, #tpu.memory_space<vmem>>
      %dma_start3A_392 = tpu.memref_squeeze %dma_start3A_391 : memref<1x8x128xf32, #tpu.memory_space<vmem>> -> memref<8x128xf32, #tpu.memory_space<vmem>>
      %dma_start3A_393 = tpu.memref_slice %arg2[%multiple_of3A_382, %multiple_of3A_378] : memref<4096x16384xf32, #tpu.memory_space<hbm>> -> memref<8x128xf32, #tpu.memory_space<hbm>>
      tpu.enqueue_dma source(%dma_start3A_393 : memref<8x128xf32, #tpu.memory_space<hbm>>) target(%dma_start3A_392 : memref<8x128xf32, #tpu.memory_space<vmem>>) target_semaphore(%arg8 : memref<!tpu.dma_semaphore, #tpu.memory_space<semaphore_mem>>)
      %slice3A_394 = vector.extract_strided_slice %get3A_24 {offsets = [1], sizes = [1], strides = [1]} : vector<16xi32> to vector<1xi32>
      %squeeze3A_395 = vector.extract %slice3A_394[0] : i32 from vector<1xi32>
      %shift_right_logical3A_396 = arith.constant 7 : i32
      %shift_right_logical3A_397 = arith.shrui %squeeze3A_395, %shift_right_logical3A_396 : i32
      %shift_left3A_398 = arith.constant 7 : i32
      %shift_left3A_399 = arith.shli %shift_right_logical3A_397, %shift_left3A_398 : i32
      %multiple_of3A_400 = tpu.assume_multiple %shift_left3A_399, 128 : i32
      %add3A_401 = arith.addi %mul3A_2, %multiple_of3A : i32
      %add3A_402 = arith.constant 16 : i32
      %add3A_403 = arith.addi %add3A_401, %add3A_402 : i32
      %multiple_of3A_404 = tpu.assume_multiple %add3A_403, 8 : i32
      %dma_start3A_405 = arith.constant 17 : i32
      %dma_start3A_406 = arith.constant 0 : i32
      %dma_start3A_407 = arith.constant 0 : i32
      %dma_start3A_408 = tpu.memref_slice %arg6[%dma_start3A_405, %dma_start3A_406, %dma_start3A_407] : memref<32x8x128xf32, #tpu.memory_space<vmem>> -> memref<1x8x128xf32, #tpu.memory_space<vmem>>
      %dma_start3A_409 = tpu.memref_squeeze %dma_start3A_408 : memref<1x8x128xf32, #tpu.memory_space<vmem>> -> memref<8x128xf32, #tpu.memory_space<vmem>>
      %dma_start3A_410 = tpu.memref_slice %arg2[%multiple_of3A_404, %multiple_of3A_400] : memref<4096x16384xf32, #tpu.memory_space<hbm>> -> memref<8x128xf32, #tpu.memory_space<hbm>>
      %dma_start3A_411 = arith.constant 0 : i32
      %dma_start3A_412 = arith.constant 0 : i32
      %dma_start3A_413 = tpu.memref_slice %arg6[%dma_start3A_405, %dma_start3A_411, %dma_start3A_412] : memref<32x8x128xf32, #tpu.memory_space<vmem>> -> memref<1x8x128xf32, #tpu.memory_space<vmem>>
      %dma_start3A_414 = tpu.memref_squeeze %dma_start3A_413 : memref<1x8x128xf32, #tpu.memory_space<vmem>> -> memref<8x128xf32, #tpu.memory_space<vmem>>
      %dma_start3A_415 = tpu.memref_slice %arg2[%multiple_of3A_404, %multiple_of3A_400] : memref<4096x16384xf32, #tpu.memory_space<hbm>> -> memref<8x128xf32, #tpu.memory_space<hbm>>
      tpu.enqueue_dma source(%dma_start3A_415 : memref<8x128xf32, #tpu.memory_space<hbm>>) target(%dma_start3A_414 : memref<8x128xf32, #tpu.memory_space<vmem>>) target_semaphore(%arg8 : memref<!tpu.dma_semaphore, #tpu.memory_space<semaphore_mem>>)
      %slice3A_416 = vector.extract_strided_slice %get3A_24 {offsets = [2], sizes = [1], strides = [1]} : vector<16xi32> to vector<1xi32>
      %squeeze3A_417 = vector.extract %slice3A_416[0] : i32 from vector<1xi32>
      %shift_right_logical3A_418 = arith.constant 7 : i32
      %shift_right_logical3A_419 = arith.shrui %squeeze3A_417, %shift_right_logical3A_418 : i32
      %shift_left3A_420 = arith.constant 7 : i32
      %shift_left3A_421 = arith.shli %shift_right_logical3A_419, %shift_left3A_420 : i32
      %multiple_of3A_422 = tpu.assume_multiple %shift_left3A_421, 128 : i32
      %add3A_423 = arith.addi %mul3A_2, %multiple_of3A : i32
      %add3A_424 = arith.constant 16 : i32
      %add3A_425 = arith.addi %add3A_423, %add3A_424 : i32
      %multiple_of3A_426 = tpu.assume_multiple %add3A_425, 8 : i32
      %dma_start3A_427 = arith.constant 18 : i32
      %dma_start3A_428 = arith.constant 0 : i32
      %dma_start3A_429 = arith.constant 0 : i32
      %dma_start3A_430 = tpu.memref_slice %arg6[%dma_start3A_427, %dma_start3A_428, %dma_start3A_429] : memref<32x8x128xf32, #tpu.memory_space<vmem>> -> memref<1x8x128xf32, #tpu.memory_space<vmem>>
      %dma_start3A_431 = tpu.memref_squeeze %dma_start3A_430 : memref<1x8x128xf32, #tpu.memory_space<vmem>> -> memref<8x128xf32, #tpu.memory_space<vmem>>
      %dma_start3A_432 = tpu.memref_slice %arg2[%multiple_of3A_426, %multiple_of3A_422] : memref<4096x16384xf32, #tpu.memory_space<hbm>> -> memref<8x128xf32, #tpu.memory_space<hbm>>
      %dma_start3A_433 = arith.constant 0 : i32
      %dma_start3A_434 = arith.constant 0 : i32
      %dma_start3A_435 = tpu.memref_slice %arg6[%dma_start3A_427, %dma_start3A_433, %dma_start3A_434] : memref<32x8x128xf32, #tpu.memory_space<vmem>> -> memref<1x8x128xf32, #tpu.memory_space<vmem>>
      %dma_start3A_436 = tpu.memref_squeeze %dma_start3A_435 : memref<1x8x128xf32, #tpu.memory_space<vmem>> -> memref<8x128xf32, #tpu.memory_space<vmem>>
      %dma_start3A_437 = tpu.memref_slice %arg2[%multiple_of3A_426, %multiple_of3A_422] : memref<4096x16384xf32, #tpu.memory_space<hbm>> -> memref<8x128xf32, #tpu.memory_space<hbm>>
      tpu.enqueue_dma source(%dma_start3A_437 : memref<8x128xf32, #tpu.memory_space<hbm>>) target(%dma_start3A_436 : memref<8x128xf32, #tpu.memory_space<vmem>>) target_semaphore(%arg8 : memref<!tpu.dma_semaphore, #tpu.memory_space<semaphore_mem>>)
      %slice3A_438 = vector.extract_strided_slice %get3A_24 {offsets = [3], sizes = [1], strides = [1]} : vector<16xi32> to vector<1xi32>
      %squeeze3A_439 = vector.extract %slice3A_438[0] : i32 from vector<1xi32>
      %shift_right_logical3A_440 = arith.constant 7 : i32
      %shift_right_logical3A_441 = arith.shrui %squeeze3A_439, %shift_right_logical3A_440 : i32
      %shift_left3A_442 = arith.constant 7 : i32
      %shift_left3A_443 = arith.shli %shift_right_logical3A_441, %shift_left3A_442 : i32
      %multiple_of3A_444 = tpu.assume_multiple %shift_left3A_443, 128 : i32
      %add3A_445 = arith.addi %mul3A_2, %multiple_of3A : i32
      %add3A_446 = arith.constant 16 : i32
      %add3A_447 = arith.addi %add3A_445, %add3A_446 : i32
      %multiple_of3A_448 = tpu.assume_multiple %add3A_447, 8 : i32
      %dma_start3A_449 = arith.constant 19 : i32
      %dma_start3A_450 = arith.constant 0 : i32
      %dma_start3A_451 = arith.constant 0 : i32
      %dma_start3A_452 = tpu.memref_slice %arg6[%dma_start3A_449, %dma_start3A_450, %dma_start3A_451] : memref<32x8x128xf32, #tpu.memory_space<vmem>> -> memref<1x8x128xf32, #tpu.memory_space<vmem>>
      %dma_start3A_453 = tpu.memref_squeeze %dma_start3A_452 : memref<1x8x128xf32, #tpu.memory_space<vmem>> -> memref<8x128xf32, #tpu.memory_space<vmem>>
      %dma_start3A_454 = tpu.memref_slice %arg2[%multiple_of3A_448, %multiple_of3A_444] : memref<4096x16384xf32, #tpu.memory_space<hbm>> -> memref<8x128xf32, #tpu.memory_space<hbm>>
      %dma_start3A_455 = arith.constant 0 : i32
      %dma_start3A_456 = arith.constant 0 : i32
      %dma_start3A_457 = tpu.memref_slice %arg6[%dma_start3A_449, %dma_start3A_455, %dma_start3A_456] : memref<32x8x128xf32, #tpu.memory_space<vmem>> -> memref<1x8x128xf32, #tpu.memory_space<vmem>>
      %dma_start3A_458 = tpu.memref_squeeze %dma_start3A_457 : memref<1x8x128xf32, #tpu.memory_space<vmem>> -> memref<8x128xf32, #tpu.memory_space<vmem>>
      %dma_start3A_459 = tpu.memref_slice %arg2[%multiple_of3A_448, %multiple_of3A_444] : memref<4096x16384xf32, #tpu.memory_space<hbm>> -> memref<8x128xf32, #tpu.memory_space<hbm>>
      tpu.enqueue_dma source(%dma_start3A_459 : memref<8x128xf32, #tpu.memory_space<hbm>>) target(%dma_start3A_458 : memref<8x128xf32, #tpu.memory_space<vmem>>) target_semaphore(%arg8 : memref<!tpu.dma_semaphore, #tpu.memory_space<semaphore_mem>>)
      %slice3A_460 = vector.extract_strided_slice %get3A_24 {offsets = [4], sizes = [1], strides = [1]} : vector<16xi32> to vector<1xi32>
      %squeeze3A_461 = vector.extract %slice3A_460[0] : i32 from vector<1xi32>
      %shift_right_logical3A_462 = arith.constant 7 : i32
      %shift_right_logical3A_463 = arith.shrui %squeeze3A_461, %shift_right_logical3A_462 : i32
      %shift_left3A_464 = arith.constant 7 : i32
      %shift_left3A_465 = arith.shli %shift_right_logical3A_463, %shift_left3A_464 : i32
      %multiple_of3A_466 = tpu.assume_multiple %shift_left3A_465, 128 : i32
      %add3A_467 = arith.addi %mul3A_2, %multiple_of3A : i32
      %add3A_468 = arith.constant 16 : i32
      %add3A_469 = arith.addi %add3A_467, %add3A_468 : i32
      %multiple_of3A_470 = tpu.assume_multiple %add3A_469, 8 : i32
      %dma_start3A_471 = arith.constant 20 : i32
      %dma_start3A_472 = arith.constant 0 : i32
      %dma_start3A_473 = arith.constant 0 : i32
      %dma_start3A_474 = tpu.memref_slice %arg6[%dma_start3A_471, %dma_start3A_472, %dma_start3A_473] : memref<32x8x128xf32, #tpu.memory_space<vmem>> -> memref<1x8x128xf32, #tpu.memory_space<vmem>>
      %dma_start3A_475 = tpu.memref_squeeze %dma_start3A_474 : memref<1x8x128xf32, #tpu.memory_space<vmem>> -> memref<8x128xf32, #tpu.memory_space<vmem>>
      %dma_start3A_476 = tpu.memref_slice %arg2[%multiple_of3A_470, %multiple_of3A_466] : memref<4096x16384xf32, #tpu.memory_space<hbm>> -> memref<8x128xf32, #tpu.memory_space<hbm>>
      %dma_start3A_477 = arith.constant 0 : i32
      %dma_start3A_478 = arith.constant 0 : i32
      %dma_start3A_479 = tpu.memref_slice %arg6[%dma_start3A_471, %dma_start3A_477, %dma_start3A_478] : memref<32x8x128xf32, #tpu.memory_space<vmem>> -> memref<1x8x128xf32, #tpu.memory_space<vmem>>
      %dma_start3A_480 = tpu.memref_squeeze %dma_start3A_479 : memref<1x8x128xf32, #tpu.memory_space<vmem>> -> memref<8x128xf32, #tpu.memory_space<vmem>>
      %dma_start3A_481 = tpu.memref_slice %arg2[%multiple_of3A_470, %multiple_of3A_466] : memref<4096x16384xf32, #tpu.memory_space<hbm>> -> memref<8x128xf32, #tpu.memory_space<hbm>>
      tpu.enqueue_dma source(%dma_start3A_481 : memref<8x128xf32, #tpu.memory_space<hbm>>) target(%dma_start3A_480 : memref<8x128xf32, #tpu.memory_space<vmem>>) target_semaphore(%arg8 : memref<!tpu.dma_semaphore, #tpu.memory_space<semaphore_mem>>)
      %slice3A_482 = vector.extract_strided_slice %get3A_24 {offsets = [5], sizes = [1], strides = [1]} : vector<16xi32> to vector<1xi32>
      %squeeze3A_483 = vector.extract %slice3A_482[0] : i32 from vector<1xi32>
      %shift_right_logical3A_484 = arith.constant 7 : i32
      %shift_right_logical3A_485 = arith.shrui %squeeze3A_483, %shift_right_logical3A_484 : i32
      %shift_left3A_486 = arith.constant 7 : i32
      %shift_left3A_487 = arith.shli %shift_right_logical3A_485, %shift_left3A_486 : i32
      %multiple_of3A_488 = tpu.assume_multiple %shift_left3A_487, 128 : i32
      %add3A_489 = arith.addi %mul3A_2, %multiple_of3A : i32
      %add3A_490 = arith.constant 16 : i32
      %add3A_491 = arith.addi %add3A_489, %add3A_490 : i32
      %multiple_of3A_492 = tpu.assume_multiple %add3A_491, 8 : i32
      %dma_start3A_493 = arith.constant 21 : i32
      %dma_start3A_494 = arith.constant 0 : i32
      %dma_start3A_495 = arith.constant 0 : i32
      %dma_start3A_496 = tpu.memref_slice %arg6[%dma_start3A_493, %dma_start3A_494, %dma_start3A_495] : memref<32x8x128xf32, #tpu.memory_space<vmem>> -> memref<1x8x128xf32, #tpu.memory_space<vmem>>
      %dma_start3A_497 = tpu.memref_squeeze %dma_start3A_496 : memref<1x8x128xf32, #tpu.memory_space<vmem>> -> memref<8x128xf32, #tpu.memory_space<vmem>>
      %dma_start3A_498 = tpu.memref_slice %arg2[%multiple_of3A_492, %multiple_of3A_488] : memref<4096x16384xf32, #tpu.memory_space<hbm>> -> memref<8x128xf32, #tpu.memory_space<hbm>>
      %dma_start3A_499 = arith.constant 0 : i32
      %dma_start3A_500 = arith.constant 0 : i32
      %dma_start3A_501 = tpu.memref_slice %arg6[%dma_start3A_493, %dma_start3A_499, %dma_start3A_500] : memref<32x8x128xf32, #tpu.memory_space<vmem>> -> memref<1x8x128xf32, #tpu.memory_space<vmem>>
      %dma_start3A_502 = tpu.memref_squeeze %dma_start3A_501 : memref<1x8x128xf32, #tpu.memory_space<vmem>> -> memref<8x128xf32, #tpu.memory_space<vmem>>
      %dma_start3A_503 = tpu.memref_slice %arg2[%multiple_of3A_492, %multiple_of3A_488] : memref<4096x16384xf32, #tpu.memory_space<hbm>> -> memref<8x128xf32, #tpu.memory_space<hbm>>
      tpu.enqueue_dma source(%dma_start3A_503 : memref<8x128xf32, #tpu.memory_space<hbm>>) target(%dma_start3A_502 : memref<8x128xf32, #tpu.memory_space<vmem>>) target_semaphore(%arg8 : memref<!tpu.dma_semaphore, #tpu.memory_space<semaphore_mem>>)
      %slice3A_504 = vector.extract_strided_slice %get3A_24 {offsets = [6], sizes = [1], strides = [1]} : vector<16xi32> to vector<1xi32>
      %squeeze3A_505 = vector.extract %slice3A_504[0] : i32 from vector<1xi32>
      %shift_right_logical3A_506 = arith.constant 7 : i32
      %shift_right_logical3A_507 = arith.shrui %squeeze3A_505, %shift_right_logical3A_506 : i32
      %shift_left3A_508 = arith.constant 7 : i32
      %shift_left3A_509 = arith.shli %shift_right_logical3A_507, %shift_left3A_508 : i32
      %multiple_of3A_510 = tpu.assume_multiple %shift_left3A_509, 128 : i32
      %add3A_511 = arith.addi %mul3A_2, %multiple_of3A : i32
      %add3A_512 = arith.constant 16 : i32
      %add3A_513 = arith.addi %add3A_511, %add3A_512 : i32
      %multiple_of3A_514 = tpu.assume_multiple %add3A_513, 8 : i32
      %dma_start3A_515 = arith.constant 22 : i32
      %dma_start3A_516 = arith.constant 0 : i32
      %dma_start3A_517 = arith.constant 0 : i32
      %dma_start3A_518 = tpu.memref_slice %arg6[%dma_start3A_515, %dma_start3A_516, %dma_start3A_517] : memref<32x8x128xf32, #tpu.memory_space<vmem>> -> memref<1x8x128xf32, #tpu.memory_space<vmem>>
      %dma_start3A_519 = tpu.memref_squeeze %dma_start3A_518 : memref<1x8x128xf32, #tpu.memory_space<vmem>> -> memref<8x128xf32, #tpu.memory_space<vmem>>
      %dma_start3A_520 = tpu.memref_slice %arg2[%multiple_of3A_514, %multiple_of3A_510] : memref<4096x16384xf32, #tpu.memory_space<hbm>> -> memref<8x128xf32, #tpu.memory_space<hbm>>
      %dma_start3A_521 = arith.constant 0 : i32
      %dma_start3A_522 = arith.constant 0 : i32
      %dma_start3A_523 = tpu.memref_slice %arg6[%dma_start3A_515, %dma_start3A_521, %dma_start3A_522] : memref<32x8x128xf32, #tpu.memory_space<vmem>> -> memref<1x8x128xf32, #tpu.memory_space<vmem>>
      %dma_start3A_524 = tpu.memref_squeeze %dma_start3A_523 : memref<1x8x128xf32, #tpu.memory_space<vmem>> -> memref<8x128xf32, #tpu.memory_space<vmem>>
      %dma_start3A_525 = tpu.memref_slice %arg2[%multiple_of3A_514, %multiple_of3A_510] : memref<4096x16384xf32, #tpu.memory_space<hbm>> -> memref<8x128xf32, #tpu.memory_space<hbm>>
      tpu.enqueue_dma source(%dma_start3A_525 : memref<8x128xf32, #tpu.memory_space<hbm>>) target(%dma_start3A_524 : memref<8x128xf32, #tpu.memory_space<vmem>>) target_semaphore(%arg8 : memref<!tpu.dma_semaphore, #tpu.memory_space<semaphore_mem>>)
      %slice3A_526 = vector.extract_strided_slice %get3A_24 {offsets = [7], sizes = [1], strides = [1]} : vector<16xi32> to vector<1xi32>
      %squeeze3A_527 = vector.extract %slice3A_526[0] : i32 from vector<1xi32>
      %shift_right_logical3A_528 = arith.constant 7 : i32
      %shift_right_logical3A_529 = arith.shrui %squeeze3A_527, %shift_right_logical3A_528 : i32
      %shift_left3A_530 = arith.constant 7 : i32
      %shift_left3A_531 = arith.shli %shift_right_logical3A_529, %shift_left3A_530 : i32
      %multiple_of3A_532 = tpu.assume_multiple %shift_left3A_531, 128 : i32
      %add3A_533 = arith.addi %mul3A_2, %multiple_of3A : i32
      %add3A_534 = arith.constant 16 : i32
      %add3A_535 = arith.addi %add3A_533, %add3A_534 : i32
      %multiple_of3A_536 = tpu.assume_multiple %add3A_535, 8 : i32
      %dma_start3A_537 = arith.constant 23 : i32
      %dma_start3A_538 = arith.constant 0 : i32
      %dma_start3A_539 = arith.constant 0 : i32
      %dma_start3A_540 = tpu.memref_slice %arg6[%dma_start3A_537, %dma_start3A_538, %dma_start3A_539] : memref<32x8x128xf32, #tpu.memory_space<vmem>> -> memref<1x8x128xf32, #tpu.memory_space<vmem>>
      %dma_start3A_541 = tpu.memref_squeeze %dma_start3A_540 : memref<1x8x128xf32, #tpu.memory_space<vmem>> -> memref<8x128xf32, #tpu.memory_space<vmem>>
      %dma_start3A_542 = tpu.memref_slice %arg2[%multiple_of3A_536, %multiple_of3A_532] : memref<4096x16384xf32, #tpu.memory_space<hbm>> -> memref<8x128xf32, #tpu.memory_space<hbm>>
      %dma_start3A_543 = arith.constant 0 : i32
      %dma_start3A_544 = arith.constant 0 : i32
      %dma_start3A_545 = tpu.memref_slice %arg6[%dma_start3A_537, %dma_start3A_543, %dma_start3A_544] : memref<32x8x128xf32, #tpu.memory_space<vmem>> -> memref<1x8x128xf32, #tpu.memory_space<vmem>>
      %dma_start3A_546 = tpu.memref_squeeze %dma_start3A_545 : memref<1x8x128xf32, #tpu.memory_space<vmem>> -> memref<8x128xf32, #tpu.memory_space<vmem>>
      %dma_start3A_547 = tpu.memref_slice %arg2[%multiple_of3A_536, %multiple_of3A_532] : memref<4096x16384xf32, #tpu.memory_space<hbm>> -> memref<8x128xf32, #tpu.memory_space<hbm>>
      tpu.enqueue_dma source(%dma_start3A_547 : memref<8x128xf32, #tpu.memory_space<hbm>>) target(%dma_start3A_546 : memref<8x128xf32, #tpu.memory_space<vmem>>) target_semaphore(%arg8 : memref<!tpu.dma_semaphore, #tpu.memory_space<semaphore_mem>>)
      %slice3A_548 = vector.extract_strided_slice %get3A_24 {offsets = [8], sizes = [1], strides = [1]} : vector<16xi32> to vector<1xi32>
      %squeeze3A_549 = vector.extract %slice3A_548[0] : i32 from vector<1xi32>
      %shift_right_logical3A_550 = arith.constant 7 : i32
      %shift_right_logical3A_551 = arith.shrui %squeeze3A_549, %shift_right_logical3A_550 : i32
      %shift_left3A_552 = arith.constant 7 : i32
      %shift_left3A_553 = arith.shli %shift_right_logical3A_551, %shift_left3A_552 : i32
      %multiple_of3A_554 = tpu.assume_multiple %shift_left3A_553, 128 : i32
      %add3A_555 = arith.addi %mul3A_2, %multiple_of3A : i32
      %add3A_556 = arith.constant 24 : i32
      %add3A_557 = arith.addi %add3A_555, %add3A_556 : i32
      %multiple_of3A_558 = tpu.assume_multiple %add3A_557, 8 : i32
      %dma_start3A_559 = arith.constant 24 : i32
      %dma_start3A_560 = arith.constant 0 : i32
      %dma_start3A_561 = arith.constant 0 : i32
      %dma_start3A_562 = tpu.memref_slice %arg6[%dma_start3A_559, %dma_start3A_560, %dma_start3A_561] : memref<32x8x128xf32, #tpu.memory_space<vmem>> -> memref<1x8x128xf32, #tpu.memory_space<vmem>>
      %dma_start3A_563 = tpu.memref_squeeze %dma_start3A_562 : memref<1x8x128xf32, #tpu.memory_space<vmem>> -> memref<8x128xf32, #tpu.memory_space<vmem>>
      %dma_start3A_564 = tpu.memref_slice %arg2[%multiple_of3A_558, %multiple_of3A_554] : memref<4096x16384xf32, #tpu.memory_space<hbm>> -> memref<8x128xf32, #tpu.memory_space<hbm>>
      %dma_start3A_565 = arith.constant 0 : i32
      %dma_start3A_566 = arith.constant 0 : i32
      %dma_start3A_567 = tpu.memref_slice %arg6[%dma_start3A_559, %dma_start3A_565, %dma_start3A_566] : memref<32x8x128xf32, #tpu.memory_space<vmem>> -> memref<1x8x128xf32, #tpu.memory_space<vmem>>
      %dma_start3A_568 = tpu.memref_squeeze %dma_start3A_567 : memref<1x8x128xf32, #tpu.memory_space<vmem>> -> memref<8x128xf32, #tpu.memory_space<vmem>>
      %dma_start3A_569 = tpu.memref_slice %arg2[%multiple_of3A_558, %multiple_of3A_554] : memref<4096x16384xf32, #tpu.memory_space<hbm>> -> memref<8x128xf32, #tpu.memory_space<hbm>>
      tpu.enqueue_dma source(%dma_start3A_569 : memref<8x128xf32, #tpu.memory_space<hbm>>) target(%dma_start3A_568 : memref<8x128xf32, #tpu.memory_space<vmem>>) target_semaphore(%arg8 : memref<!tpu.dma_semaphore, #tpu.memory_space<semaphore_mem>>)
      %slice3A_570 = vector.extract_strided_slice %get3A_24 {offsets = [9], sizes = [1], strides = [1]} : vector<16xi32> to vector<1xi32>
      %squeeze3A_571 = vector.extract %slice3A_570[0] : i32 from vector<1xi32>
      %shift_right_logical3A_572 = arith.constant 7 : i32
      %shift_right_logical3A_573 = arith.shrui %squeeze3A_571, %shift_right_logical3A_572 : i32
      %shift_left3A_574 = arith.constant 7 : i32
      %shift_left3A_575 = arith.shli %shift_right_logical3A_573, %shift_left3A_574 : i32
      %multiple_of3A_576 = tpu.assume_multiple %shift_left3A_575, 128 : i32
      %add3A_577 = arith.addi %mul3A_2, %multiple_of3A : i32
      %add3A_578 = arith.constant 24 : i32
      %add3A_579 = arith.addi %add3A_577, %add3A_578 : i32
      %multiple_of3A_580 = tpu.assume_multiple %add3A_579, 8 : i32
      %dma_start3A_581 = arith.constant 25 : i32
      %dma_start3A_582 = arith.constant 0 : i32
      %dma_start3A_583 = arith.constant 0 : i32
      %dma_start3A_584 = tpu.memref_slice %arg6[%dma_start3A_581, %dma_start3A_582, %dma_start3A_583] : memref<32x8x128xf32, #tpu.memory_space<vmem>> -> memref<1x8x128xf32, #tpu.memory_space<vmem>>
      %dma_start3A_585 = tpu.memref_squeeze %dma_start3A_584 : memref<1x8x128xf32, #tpu.memory_space<vmem>> -> memref<8x128xf32, #tpu.memory_space<vmem>>
      %dma_start3A_586 = tpu.memref_slice %arg2[%multiple_of3A_580, %multiple_of3A_576] : memref<4096x16384xf32, #tpu.memory_space<hbm>> -> memref<8x128xf32, #tpu.memory_space<hbm>>
      %dma_start3A_587 = arith.constant 0 : i32
      %dma_start3A_588 = arith.constant 0 : i32
      %dma_start3A_589 = tpu.memref_slice %arg6[%dma_start3A_581, %dma_start3A_587, %dma_start3A_588] : memref<32x8x128xf32, #tpu.memory_space<vmem>> -> memref<1x8x128xf32, #tpu.memory_space<vmem>>
      %dma_start3A_590 = tpu.memref_squeeze %dma_start3A_589 : memref<1x8x128xf32, #tpu.memory_space<vmem>> -> memref<8x128xf32, #tpu.memory_space<vmem>>
      %dma_start3A_591 = tpu.memref_slice %arg2[%multiple_of3A_580, %multiple_of3A_576] : memref<4096x16384xf32, #tpu.memory_space<hbm>> -> memref<8x128xf32, #tpu.memory_space<hbm>>
      tpu.enqueue_dma source(%dma_start3A_591 : memref<8x128xf32, #tpu.memory_space<hbm>>) target(%dma_start3A_590 : memref<8x128xf32, #tpu.memory_space<vmem>>) target_semaphore(%arg8 : memref<!tpu.dma_semaphore, #tpu.memory_space<semaphore_mem>>)
      %slice3A_592 = vector.extract_strided_slice %get3A_24 {offsets = [10], sizes = [1], strides = [1]} : vector<16xi32> to vector<1xi32>
      %squeeze3A_593 = vector.extract %slice3A_592[0] : i32 from vector<1xi32>
      %shift_right_logical3A_594 = arith.constant 7 : i32
      %shift_right_logical3A_595 = arith.shrui %squeeze3A_593, %shift_right_logical3A_594 : i32
      %shift_left3A_596 = arith.constant 7 : i32
      %shift_left3A_597 = arith.shli %shift_right_logical3A_595, %shift_left3A_596 : i32
      %multiple_of3A_598 = tpu.assume_multiple %shift_left3A_597, 128 : i32
      %add3A_599 = arith.addi %mul3A_2, %multiple_of3A : i32
      %add3A_600 = arith.constant 24 : i32
      %add3A_601 = arith.addi %add3A_599, %add3A_600 : i32
      %multiple_of3A_602 = tpu.assume_multiple %add3A_601, 8 : i32
      %dma_start3A_603 = arith.constant 26 : i32
      %dma_start3A_604 = arith.constant 0 : i32
      %dma_start3A_605 = arith.constant 0 : i32
      %dma_start3A_606 = tpu.memref_slice %arg6[%dma_start3A_603, %dma_start3A_604, %dma_start3A_605] : memref<32x8x128xf32, #tpu.memory_space<vmem>> -> memref<1x8x128xf32, #tpu.memory_space<vmem>>
      %dma_start3A_607 = tpu.memref_squeeze %dma_start3A_606 : memref<1x8x128xf32, #tpu.memory_space<vmem>> -> memref<8x128xf32, #tpu.memory_space<vmem>>
      %dma_start3A_608 = tpu.memref_slice %arg2[%multiple_of3A_602, %multiple_of3A_598] : memref<4096x16384xf32, #tpu.memory_space<hbm>> -> memref<8x128xf32, #tpu.memory_space<hbm>>
      %dma_start3A_609 = arith.constant 0 : i32
      %dma_start3A_610 = arith.constant 0 : i32
      %dma_start3A_611 = tpu.memref_slice %arg6[%dma_start3A_603, %dma_start3A_609, %dma_start3A_610] : memref<32x8x128xf32, #tpu.memory_space<vmem>> -> memref<1x8x128xf32, #tpu.memory_space<vmem>>
      %dma_start3A_612 = tpu.memref_squeeze %dma_start3A_611 : memref<1x8x128xf32, #tpu.memory_space<vmem>> -> memref<8x128xf32, #tpu.memory_space<vmem>>
      %dma_start3A_613 = tpu.memref_slice %arg2[%multiple_of3A_602, %multiple_of3A_598] : memref<4096x16384xf32, #tpu.memory_space<hbm>> -> memref<8x128xf32, #tpu.memory_space<hbm>>
      tpu.enqueue_dma source(%dma_start3A_613 : memref<8x128xf32, #tpu.memory_space<hbm>>) target(%dma_start3A_612 : memref<8x128xf32, #tpu.memory_space<vmem>>) target_semaphore(%arg8 : memref<!tpu.dma_semaphore, #tpu.memory_space<semaphore_mem>>)
      %slice3A_614 = vector.extract_strided_slice %get3A_24 {offsets = [11], sizes = [1], strides = [1]} : vector<16xi32> to vector<1xi32>
      %squeeze3A_615 = vector.extract %slice3A_614[0] : i32 from vector<1xi32>
      %shift_right_logical3A_616 = arith.constant 7 : i32
      %shift_right_logical3A_617 = arith.shrui %squeeze3A_615, %shift_right_logical3A_616 : i32
      %shift_left3A_618 = arith.constant 7 : i32
      %shift_left3A_619 = arith.shli %shift_right_logical3A_617, %shift_left3A_618 : i32
      %multiple_of3A_620 = tpu.assume_multiple %shift_left3A_619, 128 : i32
      %add3A_621 = arith.addi %mul3A_2, %multiple_of3A : i32
      %add3A_622 = arith.constant 24 : i32
      %add3A_623 = arith.addi %add3A_621, %add3A_622 : i32
      %multiple_of3A_624 = tpu.assume_multiple %add3A_623, 8 : i32
      %dma_start3A_625 = arith.constant 27 : i32
      %dma_start3A_626 = arith.constant 0 : i32
      %dma_start3A_627 = arith.constant 0 : i32
      %dma_start3A_628 = tpu.memref_slice %arg6[%dma_start3A_625, %dma_start3A_626, %dma_start3A_627] : memref<32x8x128xf32, #tpu.memory_space<vmem>> -> memref<1x8x128xf32, #tpu.memory_space<vmem>>
      %dma_start3A_629 = tpu.memref_squeeze %dma_start3A_628 : memref<1x8x128xf32, #tpu.memory_space<vmem>> -> memref<8x128xf32, #tpu.memory_space<vmem>>
      %dma_start3A_630 = tpu.memref_slice %arg2[%multiple_of3A_624, %multiple_of3A_620] : memref<4096x16384xf32, #tpu.memory_space<hbm>> -> memref<8x128xf32, #tpu.memory_space<hbm>>
      %dma_start3A_631 = arith.constant 0 : i32
      %dma_start3A_632 = arith.constant 0 : i32
      %dma_start3A_633 = tpu.memref_slice %arg6[%dma_start3A_625, %dma_start3A_631, %dma_start3A_632] : memref<32x8x128xf32, #tpu.memory_space<vmem>> -> memref<1x8x128xf32, #tpu.memory_space<vmem>>
      %dma_start3A_634 = tpu.memref_squeeze %dma_start3A_633 : memref<1x8x128xf32, #tpu.memory_space<vmem>> -> memref<8x128xf32, #tpu.memory_space<vmem>>
      %dma_start3A_635 = tpu.memref_slice %arg2[%multiple_of3A_624, %multiple_of3A_620] : memref<4096x16384xf32, #tpu.memory_space<hbm>> -> memref<8x128xf32, #tpu.memory_space<hbm>>
      tpu.enqueue_dma source(%dma_start3A_635 : memref<8x128xf32, #tpu.memory_space<hbm>>) target(%dma_start3A_634 : memref<8x128xf32, #tpu.memory_space<vmem>>) target_semaphore(%arg8 : memref<!tpu.dma_semaphore, #tpu.memory_space<semaphore_mem>>)
      %slice3A_636 = vector.extract_strided_slice %get3A_24 {offsets = [12], sizes = [1], strides = [1]} : vector<16xi32> to vector<1xi32>
      %squeeze3A_637 = vector.extract %slice3A_636[0] : i32 from vector<1xi32>
      %shift_right_logical3A_638 = arith.constant 7 : i32
      %shift_right_logical3A_639 = arith.shrui %squeeze3A_637, %shift_right_logical3A_638 : i32
      %shift_left3A_640 = arith.constant 7 : i32
      %shift_left3A_641 = arith.shli %shift_right_logical3A_639, %shift_left3A_640 : i32
      %multiple_of3A_642 = tpu.assume_multiple %shift_left3A_641, 128 : i32
      %add3A_643 = arith.addi %mul3A_2, %multiple_of3A : i32
      %add3A_644 = arith.constant 24 : i32
      %add3A_645 = arith.addi %add3A_643, %add3A_644 : i32
      %multiple_of3A_646 = tpu.assume_multiple %add3A_645, 8 : i32
      %dma_start3A_647 = arith.constant 28 : i32
      %dma_start3A_648 = arith.constant 0 : i32
      %dma_start3A_649 = arith.constant 0 : i32
      %dma_start3A_650 = tpu.memref_slice %arg6[%dma_start3A_647, %dma_start3A_648, %dma_start3A_649] : memref<32x8x128xf32, #tpu.memory_space<vmem>> -> memref<1x8x128xf32, #tpu.memory_space<vmem>>
      %dma_start3A_651 = tpu.memref_squeeze %dma_start3A_650 : memref<1x8x128xf32, #tpu.memory_space<vmem>> -> memref<8x128xf32, #tpu.memory_space<vmem>>
      %dma_start3A_652 = tpu.memref_slice %arg2[%multiple_of3A_646, %multiple_of3A_642] : memref<4096x16384xf32, #tpu.memory_space<hbm>> -> memref<8x128xf32, #tpu.memory_space<hbm>>
      %dma_start3A_653 = arith.constant 0 : i32
      %dma_start3A_654 = arith.constant 0 : i32
      %dma_start3A_655 = tpu.memref_slice %arg6[%dma_start3A_647, %dma_start3A_653, %dma_start3A_654] : memref<32x8x128xf32, #tpu.memory_space<vmem>> -> memref<1x8x128xf32, #tpu.memory_space<vmem>>
      %dma_start3A_656 = tpu.memref_squeeze %dma_start3A_655 : memref<1x8x128xf32, #tpu.memory_space<vmem>> -> memref<8x128xf32, #tpu.memory_space<vmem>>
      %dma_start3A_657 = tpu.memref_slice %arg2[%multiple_of3A_646, %multiple_of3A_642] : memref<4096x16384xf32, #tpu.memory_space<hbm>> -> memref<8x128xf32, #tpu.memory_space<hbm>>
      tpu.enqueue_dma source(%dma_start3A_657 : memref<8x128xf32, #tpu.memory_space<hbm>>) target(%dma_start3A_656 : memref<8x128xf32, #tpu.memory_space<vmem>>) target_semaphore(%arg8 : memref<!tpu.dma_semaphore, #tpu.memory_space<semaphore_mem>>)
      %slice3A_658 = vector.extract_strided_slice %get3A_24 {offsets = [13], sizes = [1], strides = [1]} : vector<16xi32> to vector<1xi32>
      %squeeze3A_659 = vector.extract %slice3A_658[0] : i32 from vector<1xi32>
      %shift_right_logical3A_660 = arith.constant 7 : i32
      %shift_right_logical3A_661 = arith.shrui %squeeze3A_659, %shift_right_logical3A_660 : i32
      %shift_left3A_662 = arith.constant 7 : i32
      %shift_left3A_663 = arith.shli %shift_right_logical3A_661, %shift_left3A_662 : i32
      %multiple_of3A_664 = tpu.assume_multiple %shift_left3A_663, 128 : i32
      %add3A_665 = arith.addi %mul3A_2, %multiple_of3A : i32
      %add3A_666 = arith.constant 24 : i32
      %add3A_667 = arith.addi %add3A_665, %add3A_666 : i32
      %multiple_of3A_668 = tpu.assume_multiple %add3A_667, 8 : i32
      %dma_start3A_669 = arith.constant 29 : i32
      %dma_start3A_670 = arith.constant 0 : i32
      %dma_start3A_671 = arith.constant 0 : i32
      %dma_start3A_672 = tpu.memref_slice %arg6[%dma_start3A_669, %dma_start3A_670, %dma_start3A_671] : memref<32x8x128xf32, #tpu.memory_space<vmem>> -> memref<1x8x128xf32, #tpu.memory_space<vmem>>
      %dma_start3A_673 = tpu.memref_squeeze %dma_start3A_672 : memref<1x8x128xf32, #tpu.memory_space<vmem>> -> memref<8x128xf32, #tpu.memory_space<vmem>>
      %dma_start3A_674 = tpu.memref_slice %arg2[%multiple_of3A_668, %multiple_of3A_664] : memref<4096x16384xf32, #tpu.memory_space<hbm>> -> memref<8x128xf32, #tpu.memory_space<hbm>>
      %dma_start3A_675 = arith.constant 0 : i32
      %dma_start3A_676 = arith.constant 0 : i32
      %dma_start3A_677 = tpu.memref_slice %arg6[%dma_start3A_669, %dma_start3A_675, %dma_start3A_676] : memref<32x8x128xf32, #tpu.memory_space<vmem>> -> memref<1x8x128xf32, #tpu.memory_space<vmem>>
      %dma_start3A_678 = tpu.memref_squeeze %dma_start3A_677 : memref<1x8x128xf32, #tpu.memory_space<vmem>> -> memref<8x128xf32, #tpu.memory_space<vmem>>
      %dma_start3A_679 = tpu.memref_slice %arg2[%multiple_of3A_668, %multiple_of3A_664] : memref<4096x16384xf32, #tpu.memory_space<hbm>> -> memref<8x128xf32, #tpu.memory_space<hbm>>
      tpu.enqueue_dma source(%dma_start3A_679 : memref<8x128xf32, #tpu.memory_space<hbm>>) target(%dma_start3A_678 : memref<8x128xf32, #tpu.memory_space<vmem>>) target_semaphore(%arg8 : memref<!tpu.dma_semaphore, #tpu.memory_space<semaphore_mem>>)
      %slice3A_680 = vector.extract_strided_slice %get3A_24 {offsets = [14], sizes = [1], strides = [1]} : vector<16xi32> to vector<1xi32>
      %squeeze3A_681 = vector.extract %slice3A_680[0] : i32 from vector<1xi32>
      %shift_right_logical3A_682 = arith.constant 7 : i32
      %shift_right_logical3A_683 = arith.shrui %squeeze3A_681, %shift_right_logical3A_682 : i32
      %shift_left3A_684 = arith.constant 7 : i32
      %shift_left3A_685 = arith.shli %shift_right_logical3A_683, %shift_left3A_684 : i32
      %multiple_of3A_686 = tpu.assume_multiple %shift_left3A_685, 128 : i32
      %add3A_687 = arith.addi %mul3A_2, %multiple_of3A : i32
      %add3A_688 = arith.constant 24 : i32
      %add3A_689 = arith.addi %add3A_687, %add3A_688 : i32
      %multiple_of3A_690 = tpu.assume_multiple %add3A_689, 8 : i32
      %dma_start3A_691 = arith.constant 30 : i32
      %dma_start3A_692 = arith.constant 0 : i32
      %dma_start3A_693 = arith.constant 0 : i32
      %dma_start3A_694 = tpu.memref_slice %arg6[%dma_start3A_691, %dma_start3A_692, %dma_start3A_693] : memref<32x8x128xf32, #tpu.memory_space<vmem>> -> memref<1x8x128xf32, #tpu.memory_space<vmem>>
      %dma_start3A_695 = tpu.memref_squeeze %dma_start3A_694 : memref<1x8x128xf32, #tpu.memory_space<vmem>> -> memref<8x128xf32, #tpu.memory_space<vmem>>
      %dma_start3A_696 = tpu.memref_slice %arg2[%multiple_of3A_690, %multiple_of3A_686] : memref<4096x16384xf32, #tpu.memory_space<hbm>> -> memref<8x128xf32, #tpu.memory_space<hbm>>
      %dma_start3A_697 = arith.constant 0 : i32
      %dma_start3A_698 = arith.constant 0 : i32
      %dma_start3A_699 = tpu.memref_slice %arg6[%dma_start3A_691, %dma_start3A_697, %dma_start3A_698] : memref<32x8x128xf32, #tpu.memory_space<vmem>> -> memref<1x8x128xf32, #tpu.memory_space<vmem>>
      %dma_start3A_700 = tpu.memref_squeeze %dma_start3A_699 : memref<1x8x128xf32, #tpu.memory_space<vmem>> -> memref<8x128xf32, #tpu.memory_space<vmem>>
      %dma_start3A_701 = tpu.memref_slice %arg2[%multiple_of3A_690, %multiple_of3A_686] : memref<4096x16384xf32, #tpu.memory_space<hbm>> -> memref<8x128xf32, #tpu.memory_space<hbm>>
      tpu.enqueue_dma source(%dma_start3A_701 : memref<8x128xf32, #tpu.memory_space<hbm>>) target(%dma_start3A_700 : memref<8x128xf32, #tpu.memory_space<vmem>>) target_semaphore(%arg8 : memref<!tpu.dma_semaphore, #tpu.memory_space<semaphore_mem>>)
      %slice3A_702 = vector.extract_strided_slice %get3A_24 {offsets = [15], sizes = [1], strides = [1]} : vector<16xi32> to vector<1xi32>
      %squeeze3A_703 = vector.extract %slice3A_702[0] : i32 from vector<1xi32>
      %shift_right_logical3A_704 = arith.constant 7 : i32
      %shift_right_logical3A_705 = arith.shrui %squeeze3A_703, %shift_right_logical3A_704 : i32
      %shift_left3A_706 = arith.constant 7 : i32
      %shift_left3A_707 = arith.shli %shift_right_logical3A_705, %shift_left3A_706 : i32
      %multiple_of3A_708 = tpu.assume_multiple %shift_left3A_707, 128 : i32
      %add3A_709 = arith.addi %mul3A_2, %multiple_of3A : i32
      %add3A_710 = arith.constant 24 : i32
      %add3A_711 = arith.addi %add3A_709, %add3A_710 : i32
      %multiple_of3A_712 = tpu.assume_multiple %add3A_711, 8 : i32
      %dma_start3A_713 = arith.constant 31 : i32
      %dma_start3A_714 = arith.constant 0 : i32
      %dma_start3A_715 = arith.constant 0 : i32
      %dma_start3A_716 = tpu.memref_slice %arg6[%dma_start3A_713, %dma_start3A_714, %dma_start3A_715] : memref<32x8x128xf32, #tpu.memory_space<vmem>> -> memref<1x8x128xf32, #tpu.memory_space<vmem>>
      %dma_start3A_717 = tpu.memref_squeeze %dma_start3A_716 : memref<1x8x128xf32, #tpu.memory_space<vmem>> -> memref<8x128xf32, #tpu.memory_space<vmem>>
      %dma_start3A_718 = tpu.memref_slice %arg2[%multiple_of3A_712, %multiple_of3A_708] : memref<4096x16384xf32, #tpu.memory_space<hbm>> -> memref<8x128xf32, #tpu.memory_space<hbm>>
      %dma_start3A_719 = arith.constant 0 : i32
      %dma_start3A_720 = arith.constant 0 : i32
      %dma_start3A_721 = tpu.memref_slice %arg6[%dma_start3A_713, %dma_start3A_719, %dma_start3A_720] : memref<32x8x128xf32, #tpu.memory_space<vmem>> -> memref<1x8x128xf32, #tpu.memory_space<vmem>>
      %dma_start3A_722 = tpu.memref_squeeze %dma_start3A_721 : memref<1x8x128xf32, #tpu.memory_space<vmem>> -> memref<8x128xf32, #tpu.memory_space<vmem>>
      %dma_start3A_723 = tpu.memref_slice %arg2[%multiple_of3A_712, %multiple_of3A_708] : memref<4096x16384xf32, #tpu.memory_space<hbm>> -> memref<8x128xf32, #tpu.memory_space<hbm>>
      tpu.enqueue_dma source(%dma_start3A_723 : memref<8x128xf32, #tpu.memory_space<hbm>>) target(%dma_start3A_722 : memref<8x128xf32, #tpu.memory_space<vmem>>) target_semaphore(%arg8 : memref<!tpu.dma_semaphore, #tpu.memory_space<semaphore_mem>>)
      %dma_wait3A = arith.constant 0 : i32
      %dma_wait3A_724 = arith.constant 0 : i32
      %dma_wait3A_725 = arith.constant 0 : i32
      %dma_wait3A_726 = tpu.memref_slice %arg6[%dma_wait3A, %dma_wait3A_724, %dma_wait3A_725] : memref<32x8x128xf32, #tpu.memory_space<vmem>> -> memref<1x8x128xf32, #tpu.memory_space<vmem>>
      %dma_wait3A_727 = tpu.memref_squeeze %dma_wait3A_726 : memref<1x8x128xf32, #tpu.memory_space<vmem>> -> memref<8x128xf32, #tpu.memory_space<vmem>>
      %dma_wait3A_728 = tpu.memref_slice %arg2[%multiple_of3A_31, %multiple_of3A_27] : memref<4096x16384xf32, #tpu.memory_space<hbm>> -> memref<8x128xf32, #tpu.memory_space<hbm>>
      %dma_wait3A_729 = arith.constant 0 : i32
      %dma_wait3A_730 = arith.constant 0 : i32
      %dma_wait3A_731 = tpu.memref_slice %arg6[%dma_wait3A, %dma_wait3A_729, %dma_wait3A_730] : memref<32x8x128xf32, #tpu.memory_space<vmem>> -> memref<1x8x128xf32, #tpu.memory_space<vmem>>
      %dma_wait3A_732 = tpu.memref_squeeze %dma_wait3A_731 : memref<1x8x128xf32, #tpu.memory_space<vmem>> -> memref<8x128xf32, #tpu.memory_space<vmem>>
      %dma_wait3A_733 = tpu.memref_slice %arg2[%multiple_of3A_31, %multiple_of3A_27] : memref<4096x16384xf32, #tpu.memory_space<hbm>> -> memref<8x128xf32, #tpu.memory_space<hbm>>
      tpu.wait_dma2 semaphore(%arg8 : memref<!tpu.dma_semaphore, #tpu.memory_space<semaphore_mem>>) src(%dma_wait3A_733 : memref<8x128xf32, #tpu.memory_space<hbm>>) dst(%dma_wait3A_732 : memref<8x128xf32, #tpu.memory_space<vmem>>)
      %dma_wait3A_734 = arith.constant 1 : i32
      %dma_wait3A_735 = arith.constant 0 : i32
      %dma_wait3A_736 = arith.constant 0 : i32
      %dma_wait3A_737 = tpu.memref_slice %arg6[%dma_wait3A_734, %dma_wait3A_735, %dma_wait3A_736] : memref<32x8x128xf32, #tpu.memory_space<vmem>> -> memref<1x8x128xf32, #tpu.memory_space<vmem>>
      %dma_wait3A_738 = tpu.memref_squeeze %dma_wait3A_737 : memref<1x8x128xf32, #tpu.memory_space<vmem>> -> memref<8x128xf32, #tpu.memory_space<vmem>>
      %dma_wait3A_739 = tpu.memref_slice %arg2[%multiple_of3A_52, %multiple_of3A_48] : memref<4096x16384xf32, #tpu.memory_space<hbm>> -> memref<8x128xf32, #tpu.memory_space<hbm>>
      %dma_wait3A_740 = arith.constant 0 : i32
      %dma_wait3A_741 = arith.constant 0 : i32
      %dma_wait3A_742 = tpu.memref_slice %arg6[%dma_wait3A_734, %dma_wait3A_740, %dma_wait3A_741] : memref<32x8x128xf32, #tpu.memory_space<vmem>> -> memref<1x8x128xf32, #tpu.memory_space<vmem>>
      %dma_wait3A_743 = tpu.memref_squeeze %dma_wait3A_742 : memref<1x8x128xf32, #tpu.memory_space<vmem>> -> memref<8x128xf32, #tpu.memory_space<vmem>>
      %dma_wait3A_744 = tpu.memref_slice %arg2[%multiple_of3A_52, %multiple_of3A_48] : memref<4096x16384xf32, #tpu.memory_space<hbm>> -> memref<8x128xf32, #tpu.memory_space<hbm>>
      tpu.wait_dma2 semaphore(%arg8 : memref<!tpu.dma_semaphore, #tpu.memory_space<semaphore_mem>>) src(%dma_wait3A_744 : memref<8x128xf32, #tpu.memory_space<hbm>>) dst(%dma_wait3A_743 : memref<8x128xf32, #tpu.memory_space<vmem>>)
      %dma_wait3A_745 = arith.constant 2 : i32
      %dma_wait3A_746 = arith.constant 0 : i32
      %dma_wait3A_747 = arith.constant 0 : i32
      %dma_wait3A_748 = tpu.memref_slice %arg6[%dma_wait3A_745, %dma_wait3A_746, %dma_wait3A_747] : memref<32x8x128xf32, #tpu.memory_space<vmem>> -> memref<1x8x128xf32, #tpu.memory_space<vmem>>
      %dma_wait3A_749 = tpu.memref_squeeze %dma_wait3A_748 : memref<1x8x128xf32, #tpu.memory_space<vmem>> -> memref<8x128xf32, #tpu.memory_space<vmem>>
      %dma_wait3A_750 = tpu.memref_slice %arg2[%multiple_of3A_74, %multiple_of3A_70] : memref<4096x16384xf32, #tpu.memory_space<hbm>> -> memref<8x128xf32, #tpu.memory_space<hbm>>
      %dma_wait3A_751 = arith.constant 0 : i32
      %dma_wait3A_752 = arith.constant 0 : i32
      %dma_wait3A_753 = tpu.memref_slice %arg6[%dma_wait3A_745, %dma_wait3A_751, %dma_wait3A_752] : memref<32x8x128xf32, #tpu.memory_space<vmem>> -> memref<1x8x128xf32, #tpu.memory_space<vmem>>
      %dma_wait3A_754 = tpu.memref_squeeze %dma_wait3A_753 : memref<1x8x128xf32, #tpu.memory_space<vmem>> -> memref<8x128xf32, #tpu.memory_space<vmem>>
      %dma_wait3A_755 = tpu.memref_slice %arg2[%multiple_of3A_74, %multiple_of3A_70] : memref<4096x16384xf32, #tpu.memory_space<hbm>> -> memref<8x128xf32, #tpu.memory_space<hbm>>
      tpu.wait_dma2 semaphore(%arg8 : memref<!tpu.dma_semaphore, #tpu.memory_space<semaphore_mem>>) src(%dma_wait3A_755 : memref<8x128xf32, #tpu.memory_space<hbm>>) dst(%dma_wait3A_754 : memref<8x128xf32, #tpu.memory_space<vmem>>)
      %dma_wait3A_756 = arith.constant 3 : i32
      %dma_wait3A_757 = arith.constant 0 : i32
      %dma_wait3A_758 = arith.constant 0 : i32
      %dma_wait3A_759 = tpu.memref_slice %arg6[%dma_wait3A_756, %dma_wait3A_757, %dma_wait3A_758] : memref<32x8x128xf32, #tpu.memory_space<vmem>> -> memref<1x8x128xf32, #tpu.memory_space<vmem>>
      %dma_wait3A_760 = tpu.memref_squeeze %dma_wait3A_759 : memref<1x8x128xf32, #tpu.memory_space<vmem>> -> memref<8x128xf32, #tpu.memory_space<vmem>>
      %dma_wait3A_761 = tpu.memref_slice %arg2[%multiple_of3A_96, %multiple_of3A_92] : memref<4096x16384xf32, #tpu.memory_space<hbm>> -> memref<8x128xf32, #tpu.memory_space<hbm>>
      %dma_wait3A_762 = arith.constant 0 : i32
      %dma_wait3A_763 = arith.constant 0 : i32
      %dma_wait3A_764 = tpu.memref_slice %arg6[%dma_wait3A_756, %dma_wait3A_762, %dma_wait3A_763] : memref<32x8x128xf32, #tpu.memory_space<vmem>> -> memref<1x8x128xf32, #tpu.memory_space<vmem>>
      %dma_wait3A_765 = tpu.memref_squeeze %dma_wait3A_764 : memref<1x8x128xf32, #tpu.memory_space<vmem>> -> memref<8x128xf32, #tpu.memory_space<vmem>>
      %dma_wait3A_766 = tpu.memref_slice %arg2[%multiple_of3A_96, %multiple_of3A_92] : memref<4096x16384xf32, #tpu.memory_space<hbm>> -> memref<8x128xf32, #tpu.memory_space<hbm>>
      tpu.wait_dma2 semaphore(%arg8 : memref<!tpu.dma_semaphore, #tpu.memory_space<semaphore_mem>>) src(%dma_wait3A_766 : memref<8x128xf32, #tpu.memory_space<hbm>>) dst(%dma_wait3A_765 : memref<8x128xf32, #tpu.memory_space<vmem>>)
      %dma_wait3A_767 = arith.constant 4 : i32
      %dma_wait3A_768 = arith.constant 0 : i32
      %dma_wait3A_769 = arith.constant 0 : i32
      %dma_wait3A_770 = tpu.memref_slice %arg6[%dma_wait3A_767, %dma_wait3A_768, %dma_wait3A_769] : memref<32x8x128xf32, #tpu.memory_space<vmem>> -> memref<1x8x128xf32, #tpu.memory_space<vmem>>
      %dma_wait3A_771 = tpu.memref_squeeze %dma_wait3A_770 : memref<1x8x128xf32, #tpu.memory_space<vmem>> -> memref<8x128xf32, #tpu.memory_space<vmem>>
      %dma_wait3A_772 = tpu.memref_slice %arg2[%multiple_of3A_118, %multiple_of3A_114] : memref<4096x16384xf32, #tpu.memory_space<hbm>> -> memref<8x128xf32, #tpu.memory_space<hbm>>
      %dma_wait3A_773 = arith.constant 0 : i32
      %dma_wait3A_774 = arith.constant 0 : i32
      %dma_wait3A_775 = tpu.memref_slice %arg6[%dma_wait3A_767, %dma_wait3A_773, %dma_wait3A_774] : memref<32x8x128xf32, #tpu.memory_space<vmem>> -> memref<1x8x128xf32, #tpu.memory_space<vmem>>
      %dma_wait3A_776 = tpu.memref_squeeze %dma_wait3A_775 : memref<1x8x128xf32, #tpu.memory_space<vmem>> -> memref<8x128xf32, #tpu.memory_space<vmem>>
      %dma_wait3A_777 = tpu.memref_slice %arg2[%multiple_of3A_118, %multiple_of3A_114] : memref<4096x16384xf32, #tpu.memory_space<hbm>> -> memref<8x128xf32, #tpu.memory_space<hbm>>
      tpu.wait_dma2 semaphore(%arg8 : memref<!tpu.dma_semaphore, #tpu.memory_space<semaphore_mem>>) src(%dma_wait3A_777 : memref<8x128xf32, #tpu.memory_space<hbm>>) dst(%dma_wait3A_776 : memref<8x128xf32, #tpu.memory_space<vmem>>)
      %dma_wait3A_778 = arith.constant 5 : i32
      %dma_wait3A_779 = arith.constant 0 : i32
      %dma_wait3A_780 = arith.constant 0 : i32
      %dma_wait3A_781 = tpu.memref_slice %arg6[%dma_wait3A_778, %dma_wait3A_779, %dma_wait3A_780] : memref<32x8x128xf32, #tpu.memory_space<vmem>> -> memref<1x8x128xf32, #tpu.memory_space<vmem>>
      %dma_wait3A_782 = tpu.memref_squeeze %dma_wait3A_781 : memref<1x8x128xf32, #tpu.memory_space<vmem>> -> memref<8x128xf32, #tpu.memory_space<vmem>>
      %dma_wait3A_783 = tpu.memref_slice %arg2[%multiple_of3A_140, %multiple_of3A_136] : memref<4096x16384xf32, #tpu.memory_space<hbm>> -> memref<8x128xf32, #tpu.memory_space<hbm>>
      %dma_wait3A_784 = arith.constant 0 : i32
      %dma_wait3A_785 = arith.constant 0 : i32
      %dma_wait3A_786 = tpu.memref_slice %arg6[%dma_wait3A_778, %dma_wait3A_784, %dma_wait3A_785] : memref<32x8x128xf32, #tpu.memory_space<vmem>> -> memref<1x8x128xf32, #tpu.memory_space<vmem>>
      %dma_wait3A_787 = tpu.memref_squeeze %dma_wait3A_786 : memref<1x8x128xf32, #tpu.memory_space<vmem>> -> memref<8x128xf32, #tpu.memory_space<vmem>>
      %dma_wait3A_788 = tpu.memref_slice %arg2[%multiple_of3A_140, %multiple_of3A_136] : memref<4096x16384xf32, #tpu.memory_space<hbm>> -> memref<8x128xf32, #tpu.memory_space<hbm>>
      tpu.wait_dma2 semaphore(%arg8 : memref<!tpu.dma_semaphore, #tpu.memory_space<semaphore_mem>>) src(%dma_wait3A_788 : memref<8x128xf32, #tpu.memory_space<hbm>>) dst(%dma_wait3A_787 : memref<8x128xf32, #tpu.memory_space<vmem>>)
      %dma_wait3A_789 = arith.constant 6 : i32
      %dma_wait3A_790 = arith.constant 0 : i32
      %dma_wait3A_791 = arith.constant 0 : i32
      %dma_wait3A_792 = tpu.memref_slice %arg6[%dma_wait3A_789, %dma_wait3A_790, %dma_wait3A_791] : memref<32x8x128xf32, #tpu.memory_space<vmem>> -> memref<1x8x128xf32, #tpu.memory_space<vmem>>
      %dma_wait3A_793 = tpu.memref_squeeze %dma_wait3A_792 : memref<1x8x128xf32, #tpu.memory_space<vmem>> -> memref<8x128xf32, #tpu.memory_space<vmem>>
      %dma_wait3A_794 = tpu.memref_slice %arg2[%multiple_of3A_162, %multiple_of3A_158] : memref<4096x16384xf32, #tpu.memory_space<hbm>> -> memref<8x128xf32, #tpu.memory_space<hbm>>
      %dma_wait3A_795 = arith.constant 0 : i32
      %dma_wait3A_796 = arith.constant 0 : i32
      %dma_wait3A_797 = tpu.memref_slice %arg6[%dma_wait3A_789, %dma_wait3A_795, %dma_wait3A_796] : memref<32x8x128xf32, #tpu.memory_space<vmem>> -> memref<1x8x128xf32, #tpu.memory_space<vmem>>
      %dma_wait3A_798 = tpu.memref_squeeze %dma_wait3A_797 : memref<1x8x128xf32, #tpu.memory_space<vmem>> -> memref<8x128xf32, #tpu.memory_space<vmem>>
      %dma_wait3A_799 = tpu.memref_slice %arg2[%multiple_of3A_162, %multiple_of3A_158] : memref<4096x16384xf32, #tpu.memory_space<hbm>> -> memref<8x128xf32, #tpu.memory_space<hbm>>
      tpu.wait_dma2 semaphore(%arg8 : memref<!tpu.dma_semaphore, #tpu.memory_space<semaphore_mem>>) src(%dma_wait3A_799 : memref<8x128xf32, #tpu.memory_space<hbm>>) dst(%dma_wait3A_798 : memref<8x128xf32, #tpu.memory_space<vmem>>)
      %dma_wait3A_800 = arith.constant 7 : i32
      %dma_wait3A_801 = arith.constant 0 : i32
      %dma_wait3A_802 = arith.constant 0 : i32
      %dma_wait3A_803 = tpu.memref_slice %arg6[%dma_wait3A_800, %dma_wait3A_801, %dma_wait3A_802] : memref<32x8x128xf32, #tpu.memory_space<vmem>> -> memref<1x8x128xf32, #tpu.memory_space<vmem>>
      %dma_wait3A_804 = tpu.memref_squeeze %dma_wait3A_803 : memref<1x8x128xf32, #tpu.memory_space<vmem>> -> memref<8x128xf32, #tpu.memory_space<vmem>>
      %dma_wait3A_805 = tpu.memref_slice %arg2[%multiple_of3A_184, %multiple_of3A_180] : memref<4096x16384xf32, #tpu.memory_space<hbm>> -> memref<8x128xf32, #tpu.memory_space<hbm>>
      %dma_wait3A_806 = arith.constant 0 : i32
      %dma_wait3A_807 = arith.constant 0 : i32
      %dma_wait3A_808 = tpu.memref_slice %arg6[%dma_wait3A_800, %dma_wait3A_806, %dma_wait3A_807] : memref<32x8x128xf32, #tpu.memory_space<vmem>> -> memref<1x8x128xf32, #tpu.memory_space<vmem>>
      %dma_wait3A_809 = tpu.memref_squeeze %dma_wait3A_808 : memref<1x8x128xf32, #tpu.memory_space<vmem>> -> memref<8x128xf32, #tpu.memory_space<vmem>>
      %dma_wait3A_810 = tpu.memref_slice %arg2[%multiple_of3A_184, %multiple_of3A_180] : memref<4096x16384xf32, #tpu.memory_space<hbm>> -> memref<8x128xf32, #tpu.memory_space<hbm>>
      tpu.wait_dma2 semaphore(%arg8 : memref<!tpu.dma_semaphore, #tpu.memory_space<semaphore_mem>>) src(%dma_wait3A_810 : memref<8x128xf32, #tpu.memory_space<hbm>>) dst(%dma_wait3A_809 : memref<8x128xf32, #tpu.memory_space<vmem>>)
      %dma_wait3A_811 = arith.constant 8 : i32
      %dma_wait3A_812 = arith.constant 0 : i32
      %dma_wait3A_813 = arith.constant 0 : i32
      %dma_wait3A_814 = tpu.memref_slice %arg6[%dma_wait3A_811, %dma_wait3A_812, %dma_wait3A_813] : memref<32x8x128xf32, #tpu.memory_space<vmem>> -> memref<1x8x128xf32, #tpu.memory_space<vmem>>
      %dma_wait3A_815 = tpu.memref_squeeze %dma_wait3A_814 : memref<1x8x128xf32, #tpu.memory_space<vmem>> -> memref<8x128xf32, #tpu.memory_space<vmem>>
      %dma_wait3A_816 = tpu.memref_slice %arg2[%multiple_of3A_206, %multiple_of3A_202] : memref<4096x16384xf32, #tpu.memory_space<hbm>> -> memref<8x128xf32, #tpu.memory_space<hbm>>
      %dma_wait3A_817 = arith.constant 0 : i32
      %dma_wait3A_818 = arith.constant 0 : i32
      %dma_wait3A_819 = tpu.memref_slice %arg6[%dma_wait3A_811, %dma_wait3A_817, %dma_wait3A_818] : memref<32x8x128xf32, #tpu.memory_space<vmem>> -> memref<1x8x128xf32, #tpu.memory_space<vmem>>
      %dma_wait3A_820 = tpu.memref_squeeze %dma_wait3A_819 : memref<1x8x128xf32, #tpu.memory_space<vmem>> -> memref<8x128xf32, #tpu.memory_space<vmem>>
      %dma_wait3A_821 = tpu.memref_slice %arg2[%multiple_of3A_206, %multiple_of3A_202] : memref<4096x16384xf32, #tpu.memory_space<hbm>> -> memref<8x128xf32, #tpu.memory_space<hbm>>
      tpu.wait_dma2 semaphore(%arg8 : memref<!tpu.dma_semaphore, #tpu.memory_space<semaphore_mem>>) src(%dma_wait3A_821 : memref<8x128xf32, #tpu.memory_space<hbm>>) dst(%dma_wait3A_820 : memref<8x128xf32, #tpu.memory_space<vmem>>)
      %dma_wait3A_822 = arith.constant 9 : i32
      %dma_wait3A_823 = arith.constant 0 : i32
      %dma_wait3A_824 = arith.constant 0 : i32
      %dma_wait3A_825 = tpu.memref_slice %arg6[%dma_wait3A_822, %dma_wait3A_823, %dma_wait3A_824] : memref<32x8x128xf32, #tpu.memory_space<vmem>> -> memref<1x8x128xf32, #tpu.memory_space<vmem>>
      %dma_wait3A_826 = tpu.memref_squeeze %dma_wait3A_825 : memref<1x8x128xf32, #tpu.memory_space<vmem>> -> memref<8x128xf32, #tpu.memory_space<vmem>>
      %dma_wait3A_827 = tpu.memref_slice %arg2[%multiple_of3A_228, %multiple_of3A_224] : memref<4096x16384xf32, #tpu.memory_space<hbm>> -> memref<8x128xf32, #tpu.memory_space<hbm>>
      %dma_wait3A_828 = arith.constant 0 : i32
      %dma_wait3A_829 = arith.constant 0 : i32
      %dma_wait3A_830 = tpu.memref_slice %arg6[%dma_wait3A_822, %dma_wait3A_828, %dma_wait3A_829] : memref<32x8x128xf32, #tpu.memory_space<vmem>> -> memref<1x8x128xf32, #tpu.memory_space<vmem>>
      %dma_wait3A_831 = tpu.memref_squeeze %dma_wait3A_830 : memref<1x8x128xf32, #tpu.memory_space<vmem>> -> memref<8x128xf32, #tpu.memory_space<vmem>>
      %dma_wait3A_832 = tpu.memref_slice %arg2[%multiple_of3A_228, %multiple_of3A_224] : memref<4096x16384xf32, #tpu.memory_space<hbm>> -> memref<8x128xf32, #tpu.memory_space<hbm>>
      tpu.wait_dma2 semaphore(%arg8 : memref<!tpu.dma_semaphore, #tpu.memory_space<semaphore_mem>>) src(%dma_wait3A_832 : memref<8x128xf32, #tpu.memory_space<hbm>>) dst(%dma_wait3A_831 : memref<8x128xf32, #tpu.memory_space<vmem>>)
      %dma_wait3A_833 = arith.constant 10 : i32
      %dma_wait3A_834 = arith.constant 0 : i32
      %dma_wait3A_835 = arith.constant 0 : i32
      %dma_wait3A_836 = tpu.memref_slice %arg6[%dma_wait3A_833, %dma_wait3A_834, %dma_wait3A_835] : memref<32x8x128xf32, #tpu.memory_space<vmem>> -> memref<1x8x128xf32, #tpu.memory_space<vmem>>
      %dma_wait3A_837 = tpu.memref_squeeze %dma_wait3A_836 : memref<1x8x128xf32, #tpu.memory_space<vmem>> -> memref<8x128xf32, #tpu.memory_space<vmem>>
      %dma_wait3A_838 = tpu.memref_slice %arg2[%multiple_of3A_250, %multiple_of3A_246] : memref<4096x16384xf32, #tpu.memory_space<hbm>> -> memref<8x128xf32, #tpu.memory_space<hbm>>
      %dma_wait3A_839 = arith.constant 0 : i32
      %dma_wait3A_840 = arith.constant 0 : i32
      %dma_wait3A_841 = tpu.memref_slice %arg6[%dma_wait3A_833, %dma_wait3A_839, %dma_wait3A_840] : memref<32x8x128xf32, #tpu.memory_space<vmem>> -> memref<1x8x128xf32, #tpu.memory_space<vmem>>
      %dma_wait3A_842 = tpu.memref_squeeze %dma_wait3A_841 : memref<1x8x128xf32, #tpu.memory_space<vmem>> -> memref<8x128xf32, #tpu.memory_space<vmem>>
      %dma_wait3A_843 = tpu.memref_slice %arg2[%multiple_of3A_250, %multiple_of3A_246] : memref<4096x16384xf32, #tpu.memory_space<hbm>> -> memref<8x128xf32, #tpu.memory_space<hbm>>
      tpu.wait_dma2 semaphore(%arg8 : memref<!tpu.dma_semaphore, #tpu.memory_space<semaphore_mem>>) src(%dma_wait3A_843 : memref<8x128xf32, #tpu.memory_space<hbm>>) dst(%dma_wait3A_842 : memref<8x128xf32, #tpu.memory_space<vmem>>)
      %dma_wait3A_844 = arith.constant 11 : i32
      %dma_wait3A_845 = arith.constant 0 : i32
      %dma_wait3A_846 = arith.constant 0 : i32
      %dma_wait3A_847 = tpu.memref_slice %arg6[%dma_wait3A_844, %dma_wait3A_845, %dma_wait3A_846] : memref<32x8x128xf32, #tpu.memory_space<vmem>> -> memref<1x8x128xf32, #tpu.memory_space<vmem>>
      %dma_wait3A_848 = tpu.memref_squeeze %dma_wait3A_847 : memref<1x8x128xf32, #tpu.memory_space<vmem>> -> memref<8x128xf32, #tpu.memory_space<vmem>>
      %dma_wait3A_849 = tpu.memref_slice %arg2[%multiple_of3A_272, %multiple_of3A_268] : memref<4096x16384xf32, #tpu.memory_space<hbm>> -> memref<8x128xf32, #tpu.memory_space<hbm>>
      %dma_wait3A_850 = arith.constant 0 : i32
      %dma_wait3A_851 = arith.constant 0 : i32
      %dma_wait3A_852 = tpu.memref_slice %arg6[%dma_wait3A_844, %dma_wait3A_850, %dma_wait3A_851] : memref<32x8x128xf32, #tpu.memory_space<vmem>> -> memref<1x8x128xf32, #tpu.memory_space<vmem>>
      %dma_wait3A_853 = tpu.memref_squeeze %dma_wait3A_852 : memref<1x8x128xf32, #tpu.memory_space<vmem>> -> memref<8x128xf32, #tpu.memory_space<vmem>>
      %dma_wait3A_854 = tpu.memref_slice %arg2[%multiple_of3A_272, %multiple_of3A_268] : memref<4096x16384xf32, #tpu.memory_space<hbm>> -> memref<8x128xf32, #tpu.memory_space<hbm>>
      tpu.wait_dma2 semaphore(%arg8 : memref<!tpu.dma_semaphore, #tpu.memory_space<semaphore_mem>>) src(%dma_wait3A_854 : memref<8x128xf32, #tpu.memory_space<hbm>>) dst(%dma_wait3A_853 : memref<8x128xf32, #tpu.memory_space<vmem>>)
      %dma_wait3A_855 = arith.constant 12 : i32
      %dma_wait3A_856 = arith.constant 0 : i32
      %dma_wait3A_857 = arith.constant 0 : i32
      %dma_wait3A_858 = tpu.memref_slice %arg6[%dma_wait3A_855, %dma_wait3A_856, %dma_wait3A_857] : memref<32x8x128xf32, #tpu.memory_space<vmem>> -> memref<1x8x128xf32, #tpu.memory_space<vmem>>
      %dma_wait3A_859 = tpu.memref_squeeze %dma_wait3A_858 : memref<1x8x128xf32, #tpu.memory_space<vmem>> -> memref<8x128xf32, #tpu.memory_space<vmem>>
      %dma_wait3A_860 = tpu.memref_slice %arg2[%multiple_of3A_294, %multiple_of3A_290] : memref<4096x16384xf32, #tpu.memory_space<hbm>> -> memref<8x128xf32, #tpu.memory_space<hbm>>
      %dma_wait3A_861 = arith.constant 0 : i32
      %dma_wait3A_862 = arith.constant 0 : i32
      %dma_wait3A_863 = tpu.memref_slice %arg6[%dma_wait3A_855, %dma_wait3A_861, %dma_wait3A_862] : memref<32x8x128xf32, #tpu.memory_space<vmem>> -> memref<1x8x128xf32, #tpu.memory_space<vmem>>
      %dma_wait3A_864 = tpu.memref_squeeze %dma_wait3A_863 : memref<1x8x128xf32, #tpu.memory_space<vmem>> -> memref<8x128xf32, #tpu.memory_space<vmem>>
      %dma_wait3A_865 = tpu.memref_slice %arg2[%multiple_of3A_294, %multiple_of3A_290] : memref<4096x16384xf32, #tpu.memory_space<hbm>> -> memref<8x128xf32, #tpu.memory_space<hbm>>
      tpu.wait_dma2 semaphore(%arg8 : memref<!tpu.dma_semaphore, #tpu.memory_space<semaphore_mem>>) src(%dma_wait3A_865 : memref<8x128xf32, #tpu.memory_space<hbm>>) dst(%dma_wait3A_864 : memref<8x128xf32, #tpu.memory_space<vmem>>)
      %dma_wait3A_866 = arith.constant 13 : i32
      %dma_wait3A_867 = arith.constant 0 : i32
      %dma_wait3A_868 = arith.constant 0 : i32
      %dma_wait3A_869 = tpu.memref_slice %arg6[%dma_wait3A_866, %dma_wait3A_867, %dma_wait3A_868] : memref<32x8x128xf32, #tpu.memory_space<vmem>> -> memref<1x8x128xf32, #tpu.memory_space<vmem>>
      %dma_wait3A_870 = tpu.memref_squeeze %dma_wait3A_869 : memref<1x8x128xf32, #tpu.memory_space<vmem>> -> memref<8x128xf32, #tpu.memory_space<vmem>>
      %dma_wait3A_871 = tpu.memref_slice %arg2[%multiple_of3A_316, %multiple_of3A_312] : memref<4096x16384xf32, #tpu.memory_space<hbm>> -> memref<8x128xf32, #tpu.memory_space<hbm>>
      %dma_wait3A_872 = arith.constant 0 : i32
      %dma_wait3A_873 = arith.constant 0 : i32
      %dma_wait3A_874 = tpu.memref_slice %arg6[%dma_wait3A_866, %dma_wait3A_872, %dma_wait3A_873] : memref<32x8x128xf32, #tpu.memory_space<vmem>> -> memref<1x8x128xf32, #tpu.memory_space<vmem>>
      %dma_wait3A_875 = tpu.memref_squeeze %dma_wait3A_874 : memref<1x8x128xf32, #tpu.memory_space<vmem>> -> memref<8x128xf32, #tpu.memory_space<vmem>>
      %dma_wait3A_876 = tpu.memref_slice %arg2[%multiple_of3A_316, %multiple_of3A_312] : memref<4096x16384xf32, #tpu.memory_space<hbm>> -> memref<8x128xf32, #tpu.memory_space<hbm>>
      tpu.wait_dma2 semaphore(%arg8 : memref<!tpu.dma_semaphore, #tpu.memory_space<semaphore_mem>>) src(%dma_wait3A_876 : memref<8x128xf32, #tpu.memory_space<hbm>>) dst(%dma_wait3A_875 : memref<8x128xf32, #tpu.memory_space<vmem>>)
      %dma_wait3A_877 = arith.constant 14 : i32
      %dma_wait3A_878 = arith.constant 0 : i32
      %dma_wait3A_879 = arith.constant 0 : i32
      %dma_wait3A_880 = tpu.memref_slice %arg6[%dma_wait3A_877, %dma_wait3A_878, %dma_wait3A_879] : memref<32x8x128xf32, #tpu.memory_space<vmem>> -> memref<1x8x128xf32, #tpu.memory_space<vmem>>
      %dma_wait3A_881 = tpu.memref_squeeze %dma_wait3A_880 : memref<1x8x128xf32, #tpu.memory_space<vmem>> -> memref<8x128xf32, #tpu.memory_space<vmem>>
      %dma_wait3A_882 = tpu.memref_slice %arg2[%multiple_of3A_338, %multiple_of3A_334] : memref<4096x16384xf32, #tpu.memory_space<hbm>> -> memref<8x128xf32, #tpu.memory_space<hbm>>
      %dma_wait3A_883 = arith.constant 0 : i32
      %dma_wait3A_884 = arith.constant 0 : i32
      %dma_wait3A_885 = tpu.memref_slice %arg6[%dma_wait3A_877, %dma_wait3A_883, %dma_wait3A_884] : memref<32x8x128xf32, #tpu.memory_space<vmem>> -> memref<1x8x128xf32, #tpu.memory_space<vmem>>
      %dma_wait3A_886 = tpu.memref_squeeze %dma_wait3A_885 : memref<1x8x128xf32, #tpu.memory_space<vmem>> -> memref<8x128xf32, #tpu.memory_space<vmem>>
      %dma_wait3A_887 = tpu.memref_slice %arg2[%multiple_of3A_338, %multiple_of3A_334] : memref<4096x16384xf32, #tpu.memory_space<hbm>> -> memref<8x128xf32, #tpu.memory_space<hbm>>
      tpu.wait_dma2 semaphore(%arg8 : memref<!tpu.dma_semaphore, #tpu.memory_space<semaphore_mem>>) src(%dma_wait3A_887 : memref<8x128xf32, #tpu.memory_space<hbm>>) dst(%dma_wait3A_886 : memref<8x128xf32, #tpu.memory_space<vmem>>)
      %dma_wait3A_888 = arith.constant 15 : i32
      %dma_wait3A_889 = arith.constant 0 : i32
      %dma_wait3A_890 = arith.constant 0 : i32
      %dma_wait3A_891 = tpu.memref_slice %arg6[%dma_wait3A_888, %dma_wait3A_889, %dma_wait3A_890] : memref<32x8x128xf32, #tpu.memory_space<vmem>> -> memref<1x8x128xf32, #tpu.memory_space<vmem>>
      %dma_wait3A_892 = tpu.memref_squeeze %dma_wait3A_891 : memref<1x8x128xf32, #tpu.memory_space<vmem>> -> memref<8x128xf32, #tpu.memory_space<vmem>>
      %dma_wait3A_893 = tpu.memref_slice %arg2[%multiple_of3A_360, %multiple_of3A_356] : memref<4096x16384xf32, #tpu.memory_space<hbm>> -> memref<8x128xf32, #tpu.memory_space<hbm>>
      %dma_wait3A_894 = arith.constant 0 : i32
      %dma_wait3A_895 = arith.constant 0 : i32
      %dma_wait3A_896 = tpu.memref_slice %arg6[%dma_wait3A_888, %dma_wait3A_894, %dma_wait3A_895] : memref<32x8x128xf32, #tpu.memory_space<vmem>> -> memref<1x8x128xf32, #tpu.memory_space<vmem>>
      %dma_wait3A_897 = tpu.memref_squeeze %dma_wait3A_896 : memref<1x8x128xf32, #tpu.memory_space<vmem>> -> memref<8x128xf32, #tpu.memory_space<vmem>>
      %dma_wait3A_898 = tpu.memref_slice %arg2[%multiple_of3A_360, %multiple_of3A_356] : memref<4096x16384xf32, #tpu.memory_space<hbm>> -> memref<8x128xf32, #tpu.memory_space<hbm>>
      tpu.wait_dma2 semaphore(%arg8 : memref<!tpu.dma_semaphore, #tpu.memory_space<semaphore_mem>>) src(%dma_wait3A_898 : memref<8x128xf32, #tpu.memory_space<hbm>>) dst(%dma_wait3A_897 : memref<8x128xf32, #tpu.memory_space<vmem>>)
      %dma_wait3A_899 = arith.constant 16 : i32
      %dma_wait3A_900 = arith.constant 0 : i32
      %dma_wait3A_901 = arith.constant 0 : i32
      %dma_wait3A_902 = tpu.memref_slice %arg6[%dma_wait3A_899, %dma_wait3A_900, %dma_wait3A_901] : memref<32x8x128xf32, #tpu.memory_space<vmem>> -> memref<1x8x128xf32, #tpu.memory_space<vmem>>
      %dma_wait3A_903 = tpu.memref_squeeze %dma_wait3A_902 : memref<1x8x128xf32, #tpu.memory_space<vmem>> -> memref<8x128xf32, #tpu.memory_space<vmem>>
      %dma_wait3A_904 = tpu.memref_slice %arg2[%multiple_of3A_382, %multiple_of3A_378] : memref<4096x16384xf32, #tpu.memory_space<hbm>> -> memref<8x128xf32, #tpu.memory_space<hbm>>
      %dma_wait3A_905 = arith.constant 0 : i32
      %dma_wait3A_906 = arith.constant 0 : i32
      %dma_wait3A_907 = tpu.memref_slice %arg6[%dma_wait3A_899, %dma_wait3A_905, %dma_wait3A_906] : memref<32x8x128xf32, #tpu.memory_space<vmem>> -> memref<1x8x128xf32, #tpu.memory_space<vmem>>
      %dma_wait3A_908 = tpu.memref_squeeze %dma_wait3A_907 : memref<1x8x128xf32, #tpu.memory_space<vmem>> -> memref<8x128xf32, #tpu.memory_space<vmem>>
      %dma_wait3A_909 = tpu.memref_slice %arg2[%multiple_of3A_382, %multiple_of3A_378] : memref<4096x16384xf32, #tpu.memory_space<hbm>> -> memref<8x128xf32, #tpu.memory_space<hbm>>
      tpu.wait_dma2 semaphore(%arg8 : memref<!tpu.dma_semaphore, #tpu.memory_space<semaphore_mem>>) src(%dma_wait3A_909 : memref<8x128xf32, #tpu.memory_space<hbm>>) dst(%dma_wait3A_908 : memref<8x128xf32, #tpu.memory_space<vmem>>)
      %dma_wait3A_910 = arith.constant 17 : i32
      %dma_wait3A_911 = arith.constant 0 : i32
      %dma_wait3A_912 = arith.constant 0 : i32
      %dma_wait3A_913 = tpu.memref_slice %arg6[%dma_wait3A_910, %dma_wait3A_911, %dma_wait3A_912] : memref<32x8x128xf32, #tpu.memory_space<vmem>> -> memref<1x8x128xf32, #tpu.memory_space<vmem>>
      %dma_wait3A_914 = tpu.memref_squeeze %dma_wait3A_913 : memref<1x8x128xf32, #tpu.memory_space<vmem>> -> memref<8x128xf32, #tpu.memory_space<vmem>>
      %dma_wait3A_915 = tpu.memref_slice %arg2[%multiple_of3A_404, %multiple_of3A_400] : memref<4096x16384xf32, #tpu.memory_space<hbm>> -> memref<8x128xf32, #tpu.memory_space<hbm>>
      %dma_wait3A_916 = arith.constant 0 : i32
      %dma_wait3A_917 = arith.constant 0 : i32
      %dma_wait3A_918 = tpu.memref_slice %arg6[%dma_wait3A_910, %dma_wait3A_916, %dma_wait3A_917] : memref<32x8x128xf32, #tpu.memory_space<vmem>> -> memref<1x8x128xf32, #tpu.memory_space<vmem>>
      %dma_wait3A_919 = tpu.memref_squeeze %dma_wait3A_918 : memref<1x8x128xf32, #tpu.memory_space<vmem>> -> memref<8x128xf32, #tpu.memory_space<vmem>>
      %dma_wait3A_920 = tpu.memref_slice %arg2[%multiple_of3A_404, %multiple_of3A_400] : memref<4096x16384xf32, #tpu.memory_space<hbm>> -> memref<8x128xf32, #tpu.memory_space<hbm>>
      tpu.wait_dma2 semaphore(%arg8 : memref<!tpu.dma_semaphore, #tpu.memory_space<semaphore_mem>>) src(%dma_wait3A_920 : memref<8x128xf32, #tpu.memory_space<hbm>>) dst(%dma_wait3A_919 : memref<8x128xf32, #tpu.memory_space<vmem>>)
      %dma_wait3A_921 = arith.constant 18 : i32
      %dma_wait3A_922 = arith.constant 0 : i32
      %dma_wait3A_923 = arith.constant 0 : i32
      %dma_wait3A_924 = tpu.memref_slice %arg6[%dma_wait3A_921, %dma_wait3A_922, %dma_wait3A_923] : memref<32x8x128xf32, #tpu.memory_space<vmem>> -> memref<1x8x128xf32, #tpu.memory_space<vmem>>
      %dma_wait3A_925 = tpu.memref_squeeze %dma_wait3A_924 : memref<1x8x128xf32, #tpu.memory_space<vmem>> -> memref<8x128xf32, #tpu.memory_space<vmem>>
      %dma_wait3A_926 = tpu.memref_slice %arg2[%multiple_of3A_426, %multiple_of3A_422] : memref<4096x16384xf32, #tpu.memory_space<hbm>> -> memref<8x128xf32, #tpu.memory_space<hbm>>
      %dma_wait3A_927 = arith.constant 0 : i32
      %dma_wait3A_928 = arith.constant 0 : i32
      %dma_wait3A_929 = tpu.memref_slice %arg6[%dma_wait3A_921, %dma_wait3A_927, %dma_wait3A_928] : memref<32x8x128xf32, #tpu.memory_space<vmem>> -> memref<1x8x128xf32, #tpu.memory_space<vmem>>
      %dma_wait3A_930 = tpu.memref_squeeze %dma_wait3A_929 : memref<1x8x128xf32, #tpu.memory_space<vmem>> -> memref<8x128xf32, #tpu.memory_space<vmem>>
      %dma_wait3A_931 = tpu.memref_slice %arg2[%multiple_of3A_426, %multiple_of3A_422] : memref<4096x16384xf32, #tpu.memory_space<hbm>> -> memref<8x128xf32, #tpu.memory_space<hbm>>
      tpu.wait_dma2 semaphore(%arg8 : memref<!tpu.dma_semaphore, #tpu.memory_space<semaphore_mem>>) src(%dma_wait3A_931 : memref<8x128xf32, #tpu.memory_space<hbm>>) dst(%dma_wait3A_930 : memref<8x128xf32, #tpu.memory_space<vmem>>)
      %dma_wait3A_932 = arith.constant 19 : i32
      %dma_wait3A_933 = arith.constant 0 : i32
      %dma_wait3A_934 = arith.constant 0 : i32
      %dma_wait3A_935 = tpu.memref_slice %arg6[%dma_wait3A_932, %dma_wait3A_933, %dma_wait3A_934] : memref<32x8x128xf32, #tpu.memory_space<vmem>> -> memref<1x8x128xf32, #tpu.memory_space<vmem>>
      %dma_wait3A_936 = tpu.memref_squeeze %dma_wait3A_935 : memref<1x8x128xf32, #tpu.memory_space<vmem>> -> memref<8x128xf32, #tpu.memory_space<vmem>>
      %dma_wait3A_937 = tpu.memref_slice %arg2[%multiple_of3A_448, %multiple_of3A_444] : memref<4096x16384xf32, #tpu.memory_space<hbm>> -> memref<8x128xf32, #tpu.memory_space<hbm>>
      %dma_wait3A_938 = arith.constant 0 : i32
      %dma_wait3A_939 = arith.constant 0 : i32
      %dma_wait3A_940 = tpu.memref_slice %arg6[%dma_wait3A_932, %dma_wait3A_938, %dma_wait3A_939] : memref<32x8x128xf32, #tpu.memory_space<vmem>> -> memref<1x8x128xf32, #tpu.memory_space<vmem>>
      %dma_wait3A_941 = tpu.memref_squeeze %dma_wait3A_940 : memref<1x8x128xf32, #tpu.memory_space<vmem>> -> memref<8x128xf32, #tpu.memory_space<vmem>>
      %dma_wait3A_942 = tpu.memref_slice %arg2[%multiple_of3A_448, %multiple_of3A_444] : memref<4096x16384xf32, #tpu.memory_space<hbm>> -> memref<8x128xf32, #tpu.memory_space<hbm>>
      tpu.wait_dma2 semaphore(%arg8 : memref<!tpu.dma_semaphore, #tpu.memory_space<semaphore_mem>>) src(%dma_wait3A_942 : memref<8x128xf32, #tpu.memory_space<hbm>>) dst(%dma_wait3A_941 : memref<8x128xf32, #tpu.memory_space<vmem>>)
      %dma_wait3A_943 = arith.constant 20 : i32
      %dma_wait3A_944 = arith.constant 0 : i32
      %dma_wait3A_945 = arith.constant 0 : i32
      %dma_wait3A_946 = tpu.memref_slice %arg6[%dma_wait3A_943, %dma_wait3A_944, %dma_wait3A_945] : memref<32x8x128xf32, #tpu.memory_space<vmem>> -> memref<1x8x128xf32, #tpu.memory_space<vmem>>
      %dma_wait3A_947 = tpu.memref_squeeze %dma_wait3A_946 : memref<1x8x128xf32, #tpu.memory_space<vmem>> -> memref<8x128xf32, #tpu.memory_space<vmem>>
      %dma_wait3A_948 = tpu.memref_slice %arg2[%multiple_of3A_470, %multiple_of3A_466] : memref<4096x16384xf32, #tpu.memory_space<hbm>> -> memref<8x128xf32, #tpu.memory_space<hbm>>
      %dma_wait3A_949 = arith.constant 0 : i32
      %dma_wait3A_950 = arith.constant 0 : i32
      %dma_wait3A_951 = tpu.memref_slice %arg6[%dma_wait3A_943, %dma_wait3A_949, %dma_wait3A_950] : memref<32x8x128xf32, #tpu.memory_space<vmem>> -> memref<1x8x128xf32, #tpu.memory_space<vmem>>
      %dma_wait3A_952 = tpu.memref_squeeze %dma_wait3A_951 : memref<1x8x128xf32, #tpu.memory_space<vmem>> -> memref<8x128xf32, #tpu.memory_space<vmem>>
      %dma_wait3A_953 = tpu.memref_slice %arg2[%multiple_of3A_470, %multiple_of3A_466] : memref<4096x16384xf32, #tpu.memory_space<hbm>> -> memref<8x128xf32, #tpu.memory_space<hbm>>
      tpu.wait_dma2 semaphore(%arg8 : memref<!tpu.dma_semaphore, #tpu.memory_space<semaphore_mem>>) src(%dma_wait3A_953 : memref<8x128xf32, #tpu.memory_space<hbm>>) dst(%dma_wait3A_952 : memref<8x128xf32, #tpu.memory_space<vmem>>)
      %dma_wait3A_954 = arith.constant 21 : i32
      %dma_wait3A_955 = arith.constant 0 : i32
      %dma_wait3A_956 = arith.constant 0 : i32
      %dma_wait3A_957 = tpu.memref_slice %arg6[%dma_wait3A_954, %dma_wait3A_955, %dma_wait3A_956] : memref<32x8x128xf32, #tpu.memory_space<vmem>> -> memref<1x8x128xf32, #tpu.memory_space<vmem>>
      %dma_wait3A_958 = tpu.memref_squeeze %dma_wait3A_957 : memref<1x8x128xf32, #tpu.memory_space<vmem>> -> memref<8x128xf32, #tpu.memory_space<vmem>>
      %dma_wait3A_959 = tpu.memref_slice %arg2[%multiple_of3A_492, %multiple_of3A_488] : memref<4096x16384xf32, #tpu.memory_space<hbm>> -> memref<8x128xf32, #tpu.memory_space<hbm>>
      %dma_wait3A_960 = arith.constant 0 : i32
      %dma_wait3A_961 = arith.constant 0 : i32
      %dma_wait3A_962 = tpu.memref_slice %arg6[%dma_wait3A_954, %dma_wait3A_960, %dma_wait3A_961] : memref<32x8x128xf32, #tpu.memory_space<vmem>> -> memref<1x8x128xf32, #tpu.memory_space<vmem>>
      %dma_wait3A_963 = tpu.memref_squeeze %dma_wait3A_962 : memref<1x8x128xf32, #tpu.memory_space<vmem>> -> memref<8x128xf32, #tpu.memory_space<vmem>>
      %dma_wait3A_964 = tpu.memref_slice %arg2[%multiple_of3A_492, %multiple_of3A_488] : memref<4096x16384xf32, #tpu.memory_space<hbm>> -> memref<8x128xf32, #tpu.memory_space<hbm>>
      tpu.wait_dma2 semaphore(%arg8 : memref<!tpu.dma_semaphore, #tpu.memory_space<semaphore_mem>>) src(%dma_wait3A_964 : memref<8x128xf32, #tpu.memory_space<hbm>>) dst(%dma_wait3A_963 : memref<8x128xf32, #tpu.memory_space<vmem>>)
      %dma_wait3A_965 = arith.constant 22 : i32
      %dma_wait3A_966 = arith.constant 0 : i32
      %dma_wait3A_967 = arith.constant 0 : i32
      %dma_wait3A_968 = tpu.memref_slice %arg6[%dma_wait3A_965, %dma_wait3A_966, %dma_wait3A_967] : memref<32x8x128xf32, #tpu.memory_space<vmem>> -> memref<1x8x128xf32, #tpu.memory_space<vmem>>
      %dma_wait3A_969 = tpu.memref_squeeze %dma_wait3A_968 : memref<1x8x128xf32, #tpu.memory_space<vmem>> -> memref<8x128xf32, #tpu.memory_space<vmem>>
      %dma_wait3A_970 = tpu.memref_slice %arg2[%multiple_of3A_514, %multiple_of3A_510] : memref<4096x16384xf32, #tpu.memory_space<hbm>> -> memref<8x128xf32, #tpu.memory_space<hbm>>
      %dma_wait3A_971 = arith.constant 0 : i32
      %dma_wait3A_972 = arith.constant 0 : i32
      %dma_wait3A_973 = tpu.memref_slice %arg6[%dma_wait3A_965, %dma_wait3A_971, %dma_wait3A_972] : memref<32x8x128xf32, #tpu.memory_space<vmem>> -> memref<1x8x128xf32, #tpu.memory_space<vmem>>
      %dma_wait3A_974 = tpu.memref_squeeze %dma_wait3A_973 : memref<1x8x128xf32, #tpu.memory_space<vmem>> -> memref<8x128xf32, #tpu.memory_space<vmem>>
      %dma_wait3A_975 = tpu.memref_slice %arg2[%multiple_of3A_514, %multiple_of3A_510] : memref<4096x16384xf32, #tpu.memory_space<hbm>> -> memref<8x128xf32, #tpu.memory_space<hbm>>
      tpu.wait_dma2 semaphore(%arg8 : memref<!tpu.dma_semaphore, #tpu.memory_space<semaphore_mem>>) src(%dma_wait3A_975 : memref<8x128xf32, #tpu.memory_space<hbm>>) dst(%dma_wait3A_974 : memref<8x128xf32, #tpu.memory_space<vmem>>)
      %dma_wait3A_976 = arith.constant 23 : i32
      %dma_wait3A_977 = arith.constant 0 : i32
      %dma_wait3A_978 = arith.constant 0 : i32
      %dma_wait3A_979 = tpu.memref_slice %arg6[%dma_wait3A_976, %dma_wait3A_977, %dma_wait3A_978] : memref<32x8x128xf32, #tpu.memory_space<vmem>> -> memref<1x8x128xf32, #tpu.memory_space<vmem>>
      %dma_wait3A_980 = tpu.memref_squeeze %dma_wait3A_979 : memref<1x8x128xf32, #tpu.memory_space<vmem>> -> memref<8x128xf32, #tpu.memory_space<vmem>>
      %dma_wait3A_981 = tpu.memref_slice %arg2[%multiple_of3A_536, %multiple_of3A_532] : memref<4096x16384xf32, #tpu.memory_space<hbm>> -> memref<8x128xf32, #tpu.memory_space<hbm>>
      %dma_wait3A_982 = arith.constant 0 : i32
      %dma_wait3A_983 = arith.constant 0 : i32
      %dma_wait3A_984 = tpu.memref_slice %arg6[%dma_wait3A_976, %dma_wait3A_982, %dma_wait3A_983] : memref<32x8x128xf32, #tpu.memory_space<vmem>> -> memref<1x8x128xf32, #tpu.memory_space<vmem>>
      %dma_wait3A_985 = tpu.memref_squeeze %dma_wait3A_984 : memref<1x8x128xf32, #tpu.memory_space<vmem>> -> memref<8x128xf32, #tpu.memory_space<vmem>>
      %dma_wait3A_986 = tpu.memref_slice %arg2[%multiple_of3A_536, %multiple_of3A_532] : memref<4096x16384xf32, #tpu.memory_space<hbm>> -> memref<8x128xf32, #tpu.memory_space<hbm>>
      tpu.wait_dma2 semaphore(%arg8 : memref<!tpu.dma_semaphore, #tpu.memory_space<semaphore_mem>>) src(%dma_wait3A_986 : memref<8x128xf32, #tpu.memory_space<hbm>>) dst(%dma_wait3A_985 : memref<8x128xf32, #tpu.memory_space<vmem>>)
      %dma_wait3A_987 = arith.constant 24 : i32
      %dma_wait3A_988 = arith.constant 0 : i32
      %dma_wait3A_989 = arith.constant 0 : i32
      %dma_wait3A_990 = tpu.memref_slice %arg6[%dma_wait3A_987, %dma_wait3A_988, %dma_wait3A_989] : memref<32x8x128xf32, #tpu.memory_space<vmem>> -> memref<1x8x128xf32, #tpu.memory_space<vmem>>
      %dma_wait3A_991 = tpu.memref_squeeze %dma_wait3A_990 : memref<1x8x128xf32, #tpu.memory_space<vmem>> -> memref<8x128xf32, #tpu.memory_space<vmem>>
      %dma_wait3A_992 = tpu.memref_slice %arg2[%multiple_of3A_558, %multiple_of3A_554] : memref<4096x16384xf32, #tpu.memory_space<hbm>> -> memref<8x128xf32, #tpu.memory_space<hbm>>
      %dma_wait3A_993 = arith.constant 0 : i32
      %dma_wait3A_994 = arith.constant 0 : i32
      %dma_wait3A_995 = tpu.memref_slice %arg6[%dma_wait3A_987, %dma_wait3A_993, %dma_wait3A_994] : memref<32x8x128xf32, #tpu.memory_space<vmem>> -> memref<1x8x128xf32, #tpu.memory_space<vmem>>
      %dma_wait3A_996 = tpu.memref_squeeze %dma_wait3A_995 : memref<1x8x128xf32, #tpu.memory_space<vmem>> -> memref<8x128xf32, #tpu.memory_space<vmem>>
      %dma_wait3A_997 = tpu.memref_slice %arg2[%multiple_of3A_558, %multiple_of3A_554] : memref<4096x16384xf32, #tpu.memory_space<hbm>> -> memref<8x128xf32, #tpu.memory_space<hbm>>
      tpu.wait_dma2 semaphore(%arg8 : memref<!tpu.dma_semaphore, #tpu.memory_space<semaphore_mem>>) src(%dma_wait3A_997 : memref<8x128xf32, #tpu.memory_space<hbm>>) dst(%dma_wait3A_996 : memref<8x128xf32, #tpu.memory_space<vmem>>)
      %dma_wait3A_998 = arith.constant 25 : i32
      %dma_wait3A_999 = arith.constant 0 : i32
      %dma_wait3A_1000 = arith.constant 0 : i32
      %dma_wait3A_1001 = tpu.memref_slice %arg6[%dma_wait3A_998, %dma_wait3A_999, %dma_wait3A_1000] : memref<32x8x128xf32, #tpu.memory_space<vmem>> -> memref<1x8x128xf32, #tpu.memory_space<vmem>>
      %dma_wait3A_1002 = tpu.memref_squeeze %dma_wait3A_1001 : memref<1x8x128xf32, #tpu.memory_space<vmem>> -> memref<8x128xf32, #tpu.memory_space<vmem>>
      %dma_wait3A_1003 = tpu.memref_slice %arg2[%multiple_of3A_580, %multiple_of3A_576] : memref<4096x16384xf32, #tpu.memory_space<hbm>> -> memref<8x128xf32, #tpu.memory_space<hbm>>
      %dma_wait3A_1004 = arith.constant 0 : i32
      %dma_wait3A_1005 = arith.constant 0 : i32
      %dma_wait3A_1006 = tpu.memref_slice %arg6[%dma_wait3A_998, %dma_wait3A_1004, %dma_wait3A_1005] : memref<32x8x128xf32, #tpu.memory_space<vmem>> -> memref<1x8x128xf32, #tpu.memory_space<vmem>>
      %dma_wait3A_1007 = tpu.memref_squeeze %dma_wait3A_1006 : memref<1x8x128xf32, #tpu.memory_space<vmem>> -> memref<8x128xf32, #tpu.memory_space<vmem>>
      %dma_wait3A_1008 = tpu.memref_slice %arg2[%multiple_of3A_580, %multiple_of3A_576] : memref<4096x16384xf32, #tpu.memory_space<hbm>> -> memref<8x128xf32, #tpu.memory_space<hbm>>
      tpu.wait_dma2 semaphore(%arg8 : memref<!tpu.dma_semaphore, #tpu.memory_space<semaphore_mem>>) src(%dma_wait3A_1008 : memref<8x128xf32, #tpu.memory_space<hbm>>) dst(%dma_wait3A_1007 : memref<8x128xf32, #tpu.memory_space<vmem>>)
      %dma_wait3A_1009 = arith.constant 26 : i32
      %dma_wait3A_1010 = arith.constant 0 : i32
      %dma_wait3A_1011 = arith.constant 0 : i32
      %dma_wait3A_1012 = tpu.memref_slice %arg6[%dma_wait3A_1009, %dma_wait3A_1010, %dma_wait3A_1011] : memref<32x8x128xf32, #tpu.memory_space<vmem>> -> memref<1x8x128xf32, #tpu.memory_space<vmem>>
      %dma_wait3A_1013 = tpu.memref_squeeze %dma_wait3A_1012 : memref<1x8x128xf32, #tpu.memory_space<vmem>> -> memref<8x128xf32, #tpu.memory_space<vmem>>
      %dma_wait3A_1014 = tpu.memref_slice %arg2[%multiple_of3A_602, %multiple_of3A_598] : memref<4096x16384xf32, #tpu.memory_space<hbm>> -> memref<8x128xf32, #tpu.memory_space<hbm>>
      %dma_wait3A_1015 = arith.constant 0 : i32
      %dma_wait3A_1016 = arith.constant 0 : i32
      %dma_wait3A_1017 = tpu.memref_slice %arg6[%dma_wait3A_1009, %dma_wait3A_1015, %dma_wait3A_1016] : memref<32x8x128xf32, #tpu.memory_space<vmem>> -> memref<1x8x128xf32, #tpu.memory_space<vmem>>
      %dma_wait3A_1018 = tpu.memref_squeeze %dma_wait3A_1017 : memref<1x8x128xf32, #tpu.memory_space<vmem>> -> memref<8x128xf32, #tpu.memory_space<vmem>>
      %dma_wait3A_1019 = tpu.memref_slice %arg2[%multiple_of3A_602, %multiple_of3A_598] : memref<4096x16384xf32, #tpu.memory_space<hbm>> -> memref<8x128xf32, #tpu.memory_space<hbm>>
      tpu.wait_dma2 semaphore(%arg8 : memref<!tpu.dma_semaphore, #tpu.memory_space<semaphore_mem>>) src(%dma_wait3A_1019 : memref<8x128xf32, #tpu.memory_space<hbm>>) dst(%dma_wait3A_1018 : memref<8x128xf32, #tpu.memory_space<vmem>>)
      %dma_wait3A_1020 = arith.constant 27 : i32
      %dma_wait3A_1021 = arith.constant 0 : i32
      %dma_wait3A_1022 = arith.constant 0 : i32
      %dma_wait3A_1023 = tpu.memref_slice %arg6[%dma_wait3A_1020, %dma_wait3A_1021, %dma_wait3A_1022] : memref<32x8x128xf32, #tpu.memory_space<vmem>> -> memref<1x8x128xf32, #tpu.memory_space<vmem>>
      %dma_wait3A_1024 = tpu.memref_squeeze %dma_wait3A_1023 : memref<1x8x128xf32, #tpu.memory_space<vmem>> -> memref<8x128xf32, #tpu.memory_space<vmem>>
      %dma_wait3A_1025 = tpu.memref_slice %arg2[%multiple_of3A_624, %multiple_of3A_620] : memref<4096x16384xf32, #tpu.memory_space<hbm>> -> memref<8x128xf32, #tpu.memory_space<hbm>>
      %dma_wait3A_1026 = arith.constant 0 : i32
      %dma_wait3A_1027 = arith.constant 0 : i32
      %dma_wait3A_1028 = tpu.memref_slice %arg6[%dma_wait3A_1020, %dma_wait3A_1026, %dma_wait3A_1027] : memref<32x8x128xf32, #tpu.memory_space<vmem>> -> memref<1x8x128xf32, #tpu.memory_space<vmem>>
      %dma_wait3A_1029 = tpu.memref_squeeze %dma_wait3A_1028 : memref<1x8x128xf32, #tpu.memory_space<vmem>> -> memref<8x128xf32, #tpu.memory_space<vmem>>
      %dma_wait3A_1030 = tpu.memref_slice %arg2[%multiple_of3A_624, %multiple_of3A_620] : memref<4096x16384xf32, #tpu.memory_space<hbm>> -> memref<8x128xf32, #tpu.memory_space<hbm>>
      tpu.wait_dma2 semaphore(%arg8 : memref<!tpu.dma_semaphore, #tpu.memory_space<semaphore_mem>>) src(%dma_wait3A_1030 : memref<8x128xf32, #tpu.memory_space<hbm>>) dst(%dma_wait3A_1029 : memref<8x128xf32, #tpu.memory_space<vmem>>)
      %dma_wait3A_1031 = arith.constant 28 : i32
      %dma_wait3A_1032 = arith.constant 0 : i32
      %dma_wait3A_1033 = arith.constant 0 : i32
      %dma_wait3A_1034 = tpu.memref_slice %arg6[%dma_wait3A_1031, %dma_wait3A_1032, %dma_wait3A_1033] : memref<32x8x128xf32, #tpu.memory_space<vmem>> -> memref<1x8x128xf32, #tpu.memory_space<vmem>>
      %dma_wait3A_1035 = tpu.memref_squeeze %dma_wait3A_1034 : memref<1x8x128xf32, #tpu.memory_space<vmem>> -> memref<8x128xf32, #tpu.memory_space<vmem>>
      %dma_wait3A_1036 = tpu.memref_slice %arg2[%multiple_of3A_646, %multiple_of3A_642] : memref<4096x16384xf32, #tpu.memory_space<hbm>> -> memref<8x128xf32, #tpu.memory_space<hbm>>
      %dma_wait3A_1037 = arith.constant 0 : i32
      %dma_wait3A_1038 = arith.constant 0 : i32
      %dma_wait3A_1039 = tpu.memref_slice %arg6[%dma_wait3A_1031, %dma_wait3A_1037, %dma_wait3A_1038] : memref<32x8x128xf32, #tpu.memory_space<vmem>> -> memref<1x8x128xf32, #tpu.memory_space<vmem>>
      %dma_wait3A_1040 = tpu.memref_squeeze %dma_wait3A_1039 : memref<1x8x128xf32, #tpu.memory_space<vmem>> -> memref<8x128xf32, #tpu.memory_space<vmem>>
      %dma_wait3A_1041 = tpu.memref_slice %arg2[%multiple_of3A_646, %multiple_of3A_642] : memref<4096x16384xf32, #tpu.memory_space<hbm>> -> memref<8x128xf32, #tpu.memory_space<hbm>>
      tpu.wait_dma2 semaphore(%arg8 : memref<!tpu.dma_semaphore, #tpu.memory_space<semaphore_mem>>) src(%dma_wait3A_1041 : memref<8x128xf32, #tpu.memory_space<hbm>>) dst(%dma_wait3A_1040 : memref<8x128xf32, #tpu.memory_space<vmem>>)
      %dma_wait3A_1042 = arith.constant 29 : i32
      %dma_wait3A_1043 = arith.constant 0 : i32
      %dma_wait3A_1044 = arith.constant 0 : i32
      %dma_wait3A_1045 = tpu.memref_slice %arg6[%dma_wait3A_1042, %dma_wait3A_1043, %dma_wait3A_1044] : memref<32x8x128xf32, #tpu.memory_space<vmem>> -> memref<1x8x128xf32, #tpu.memory_space<vmem>>
      %dma_wait3A_1046 = tpu.memref_squeeze %dma_wait3A_1045 : memref<1x8x128xf32, #tpu.memory_space<vmem>> -> memref<8x128xf32, #tpu.memory_space<vmem>>
      %dma_wait3A_1047 = tpu.memref_slice %arg2[%multiple_of3A_668, %multiple_of3A_664] : memref<4096x16384xf32, #tpu.memory_space<hbm>> -> memref<8x128xf32, #tpu.memory_space<hbm>>
      %dma_wait3A_1048 = arith.constant 0 : i32
      %dma_wait3A_1049 = arith.constant 0 : i32
      %dma_wait3A_1050 = tpu.memref_slice %arg6[%dma_wait3A_1042, %dma_wait3A_1048, %dma_wait3A_1049] : memref<32x8x128xf32, #tpu.memory_space<vmem>> -> memref<1x8x128xf32, #tpu.memory_space<vmem>>
      %dma_wait3A_1051 = tpu.memref_squeeze %dma_wait3A_1050 : memref<1x8x128xf32, #tpu.memory_space<vmem>> -> memref<8x128xf32, #tpu.memory_space<vmem>>
      %dma_wait3A_1052 = tpu.memref_slice %arg2[%multiple_of3A_668, %multiple_of3A_664] : memref<4096x16384xf32, #tpu.memory_space<hbm>> -> memref<8x128xf32, #tpu.memory_space<hbm>>
      tpu.wait_dma2 semaphore(%arg8 : memref<!tpu.dma_semaphore, #tpu.memory_space<semaphore_mem>>) src(%dma_wait3A_1052 : memref<8x128xf32, #tpu.memory_space<hbm>>) dst(%dma_wait3A_1051 : memref<8x128xf32, #tpu.memory_space<vmem>>)
      %dma_wait3A_1053 = arith.constant 30 : i32
      %dma_wait3A_1054 = arith.constant 0 : i32
      %dma_wait3A_1055 = arith.constant 0 : i32
      %dma_wait3A_1056 = tpu.memref_slice %arg6[%dma_wait3A_1053, %dma_wait3A_1054, %dma_wait3A_1055] : memref<32x8x128xf32, #tpu.memory_space<vmem>> -> memref<1x8x128xf32, #tpu.memory_space<vmem>>
      %dma_wait3A_1057 = tpu.memref_squeeze %dma_wait3A_1056 : memref<1x8x128xf32, #tpu.memory_space<vmem>> -> memref<8x128xf32, #tpu.memory_space<vmem>>
      %dma_wait3A_1058 = tpu.memref_slice %arg2[%multiple_of3A_690, %multiple_of3A_686] : memref<4096x16384xf32, #tpu.memory_space<hbm>> -> memref<8x128xf32, #tpu.memory_space<hbm>>
      %dma_wait3A_1059 = arith.constant 0 : i32
      %dma_wait3A_1060 = arith.constant 0 : i32
      %dma_wait3A_1061 = tpu.memref_slice %arg6[%dma_wait3A_1053, %dma_wait3A_1059, %dma_wait3A_1060] : memref<32x8x128xf32, #tpu.memory_space<vmem>> -> memref<1x8x128xf32, #tpu.memory_space<vmem>>
      %dma_wait3A_1062 = tpu.memref_squeeze %dma_wait3A_1061 : memref<1x8x128xf32, #tpu.memory_space<vmem>> -> memref<8x128xf32, #tpu.memory_space<vmem>>
      %dma_wait3A_1063 = tpu.memref_slice %arg2[%multiple_of3A_690, %multiple_of3A_686] : memref<4096x16384xf32, #tpu.memory_space<hbm>> -> memref<8x128xf32, #tpu.memory_space<hbm>>
      tpu.wait_dma2 semaphore(%arg8 : memref<!tpu.dma_semaphore, #tpu.memory_space<semaphore_mem>>) src(%dma_wait3A_1063 : memref<8x128xf32, #tpu.memory_space<hbm>>) dst(%dma_wait3A_1062 : memref<8x128xf32, #tpu.memory_space<vmem>>)
      %dma_wait3A_1064 = arith.constant 31 : i32
      %dma_wait3A_1065 = arith.constant 0 : i32
      %dma_wait3A_1066 = arith.constant 0 : i32
      %dma_wait3A_1067 = tpu.memref_slice %arg6[%dma_wait3A_1064, %dma_wait3A_1065, %dma_wait3A_1066] : memref<32x8x128xf32, #tpu.memory_space<vmem>> -> memref<1x8x128xf32, #tpu.memory_space<vmem>>
      %dma_wait3A_1068 = tpu.memref_squeeze %dma_wait3A_1067 : memref<1x8x128xf32, #tpu.memory_space<vmem>> -> memref<8x128xf32, #tpu.memory_space<vmem>>
      %dma_wait3A_1069 = tpu.memref_slice %arg2[%multiple_of3A_712, %multiple_of3A_708] : memref<4096x16384xf32, #tpu.memory_space<hbm>> -> memref<8x128xf32, #tpu.memory_space<hbm>>
      %dma_wait3A_1070 = arith.constant 0 : i32
      %dma_wait3A_1071 = arith.constant 0 : i32
      %dma_wait3A_1072 = tpu.memref_slice %arg6[%dma_wait3A_1064, %dma_wait3A_1070, %dma_wait3A_1071] : memref<32x8x128xf32, #tpu.memory_space<vmem>> -> memref<1x8x128xf32, #tpu.memory_space<vmem>>
      %dma_wait3A_1073 = tpu.memref_squeeze %dma_wait3A_1072 : memref<1x8x128xf32, #tpu.memory_space<vmem>> -> memref<8x128xf32, #tpu.memory_space<vmem>>
      %dma_wait3A_1074 = tpu.memref_slice %arg2[%multiple_of3A_712, %multiple_of3A_708] : memref<4096x16384xf32, #tpu.memory_space<hbm>> -> memref<8x128xf32, #tpu.memory_space<hbm>>
      tpu.wait_dma2 semaphore(%arg8 : memref<!tpu.dma_semaphore, #tpu.memory_space<semaphore_mem>>) src(%dma_wait3A_1074 : memref<8x128xf32, #tpu.memory_space<hbm>>) dst(%dma_wait3A_1073 : memref<8x128xf32, #tpu.memory_space<vmem>>)
      %slice3A_1075 = vector.extract_strided_slice %get3A_19 {offsets = [0], sizes = [1], strides = [1]} : vector<16xi32> to vector<1xi32>
      %squeeze3A_1076 = vector.extract %slice3A_1075[0] : i32 from vector<1xi32>
      %and3A = arith.constant 127 : i32
      %and3A_1077 = arith.andi %squeeze3A_1076, %and3A : i32
      %shift_right_logical3A_1078 = arith.constant 4 : i32
      %shift_right_logical3A_1079 = arith.shrui %and3A_1077, %shift_right_logical3A_1078 : i32
      %shift_left3A_1080 = arith.constant 4 : i32
      %shift_left3A_1081 = arith.shli %shift_right_logical3A_1079, %shift_left3A_1080 : i32
      %get3A_1082 = arith.constant 0 : i32
      %get3A_1083 = arith.constant 0 : i32
      %get3A_1084 = arith.index_cast %get3A_1082 : i32 to index
      %get3A_1085 = arith.index_cast %get3A_1083 : i32 to index
      %get3A_1086 = arith.index_cast %shift_left3A_1081 : i32 to index
      %get3A_1087 = tpu.vector_load %arg6[%get3A_1084, %get3A_1085, %get3A_1086] {strides = array<i32>} : memref<32x8x128xf32, #tpu.memory_space<vmem>>, vector<1x1x16xf32>,
      %get3A_1088 = vector.shape_cast %get3A_1087 : vector<1x1x16xf32> to vector<16xf32>
      %and3A_1089 = arith.constant 15 : i32
      %and3A_1090 = arith.andi %squeeze3A_1076, %and3A_1089 : i32
      %eq3A = vector.broadcast %and3A_1090 : i32 to vector<16xi32>
      %eq3A_1091 = arith.cmpi eq, %iota3A, %eq3A : vector<16xi32>
      %jit3A = arith.constant 0.000000e+00 : f32
      %broadcast_in_dim3A_1092 = vector.broadcast %jit3A : f32 to vector<16xf32>
      %select_n3A = arith.select %eq3A_1091, %get3A_1088, %broadcast_in_dim3A_1092 : vector<16xi1>, vector<16xf32>
      %add3A_1093 = arith.addf %scan3A_13, %select_n3A : vector<16xf32>
      %slice3A_1094 = vector.extract_strided_slice %get3A_19 {offsets = [1], sizes = [1], strides = [1]} : vector<16xi32> to vector<1xi32>
      %squeeze3A_1095 = vector.extract %slice3A_1094[0] : i32 from vector<1xi32>
      %and3A_1096 = arith.constant 127 : i32
      %and3A_1097 = arith.andi %squeeze3A_1095, %and3A_1096 : i32
      %shift_right_logical3A_1098 = arith.constant 4 : i32
      %shift_right_logical3A_1099 = arith.shrui %and3A_1097, %shift_right_logical3A_1098 : i32
      %shift_left3A_1100 = arith.constant 4 : i32
      %shift_left3A_1101 = arith.shli %shift_right_logical3A_1099, %shift_left3A_1100 : i32
      %get3A_1102 = arith.constant 1 : i32
      %get3A_1103 = arith.constant 1 : i32
      %get3A_1104 = arith.index_cast %get3A_1102 : i32 to index
      %get3A_1105 = arith.index_cast %get3A_1103 : i32 to index
      %get3A_1106 = arith.index_cast %shift_left3A_1101 : i32 to index
      %get3A_1107 = tpu.vector_load %arg6[%get3A_1104, %get3A_1105, %get3A_1106] {strides = array<i32>} : memref<32x8x128xf32, #tpu.memory_space<vmem>>, vector<1x1x16xf32>,
      %get3A_1108 = vector.shape_cast %get3A_1107 : vector<1x1x16xf32> to vector<16xf32>
      %and3A_1109 = arith.constant 15 : i32
      %and3A_1110 = arith.andi %squeeze3A_1095, %and3A_1109 : i32
      %eq3A_1111 = vector.broadcast %and3A_1110 : i32 to vector<16xi32>
      %eq3A_1112 = arith.cmpi eq, %iota3A, %eq3A_1111 : vector<16xi32>
      %jit3A_1113 = arith.constant 0.000000e+00 : f32
      %broadcast_in_dim3A_1114 = vector.broadcast %jit3A_1113 : f32 to vector<16xf32>
      %select_n3A_1115 = arith.select %eq3A_1112, %get3A_1108, %broadcast_in_dim3A_1114 : vector<16xi1>, vector<16xf32>
      %add3A_1116 = arith.addf %add3A_1093, %select_n3A_1115 : vector<16xf32>
      %slice3A_1117 = vector.extract_strided_slice %get3A_19 {offsets = [2], sizes = [1], strides = [1]} : vector<16xi32> to vector<1xi32>
      %squeeze3A_1118 = vector.extract %slice3A_1117[0] : i32 from vector<1xi32>
      %and3A_1119 = arith.constant 127 : i32
      %and3A_1120 = arith.andi %squeeze3A_1118, %and3A_1119 : i32
      %shift_right_logical3A_1121 = arith.constant 4 : i32
      %shift_right_logical3A_1122 = arith.shrui %and3A_1120, %shift_right_logical3A_1121 : i32
      %shift_left3A_1123 = arith.constant 4 : i32
      %shift_left3A_1124 = arith.shli %shift_right_logical3A_1122, %shift_left3A_1123 : i32
      %get3A_1125 = arith.constant 2 : i32
      %get3A_1126 = arith.constant 2 : i32
      %get3A_1127 = arith.index_cast %get3A_1125 : i32 to index
      %get3A_1128 = arith.index_cast %get3A_1126 : i32 to index
      %get3A_1129 = arith.index_cast %shift_left3A_1124 : i32 to index
      %get3A_1130 = tpu.vector_load %arg6[%get3A_1127, %get3A_1128, %get3A_1129] {strides = array<i32>} : memref<32x8x128xf32, #tpu.memory_space<vmem>>, vector<1x1x16xf32>,
      %get3A_1131 = vector.shape_cast %get3A_1130 : vector<1x1x16xf32> to vector<16xf32>
      %and3A_1132 = arith.constant 15 : i32
      %and3A_1133 = arith.andi %squeeze3A_1118, %and3A_1132 : i32
      %eq3A_1134 = vector.broadcast %and3A_1133 : i32 to vector<16xi32>
      %eq3A_1135 = arith.cmpi eq, %iota3A, %eq3A_1134 : vector<16xi32>
      %jit3A_1136 = arith.constant 0.000000e+00 : f32
      %broadcast_in_dim3A_1137 = vector.broadcast %jit3A_1136 : f32 to vector<16xf32>
      %select_n3A_1138 = arith.select %eq3A_1135, %get3A_1131, %broadcast_in_dim3A_1137 : vector<16xi1>, vector<16xf32>
      %add3A_1139 = arith.addf %add3A_1116, %select_n3A_1138 : vector<16xf32>
      %slice3A_1140 = vector.extract_strided_slice %get3A_19 {offsets = [3], sizes = [1], strides = [1]} : vector<16xi32> to vector<1xi32>
      %squeeze3A_1141 = vector.extract %slice3A_1140[0] : i32 from vector<1xi32>
      %and3A_1142 = arith.constant 127 : i32
      %and3A_1143 = arith.andi %squeeze3A_1141, %and3A_1142 : i32
      %shift_right_logical3A_1144 = arith.constant 4 : i32
      %shift_right_logical3A_1145 = arith.shrui %and3A_1143, %shift_right_logical3A_1144 : i32
      %shift_left3A_1146 = arith.constant 4 : i32
      %shift_left3A_1147 = arith.shli %shift_right_logical3A_1145, %shift_left3A_1146 : i32
      %get3A_1148 = arith.constant 3 : i32
      %get3A_1149 = arith.constant 3 : i32
      %get3A_1150 = arith.index_cast %get3A_1148 : i32 to index
      %get3A_1151 = arith.index_cast %get3A_1149 : i32 to index
      %get3A_1152 = arith.index_cast %shift_left3A_1147 : i32 to index
      %get3A_1153 = tpu.vector_load %arg6[%get3A_1150, %get3A_1151, %get3A_1152] {strides = array<i32>} : memref<32x8x128xf32, #tpu.memory_space<vmem>>, vector<1x1x16xf32>,
      %get3A_1154 = vector.shape_cast %get3A_1153 : vector<1x1x16xf32> to vector<16xf32>
      %and3A_1155 = arith.constant 15 : i32
      %and3A_1156 = arith.andi %squeeze3A_1141, %and3A_1155 : i32
      %eq3A_1157 = vector.broadcast %and3A_1156 : i32 to vector<16xi32>
      %eq3A_1158 = arith.cmpi eq, %iota3A, %eq3A_1157 : vector<16xi32>
      %jit3A_1159 = arith.constant 0.000000e+00 : f32
      %broadcast_in_dim3A_1160 = vector.broadcast %jit3A_1159 : f32 to vector<16xf32>
      %select_n3A_1161 = arith.select %eq3A_1158, %get3A_1154, %broadcast_in_dim3A_1160 : vector<16xi1>, vector<16xf32>
      %add3A_1162 = arith.addf %add3A_1139, %select_n3A_1161 : vector<16xf32>
      %slice3A_1163 = vector.extract_strided_slice %get3A_19 {offsets = [4], sizes = [1], strides = [1]} : vector<16xi32> to vector<1xi32>
      %squeeze3A_1164 = vector.extract %slice3A_1163[0] : i32 from vector<1xi32>
      %and3A_1165 = arith.constant 127 : i32
      %and3A_1166 = arith.andi %squeeze3A_1164, %and3A_1165 : i32
      %shift_right_logical3A_1167 = arith.constant 4 : i32
      %shift_right_logical3A_1168 = arith.shrui %and3A_1166, %shift_right_logical3A_1167 : i32
      %shift_left3A_1169 = arith.constant 4 : i32
      %shift_left3A_1170 = arith.shli %shift_right_logical3A_1168, %shift_left3A_1169 : i32
      %get3A_1171 = arith.constant 4 : i32
      %get3A_1172 = arith.constant 4 : i32
      %get3A_1173 = arith.index_cast %get3A_1171 : i32 to index
      %get3A_1174 = arith.index_cast %get3A_1172 : i32 to index
      %get3A_1175 = arith.index_cast %shift_left3A_1170 : i32 to index
      %get3A_1176 = tpu.vector_load %arg6[%get3A_1173, %get3A_1174, %get3A_1175] {strides = array<i32>} : memref<32x8x128xf32, #tpu.memory_space<vmem>>, vector<1x1x16xf32>,
      %get3A_1177 = vector.shape_cast %get3A_1176 : vector<1x1x16xf32> to vector<16xf32>
      %and3A_1178 = arith.constant 15 : i32
      %and3A_1179 = arith.andi %squeeze3A_1164, %and3A_1178 : i32
      %eq3A_1180 = vector.broadcast %and3A_1179 : i32 to vector<16xi32>
      %eq3A_1181 = arith.cmpi eq, %iota3A, %eq3A_1180 : vector<16xi32>
      %jit3A_1182 = arith.constant 0.000000e+00 : f32
      %broadcast_in_dim3A_1183 = vector.broadcast %jit3A_1182 : f32 to vector<16xf32>
      %select_n3A_1184 = arith.select %eq3A_1181, %get3A_1177, %broadcast_in_dim3A_1183 : vector<16xi1>, vector<16xf32>
      %add3A_1185 = arith.addf %add3A_1162, %select_n3A_1184 : vector<16xf32>
      %slice3A_1186 = vector.extract_strided_slice %get3A_19 {offsets = [5], sizes = [1], strides = [1]} : vector<16xi32> to vector<1xi32>
      %squeeze3A_1187 = vector.extract %slice3A_1186[0] : i32 from vector<1xi32>
      %and3A_1188 = arith.constant 127 : i32
      %and3A_1189 = arith.andi %squeeze3A_1187, %and3A_1188 : i32
      %shift_right_logical3A_1190 = arith.constant 4 : i32
      %shift_right_logical3A_1191 = arith.shrui %and3A_1189, %shift_right_logical3A_1190 : i32
      %shift_left3A_1192 = arith.constant 4 : i32
      %shift_left3A_1193 = arith.shli %shift_right_logical3A_1191, %shift_left3A_1192 : i32
      %get3A_1194 = arith.constant 5 : i32
      %get3A_1195 = arith.constant 5 : i32
      %get3A_1196 = arith.index_cast %get3A_1194 : i32 to index
      %get3A_1197 = arith.index_cast %get3A_1195 : i32 to index
      %get3A_1198 = arith.index_cast %shift_left3A_1193 : i32 to index
      %get3A_1199 = tpu.vector_load %arg6[%get3A_1196, %get3A_1197, %get3A_1198] {strides = array<i32>} : memref<32x8x128xf32, #tpu.memory_space<vmem>>, vector<1x1x16xf32>,
      %get3A_1200 = vector.shape_cast %get3A_1199 : vector<1x1x16xf32> to vector<16xf32>
      %and3A_1201 = arith.constant 15 : i32
      %and3A_1202 = arith.andi %squeeze3A_1187, %and3A_1201 : i32
      %eq3A_1203 = vector.broadcast %and3A_1202 : i32 to vector<16xi32>
      %eq3A_1204 = arith.cmpi eq, %iota3A, %eq3A_1203 : vector<16xi32>
      %jit3A_1205 = arith.constant 0.000000e+00 : f32
      %broadcast_in_dim3A_1206 = vector.broadcast %jit3A_1205 : f32 to vector<16xf32>
      %select_n3A_1207 = arith.select %eq3A_1204, %get3A_1200, %broadcast_in_dim3A_1206 : vector<16xi1>, vector<16xf32>
      %add3A_1208 = arith.addf %add3A_1185, %select_n3A_1207 : vector<16xf32>
      %slice3A_1209 = vector.extract_strided_slice %get3A_19 {offsets = [6], sizes = [1], strides = [1]} : vector<16xi32> to vector<1xi32>
      %squeeze3A_1210 = vector.extract %slice3A_1209[0] : i32 from vector<1xi32>
      %and3A_1211 = arith.constant 127 : i32
      %and3A_1212 = arith.andi %squeeze3A_1210, %and3A_1211 : i32
      %shift_right_logical3A_1213 = arith.constant 4 : i32
      %shift_right_logical3A_1214 = arith.shrui %and3A_1212, %shift_right_logical3A_1213 : i32
      %shift_left3A_1215 = arith.constant 4 : i32
      %shift_left3A_1216 = arith.shli %shift_right_logical3A_1214, %shift_left3A_1215 : i32
      %get3A_1217 = arith.constant 6 : i32
      %get3A_1218 = arith.constant 6 : i32
      %get3A_1219 = arith.index_cast %get3A_1217 : i32 to index
      %get3A_1220 = arith.index_cast %get3A_1218 : i32 to index
      %get3A_1221 = arith.index_cast %shift_left3A_1216 : i32 to index
      %get3A_1222 = tpu.vector_load %arg6[%get3A_1219, %get3A_1220, %get3A_1221] {strides = array<i32>} : memref<32x8x128xf32, #tpu.memory_space<vmem>>, vector<1x1x16xf32>,
      %get3A_1223 = vector.shape_cast %get3A_1222 : vector<1x1x16xf32> to vector<16xf32>
      %and3A_1224 = arith.constant 15 : i32
      %and3A_1225 = arith.andi %squeeze3A_1210, %and3A_1224 : i32
      %eq3A_1226 = vector.broadcast %and3A_1225 : i32 to vector<16xi32>
      %eq3A_1227 = arith.cmpi eq, %iota3A, %eq3A_1226 : vector<16xi32>
      %jit3A_1228 = arith.constant 0.000000e+00 : f32
      %broadcast_in_dim3A_1229 = vector.broadcast %jit3A_1228 : f32 to vector<16xf32>
      %select_n3A_1230 = arith.select %eq3A_1227, %get3A_1223, %broadcast_in_dim3A_1229 : vector<16xi1>, vector<16xf32>
      %add3A_1231 = arith.addf %add3A_1208, %select_n3A_1230 : vector<16xf32>
      %slice3A_1232 = vector.extract_strided_slice %get3A_19 {offsets = [7], sizes = [1], strides = [1]} : vector<16xi32> to vector<1xi32>
      %squeeze3A_1233 = vector.extract %slice3A_1232[0] : i32 from vector<1xi32>
      %and3A_1234 = arith.constant 127 : i32
      %and3A_1235 = arith.andi %squeeze3A_1233, %and3A_1234 : i32
      %shift_right_logical3A_1236 = arith.constant 4 : i32
      %shift_right_logical3A_1237 = arith.shrui %and3A_1235, %shift_right_logical3A_1236 : i32
      %shift_left3A_1238 = arith.constant 4 : i32
      %shift_left3A_1239 = arith.shli %shift_right_logical3A_1237, %shift_left3A_1238 : i32
      %get3A_1240 = arith.constant 7 : i32
      %get3A_1241 = arith.constant 7 : i32
      %get3A_1242 = arith.index_cast %get3A_1240 : i32 to index
      %get3A_1243 = arith.index_cast %get3A_1241 : i32 to index
      %get3A_1244 = arith.index_cast %shift_left3A_1239 : i32 to index
      %get3A_1245 = tpu.vector_load %arg6[%get3A_1242, %get3A_1243, %get3A_1244] {strides = array<i32>} : memref<32x8x128xf32, #tpu.memory_space<vmem>>, vector<1x1x16xf32>,
      %get3A_1246 = vector.shape_cast %get3A_1245 : vector<1x1x16xf32> to vector<16xf32>
      %and3A_1247 = arith.constant 15 : i32
      %and3A_1248 = arith.andi %squeeze3A_1233, %and3A_1247 : i32
      %eq3A_1249 = vector.broadcast %and3A_1248 : i32 to vector<16xi32>
      %eq3A_1250 = arith.cmpi eq, %iota3A, %eq3A_1249 : vector<16xi32>
      %jit3A_1251 = arith.constant 0.000000e+00 : f32
      %broadcast_in_dim3A_1252 = vector.broadcast %jit3A_1251 : f32 to vector<16xf32>
      %select_n3A_1253 = arith.select %eq3A_1250, %get3A_1246, %broadcast_in_dim3A_1252 : vector<16xi1>, vector<16xf32>
      %add3A_1254 = arith.addf %add3A_1231, %select_n3A_1253 : vector<16xf32>
      %slice3A_1255 = vector.extract_strided_slice %get3A_19 {offsets = [8], sizes = [1], strides = [1]} : vector<16xi32> to vector<1xi32>
      %squeeze3A_1256 = vector.extract %slice3A_1255[0] : i32 from vector<1xi32>
      %and3A_1257 = arith.constant 127 : i32
      %and3A_1258 = arith.andi %squeeze3A_1256, %and3A_1257 : i32
      %shift_right_logical3A_1259 = arith.constant 4 : i32
      %shift_right_logical3A_1260 = arith.shrui %and3A_1258, %shift_right_logical3A_1259 : i32
      %shift_left3A_1261 = arith.constant 4 : i32
      %shift_left3A_1262 = arith.shli %shift_right_logical3A_1260, %shift_left3A_1261 : i32
      %get3A_1263 = arith.constant 8 : i32
      %get3A_1264 = arith.constant 0 : i32
      %get3A_1265 = arith.index_cast %get3A_1263 : i32 to index
      %get3A_1266 = arith.index_cast %get3A_1264 : i32 to index
      %get3A_1267 = arith.index_cast %shift_left3A_1262 : i32 to index
      %get3A_1268 = tpu.vector_load %arg6[%get3A_1265, %get3A_1266, %get3A_1267] {strides = array<i32>} : memref<32x8x128xf32, #tpu.memory_space<vmem>>, vector<1x1x16xf32>,
      %get3A_1269 = vector.shape_cast %get3A_1268 : vector<1x1x16xf32> to vector<16xf32>
      %and3A_1270 = arith.constant 15 : i32
      %and3A_1271 = arith.andi %squeeze3A_1256, %and3A_1270 : i32
      %eq3A_1272 = vector.broadcast %and3A_1271 : i32 to vector<16xi32>
      %eq3A_1273 = arith.cmpi eq, %iota3A, %eq3A_1272 : vector<16xi32>
      %jit3A_1274 = arith.constant 0.000000e+00 : f32
      %broadcast_in_dim3A_1275 = vector.broadcast %jit3A_1274 : f32 to vector<16xf32>
      %select_n3A_1276 = arith.select %eq3A_1273, %get3A_1269, %broadcast_in_dim3A_1275 : vector<16xi1>, vector<16xf32>
      %add3A_1277 = arith.addf %add3A_1254, %select_n3A_1276 : vector<16xf32>
      %slice3A_1278 = vector.extract_strided_slice %get3A_19 {offsets = [9], sizes = [1], strides = [1]} : vector<16xi32> to vector<1xi32>
      %squeeze3A_1279 = vector.extract %slice3A_1278[0] : i32 from vector<1xi32>
      %and3A_1280 = arith.constant 127 : i32
      %and3A_1281 = arith.andi %squeeze3A_1279, %and3A_1280 : i32
      %shift_right_logical3A_1282 = arith.constant 4 : i32
      %shift_right_logical3A_1283 = arith.shrui %and3A_1281, %shift_right_logical3A_1282 : i32
      %shift_left3A_1284 = arith.constant 4 : i32
      %shift_left3A_1285 = arith.shli %shift_right_logical3A_1283, %shift_left3A_1284 : i32
      %get3A_1286 = arith.constant 9 : i32
      %get3A_1287 = arith.constant 1 : i32
      %get3A_1288 = arith.index_cast %get3A_1286 : i32 to index
      %get3A_1289 = arith.index_cast %get3A_1287 : i32 to index
      %get3A_1290 = arith.index_cast %shift_left3A_1285 : i32 to index
      %get3A_1291 = tpu.vector_load %arg6[%get3A_1288, %get3A_1289, %get3A_1290] {strides = array<i32>} : memref<32x8x128xf32, #tpu.memory_space<vmem>>, vector<1x1x16xf32>,
      %get3A_1292 = vector.shape_cast %get3A_1291 : vector<1x1x16xf32> to vector<16xf32>
      %and3A_1293 = arith.constant 15 : i32
      %and3A_1294 = arith.andi %squeeze3A_1279, %and3A_1293 : i32
      %eq3A_1295 = vector.broadcast %and3A_1294 : i32 to vector<16xi32>
      %eq3A_1296 = arith.cmpi eq, %iota3A, %eq3A_1295 : vector<16xi32>
      %jit3A_1297 = arith.constant 0.000000e+00 : f32
      %broadcast_in_dim3A_1298 = vector.broadcast %jit3A_1297 : f32 to vector<16xf32>
      %select_n3A_1299 = arith.select %eq3A_1296, %get3A_1292, %broadcast_in_dim3A_1298 : vector<16xi1>, vector<16xf32>
      %add3A_1300 = arith.addf %add3A_1277, %select_n3A_1299 : vector<16xf32>
      %slice3A_1301 = vector.extract_strided_slice %get3A_19 {offsets = [10], sizes = [1], strides = [1]} : vector<16xi32> to vector<1xi32>
      %squeeze3A_1302 = vector.extract %slice3A_1301[0] : i32 from vector<1xi32>
      %and3A_1303 = arith.constant 127 : i32
      %and3A_1304 = arith.andi %squeeze3A_1302, %and3A_1303 : i32
      %shift_right_logical3A_1305 = arith.constant 4 : i32
      %shift_right_logical3A_1306 = arith.shrui %and3A_1304, %shift_right_logical3A_1305 : i32
      %shift_left3A_1307 = arith.constant 4 : i32
      %shift_left3A_1308 = arith.shli %shift_right_logical3A_1306, %shift_left3A_1307 : i32
      %get3A_1309 = arith.constant 10 : i32
      %get3A_1310 = arith.constant 2 : i32
      %get3A_1311 = arith.index_cast %get3A_1309 : i32 to index
      %get3A_1312 = arith.index_cast %get3A_1310 : i32 to index
      %get3A_1313 = arith.index_cast %shift_left3A_1308 : i32 to index
      %get3A_1314 = tpu.vector_load %arg6[%get3A_1311, %get3A_1312, %get3A_1313] {strides = array<i32>} : memref<32x8x128xf32, #tpu.memory_space<vmem>>, vector<1x1x16xf32>,
      %get3A_1315 = vector.shape_cast %get3A_1314 : vector<1x1x16xf32> to vector<16xf32>
      %and3A_1316 = arith.constant 15 : i32
      %and3A_1317 = arith.andi %squeeze3A_1302, %and3A_1316 : i32
      %eq3A_1318 = vector.broadcast %and3A_1317 : i32 to vector<16xi32>
      %eq3A_1319 = arith.cmpi eq, %iota3A, %eq3A_1318 : vector<16xi32>
      %jit3A_1320 = arith.constant 0.000000e+00 : f32
      %broadcast_in_dim3A_1321 = vector.broadcast %jit3A_1320 : f32 to vector<16xf32>
      %select_n3A_1322 = arith.select %eq3A_1319, %get3A_1315, %broadcast_in_dim3A_1321 : vector<16xi1>, vector<16xf32>
      %add3A_1323 = arith.addf %add3A_1300, %select_n3A_1322 : vector<16xf32>
      %slice3A_1324 = vector.extract_strided_slice %get3A_19 {offsets = [11], sizes = [1], strides = [1]} : vector<16xi32> to vector<1xi32>
      %squeeze3A_1325 = vector.extract %slice3A_1324[0] : i32 from vector<1xi32>
      %and3A_1326 = arith.constant 127 : i32
      %and3A_1327 = arith.andi %squeeze3A_1325, %and3A_1326 : i32
      %shift_right_logical3A_1328 = arith.constant 4 : i32
      %shift_right_logical3A_1329 = arith.shrui %and3A_1327, %shift_right_logical3A_1328 : i32
      %shift_left3A_1330 = arith.constant 4 : i32
      %shift_left3A_1331 = arith.shli %shift_right_logical3A_1329, %shift_left3A_1330 : i32
      %get3A_1332 = arith.constant 11 : i32
      %get3A_1333 = arith.constant 3 : i32
      %get3A_1334 = arith.index_cast %get3A_1332 : i32 to index
      %get3A_1335 = arith.index_cast %get3A_1333 : i32 to index
      %get3A_1336 = arith.index_cast %shift_left3A_1331 : i32 to index
      %get3A_1337 = tpu.vector_load %arg6[%get3A_1334, %get3A_1335, %get3A_1336] {strides = array<i32>} : memref<32x8x128xf32, #tpu.memory_space<vmem>>, vector<1x1x16xf32>,
      %get3A_1338 = vector.shape_cast %get3A_1337 : vector<1x1x16xf32> to vector<16xf32>
      %and3A_1339 = arith.constant 15 : i32
      %and3A_1340 = arith.andi %squeeze3A_1325, %and3A_1339 : i32
      %eq3A_1341 = vector.broadcast %and3A_1340 : i32 to vector<16xi32>
      %eq3A_1342 = arith.cmpi eq, %iota3A, %eq3A_1341 : vector<16xi32>
      %jit3A_1343 = arith.constant 0.000000e+00 : f32
      %broadcast_in_dim3A_1344 = vector.broadcast %jit3A_1343 : f32 to vector<16xf32>
      %select_n3A_1345 = arith.select %eq3A_1342, %get3A_1338, %broadcast_in_dim3A_1344 : vector<16xi1>, vector<16xf32>
      %add3A_1346 = arith.addf %add3A_1323, %select_n3A_1345 : vector<16xf32>
      %slice3A_1347 = vector.extract_strided_slice %get3A_19 {offsets = [12], sizes = [1], strides = [1]} : vector<16xi32> to vector<1xi32>
      %squeeze3A_1348 = vector.extract %slice3A_1347[0] : i32 from vector<1xi32>
      %and3A_1349 = arith.constant 127 : i32
      %and3A_1350 = arith.andi %squeeze3A_1348, %and3A_1349 : i32
      %shift_right_logical3A_1351 = arith.constant 4 : i32
      %shift_right_logical3A_1352 = arith.shrui %and3A_1350, %shift_right_logical3A_1351 : i32
      %shift_left3A_1353 = arith.constant 4 : i32
      %shift_left3A_1354 = arith.shli %shift_right_logical3A_1352, %shift_left3A_1353 : i32
      %get3A_1355 = arith.constant 12 : i32
      %get3A_1356 = arith.constant 4 : i32
      %get3A_1357 = arith.index_cast %get3A_1355 : i32 to index
      %get3A_1358 = arith.index_cast %get3A_1356 : i32 to index
      %get3A_1359 = arith.index_cast %shift_left3A_1354 : i32 to index
      %get3A_1360 = tpu.vector_load %arg6[%get3A_1357, %get3A_1358, %get3A_1359] {strides = array<i32>} : memref<32x8x128xf32, #tpu.memory_space<vmem>>, vector<1x1x16xf32>,
      %get3A_1361 = vector.shape_cast %get3A_1360 : vector<1x1x16xf32> to vector<16xf32>
      %and3A_1362 = arith.constant 15 : i32
      %and3A_1363 = arith.andi %squeeze3A_1348, %and3A_1362 : i32
      %eq3A_1364 = vector.broadcast %and3A_1363 : i32 to vector<16xi32>
      %eq3A_1365 = arith.cmpi eq, %iota3A, %eq3A_1364 : vector<16xi32>
      %jit3A_1366 = arith.constant 0.000000e+00 : f32
      %broadcast_in_dim3A_1367 = vector.broadcast %jit3A_1366 : f32 to vector<16xf32>
      %select_n3A_1368 = arith.select %eq3A_1365, %get3A_1361, %broadcast_in_dim3A_1367 : vector<16xi1>, vector<16xf32>
      %add3A_1369 = arith.addf %add3A_1346, %select_n3A_1368 : vector<16xf32>
      %slice3A_1370 = vector.extract_strided_slice %get3A_19 {offsets = [13], sizes = [1], strides = [1]} : vector<16xi32> to vector<1xi32>
      %squeeze3A_1371 = vector.extract %slice3A_1370[0] : i32 from vector<1xi32>
      %and3A_1372 = arith.constant 127 : i32
      %and3A_1373 = arith.andi %squeeze3A_1371, %and3A_1372 : i32
      %shift_right_logical3A_1374 = arith.constant 4 : i32
      %shift_right_logical3A_1375 = arith.shrui %and3A_1373, %shift_right_logical3A_1374 : i32
      %shift_left3A_1376 = arith.constant 4 : i32
      %shift_left3A_1377 = arith.shli %shift_right_logical3A_1375, %shift_left3A_1376 : i32
      %get3A_1378 = arith.constant 13 : i32
      %get3A_1379 = arith.constant 5 : i32
      %get3A_1380 = arith.index_cast %get3A_1378 : i32 to index
      %get3A_1381 = arith.index_cast %get3A_1379 : i32 to index
      %get3A_1382 = arith.index_cast %shift_left3A_1377 : i32 to index
      %get3A_1383 = tpu.vector_load %arg6[%get3A_1380, %get3A_1381, %get3A_1382] {strides = array<i32>} : memref<32x8x128xf32, #tpu.memory_space<vmem>>, vector<1x1x16xf32>,
      %get3A_1384 = vector.shape_cast %get3A_1383 : vector<1x1x16xf32> to vector<16xf32>
      %and3A_1385 = arith.constant 15 : i32
      %and3A_1386 = arith.andi %squeeze3A_1371, %and3A_1385 : i32
      %eq3A_1387 = vector.broadcast %and3A_1386 : i32 to vector<16xi32>
      %eq3A_1388 = arith.cmpi eq, %iota3A, %eq3A_1387 : vector<16xi32>
      %jit3A_1389 = arith.constant 0.000000e+00 : f32
      %broadcast_in_dim3A_1390 = vector.broadcast %jit3A_1389 : f32 to vector<16xf32>
      %select_n3A_1391 = arith.select %eq3A_1388, %get3A_1384, %broadcast_in_dim3A_1390 : vector<16xi1>, vector<16xf32>
      %add3A_1392 = arith.addf %add3A_1369, %select_n3A_1391 : vector<16xf32>
      %slice3A_1393 = vector.extract_strided_slice %get3A_19 {offsets = [14], sizes = [1], strides = [1]} : vector<16xi32> to vector<1xi32>
      %squeeze3A_1394 = vector.extract %slice3A_1393[0] : i32 from vector<1xi32>
      %and3A_1395 = arith.constant 127 : i32
      %and3A_1396 = arith.andi %squeeze3A_1394, %and3A_1395 : i32
      %shift_right_logical3A_1397 = arith.constant 4 : i32
      %shift_right_logical3A_1398 = arith.shrui %and3A_1396, %shift_right_logical3A_1397 : i32
      %shift_left3A_1399 = arith.constant 4 : i32
      %shift_left3A_1400 = arith.shli %shift_right_logical3A_1398, %shift_left3A_1399 : i32
      %get3A_1401 = arith.constant 14 : i32
      %get3A_1402 = arith.constant 6 : i32
      %get3A_1403 = arith.index_cast %get3A_1401 : i32 to index
      %get3A_1404 = arith.index_cast %get3A_1402 : i32 to index
      %get3A_1405 = arith.index_cast %shift_left3A_1400 : i32 to index
      %get3A_1406 = tpu.vector_load %arg6[%get3A_1403, %get3A_1404, %get3A_1405] {strides = array<i32>} : memref<32x8x128xf32, #tpu.memory_space<vmem>>, vector<1x1x16xf32>,
      %get3A_1407 = vector.shape_cast %get3A_1406 : vector<1x1x16xf32> to vector<16xf32>
      %and3A_1408 = arith.constant 15 : i32
      %and3A_1409 = arith.andi %squeeze3A_1394, %and3A_1408 : i32
      %eq3A_1410 = vector.broadcast %and3A_1409 : i32 to vector<16xi32>
      %eq3A_1411 = arith.cmpi eq, %iota3A, %eq3A_1410 : vector<16xi32>
      %jit3A_1412 = arith.constant 0.000000e+00 : f32
      %broadcast_in_dim3A_1413 = vector.broadcast %jit3A_1412 : f32 to vector<16xf32>
      %select_n3A_1414 = arith.select %eq3A_1411, %get3A_1407, %broadcast_in_dim3A_1413 : vector<16xi1>, vector<16xf32>
      %add3A_1415 = arith.addf %add3A_1392, %select_n3A_1414 : vector<16xf32>
      %slice3A_1416 = vector.extract_strided_slice %get3A_19 {offsets = [15], sizes = [1], strides = [1]} : vector<16xi32> to vector<1xi32>
      %squeeze3A_1417 = vector.extract %slice3A_1416[0] : i32 from vector<1xi32>
      %and3A_1418 = arith.constant 127 : i32
      %and3A_1419 = arith.andi %squeeze3A_1417, %and3A_1418 : i32
      %shift_right_logical3A_1420 = arith.constant 4 : i32
      %shift_right_logical3A_1421 = arith.shrui %and3A_1419, %shift_right_logical3A_1420 : i32
      %shift_left3A_1422 = arith.constant 4 : i32
      %shift_left3A_1423 = arith.shli %shift_right_logical3A_1421, %shift_left3A_1422 : i32
      %get3A_1424 = arith.constant 15 : i32
      %get3A_1425 = arith.constant 7 : i32
      %get3A_1426 = arith.index_cast %get3A_1424 : i32 to index
      %get3A_1427 = arith.index_cast %get3A_1425 : i32 to index
      %get3A_1428 = arith.index_cast %shift_left3A_1423 : i32 to index
      %get3A_1429 = tpu.vector_load %arg6[%get3A_1426, %get3A_1427, %get3A_1428] {strides = array<i32>} : memref<32x8x128xf32, #tpu.memory_space<vmem>>, vector<1x1x16xf32>,
      %get3A_1430 = vector.shape_cast %get3A_1429 : vector<1x1x16xf32> to vector<16xf32>
      %and3A_1431 = arith.constant 15 : i32
      %and3A_1432 = arith.andi %squeeze3A_1417, %and3A_1431 : i32
      %eq3A_1433 = vector.broadcast %and3A_1432 : i32 to vector<16xi32>
      %eq3A_1434 = arith.cmpi eq, %iota3A, %eq3A_1433 : vector<16xi32>
      %jit3A_1435 = arith.constant 0.000000e+00 : f32
      %broadcast_in_dim3A_1436 = vector.broadcast %jit3A_1435 : f32 to vector<16xf32>
      %select_n3A_1437 = arith.select %eq3A_1434, %get3A_1430, %broadcast_in_dim3A_1436 : vector<16xi1>, vector<16xf32>
      %add3A_1438 = arith.addf %add3A_1415, %select_n3A_1437 : vector<16xf32>
      %slice3A_1439 = vector.extract_strided_slice %get3A_24 {offsets = [0], sizes = [1], strides = [1]} : vector<16xi32> to vector<1xi32>
      %squeeze3A_1440 = vector.extract %slice3A_1439[0] : i32 from vector<1xi32>
      %and3A_1441 = arith.constant 127 : i32
      %and3A_1442 = arith.andi %squeeze3A_1440, %and3A_1441 : i32
      %shift_right_logical3A_1443 = arith.constant 4 : i32
      %shift_right_logical3A_1444 = arith.shrui %and3A_1442, %shift_right_logical3A_1443 : i32
      %shift_left3A_1445 = arith.constant 4 : i32
      %shift_left3A_1446 = arith.shli %shift_right_logical3A_1444, %shift_left3A_1445 : i32
      %get3A_1447 = arith.constant 16 : i32
      %get3A_1448 = arith.constant 0 : i32
      %get3A_1449 = arith.index_cast %get3A_1447 : i32 to index
      %get3A_1450 = arith.index_cast %get3A_1448 : i32 to index
      %get3A_1451 = arith.index_cast %shift_left3A_1446 : i32 to index
      %get3A_1452 = tpu.vector_load %arg6[%get3A_1449, %get3A_1450, %get3A_1451] {strides = array<i32>} : memref<32x8x128xf32, #tpu.memory_space<vmem>>, vector<1x1x16xf32>,
      %get3A_1453 = vector.shape_cast %get3A_1452 : vector<1x1x16xf32> to vector<16xf32>
      %and3A_1454 = arith.constant 15 : i32
      %and3A_1455 = arith.andi %squeeze3A_1440, %and3A_1454 : i32
      %eq3A_1456 = vector.broadcast %and3A_1455 : i32 to vector<16xi32>
      %eq3A_1457 = arith.cmpi eq, %iota3A, %eq3A_1456 : vector<16xi32>
      %jit3A_1458 = arith.constant 0.000000e+00 : f32
      %broadcast_in_dim3A_1459 = vector.broadcast %jit3A_1458 : f32 to vector<16xf32>
      %select_n3A_1460 = arith.select %eq3A_1457, %get3A_1453, %broadcast_in_dim3A_1459 : vector<16xi1>, vector<16xf32>
      %add3A_1461 = arith.addf %add3A_1438, %select_n3A_1460 : vector<16xf32>
      %slice3A_1462 = vector.extract_strided_slice %get3A_24 {offsets = [1], sizes = [1], strides = [1]} : vector<16xi32> to vector<1xi32>
      %squeeze3A_1463 = vector.extract %slice3A_1462[0] : i32 from vector<1xi32>
      %and3A_1464 = arith.constant 127 : i32
      %and3A_1465 = arith.andi %squeeze3A_1463, %and3A_1464 : i32
      %shift_right_logical3A_1466 = arith.constant 4 : i32
      %shift_right_logical3A_1467 = arith.shrui %and3A_1465, %shift_right_logical3A_1466 : i32
      %shift_left3A_1468 = arith.constant 4 : i32
      %shift_left3A_1469 = arith.shli %shift_right_logical3A_1467, %shift_left3A_1468 : i32
      %get3A_1470 = arith.constant 17 : i32
      %get3A_1471 = arith.constant 1 : i32
      %get3A_1472 = arith.index_cast %get3A_1470 : i32 to index
      %get3A_1473 = arith.index_cast %get3A_1471 : i32 to index
      %get3A_1474 = arith.index_cast %shift_left3A_1469 : i32 to index
      %get3A_1475 = tpu.vector_load %arg6[%get3A_1472, %get3A_1473, %get3A_1474] {strides = array<i32>} : memref<32x8x128xf32, #tpu.memory_space<vmem>>, vector<1x1x16xf32>,
      %get3A_1476 = vector.shape_cast %get3A_1475 : vector<1x1x16xf32> to vector<16xf32>
      %and3A_1477 = arith.constant 15 : i32
      %and3A_1478 = arith.andi %squeeze3A_1463, %and3A_1477 : i32
      %eq3A_1479 = vector.broadcast %and3A_1478 : i32 to vector<16xi32>
      %eq3A_1480 = arith.cmpi eq, %iota3A, %eq3A_1479 : vector<16xi32>
      %jit3A_1481 = arith.constant 0.000000e+00 : f32
      %broadcast_in_dim3A_1482 = vector.broadcast %jit3A_1481 : f32 to vector<16xf32>
      %select_n3A_1483 = arith.select %eq3A_1480, %get3A_1476, %broadcast_in_dim3A_1482 : vector<16xi1>, vector<16xf32>
      %add3A_1484 = arith.addf %add3A_1461, %select_n3A_1483 : vector<16xf32>
      %slice3A_1485 = vector.extract_strided_slice %get3A_24 {offsets = [2], sizes = [1], strides = [1]} : vector<16xi32> to vector<1xi32>
      %squeeze3A_1486 = vector.extract %slice3A_1485[0] : i32 from vector<1xi32>
      %and3A_1487 = arith.constant 127 : i32
      %and3A_1488 = arith.andi %squeeze3A_1486, %and3A_1487 : i32
      %shift_right_logical3A_1489 = arith.constant 4 : i32
      %shift_right_logical3A_1490 = arith.shrui %and3A_1488, %shift_right_logical3A_1489 : i32
      %shift_left3A_1491 = arith.constant 4 : i32
      %shift_left3A_1492 = arith.shli %shift_right_logical3A_1490, %shift_left3A_1491 : i32
      %get3A_1493 = arith.constant 18 : i32
      %get3A_1494 = arith.constant 2 : i32
      %get3A_1495 = arith.index_cast %get3A_1493 : i32 to index
      %get3A_1496 = arith.index_cast %get3A_1494 : i32 to index
      %get3A_1497 = arith.index_cast %shift_left3A_1492 : i32 to index
      %get3A_1498 = tpu.vector_load %arg6[%get3A_1495, %get3A_1496, %get3A_1497] {strides = array<i32>} : memref<32x8x128xf32, #tpu.memory_space<vmem>>, vector<1x1x16xf32>,
      %get3A_1499 = vector.shape_cast %get3A_1498 : vector<1x1x16xf32> to vector<16xf32>
      %and3A_1500 = arith.constant 15 : i32
      %and3A_1501 = arith.andi %squeeze3A_1486, %and3A_1500 : i32
      %eq3A_1502 = vector.broadcast %and3A_1501 : i32 to vector<16xi32>
      %eq3A_1503 = arith.cmpi eq, %iota3A, %eq3A_1502 : vector<16xi32>
      %jit3A_1504 = arith.constant 0.000000e+00 : f32
      %broadcast_in_dim3A_1505 = vector.broadcast %jit3A_1504 : f32 to vector<16xf32>
      %select_n3A_1506 = arith.select %eq3A_1503, %get3A_1499, %broadcast_in_dim3A_1505 : vector<16xi1>, vector<16xf32>
      %add3A_1507 = arith.addf %add3A_1484, %select_n3A_1506 : vector<16xf32>
      %slice3A_1508 = vector.extract_strided_slice %get3A_24 {offsets = [3], sizes = [1], strides = [1]} : vector<16xi32> to vector<1xi32>
      %squeeze3A_1509 = vector.extract %slice3A_1508[0] : i32 from vector<1xi32>
      %and3A_1510 = arith.constant 127 : i32
      %and3A_1511 = arith.andi %squeeze3A_1509, %and3A_1510 : i32
      %shift_right_logical3A_1512 = arith.constant 4 : i32
      %shift_right_logical3A_1513 = arith.shrui %and3A_1511, %shift_right_logical3A_1512 : i32
      %shift_left3A_1514 = arith.constant 4 : i32
      %shift_left3A_1515 = arith.shli %shift_right_logical3A_1513, %shift_left3A_1514 : i32
      %get3A_1516 = arith.constant 19 : i32
      %get3A_1517 = arith.constant 3 : i32
      %get3A_1518 = arith.index_cast %get3A_1516 : i32 to index
      %get3A_1519 = arith.index_cast %get3A_1517 : i32 to index
      %get3A_1520 = arith.index_cast %shift_left3A_1515 : i32 to index
      %get3A_1521 = tpu.vector_load %arg6[%get3A_1518, %get3A_1519, %get3A_1520] {strides = array<i32>} : memref<32x8x128xf32, #tpu.memory_space<vmem>>, vector<1x1x16xf32>,
      %get3A_1522 = vector.shape_cast %get3A_1521 : vector<1x1x16xf32> to vector<16xf32>
      %and3A_1523 = arith.constant 15 : i32
      %and3A_1524 = arith.andi %squeeze3A_1509, %and3A_1523 : i32
      %eq3A_1525 = vector.broadcast %and3A_1524 : i32 to vector<16xi32>
      %eq3A_1526 = arith.cmpi eq, %iota3A, %eq3A_1525 : vector<16xi32>
      %jit3A_1527 = arith.constant 0.000000e+00 : f32
      %broadcast_in_dim3A_1528 = vector.broadcast %jit3A_1527 : f32 to vector<16xf32>
      %select_n3A_1529 = arith.select %eq3A_1526, %get3A_1522, %broadcast_in_dim3A_1528 : vector<16xi1>, vector<16xf32>
      %add3A_1530 = arith.addf %add3A_1507, %select_n3A_1529 : vector<16xf32>
      %slice3A_1531 = vector.extract_strided_slice %get3A_24 {offsets = [4], sizes = [1], strides = [1]} : vector<16xi32> to vector<1xi32>
      %squeeze3A_1532 = vector.extract %slice3A_1531[0] : i32 from vector<1xi32>
      %and3A_1533 = arith.constant 127 : i32
      %and3A_1534 = arith.andi %squeeze3A_1532, %and3A_1533 : i32
      %shift_right_logical3A_1535 = arith.constant 4 : i32
      %shift_right_logical3A_1536 = arith.shrui %and3A_1534, %shift_right_logical3A_1535 : i32
      %shift_left3A_1537 = arith.constant 4 : i32
      %shift_left3A_1538 = arith.shli %shift_right_logical3A_1536, %shift_left3A_1537 : i32
      %get3A_1539 = arith.constant 20 : i32
      %get3A_1540 = arith.constant 4 : i32
      %get3A_1541 = arith.index_cast %get3A_1539 : i32 to index
      %get3A_1542 = arith.index_cast %get3A_1540 : i32 to index
      %get3A_1543 = arith.index_cast %shift_left3A_1538 : i32 to index
      %get3A_1544 = tpu.vector_load %arg6[%get3A_1541, %get3A_1542, %get3A_1543] {strides = array<i32>} : memref<32x8x128xf32, #tpu.memory_space<vmem>>, vector<1x1x16xf32>,
      %get3A_1545 = vector.shape_cast %get3A_1544 : vector<1x1x16xf32> to vector<16xf32>
      %and3A_1546 = arith.constant 15 : i32
      %and3A_1547 = arith.andi %squeeze3A_1532, %and3A_1546 : i32
      %eq3A_1548 = vector.broadcast %and3A_1547 : i32 to vector<16xi32>
      %eq3A_1549 = arith.cmpi eq, %iota3A, %eq3A_1548 : vector<16xi32>
      %jit3A_1550 = arith.constant 0.000000e+00 : f32
      %broadcast_in_dim3A_1551 = vector.broadcast %jit3A_1550 : f32 to vector<16xf32>
      %select_n3A_1552 = arith.select %eq3A_1549, %get3A_1545, %broadcast_in_dim3A_1551 : vector<16xi1>, vector<16xf32>
      %add3A_1553 = arith.addf %add3A_1530, %select_n3A_1552 : vector<16xf32>
      %slice3A_1554 = vector.extract_strided_slice %get3A_24 {offsets = [5], sizes = [1], strides = [1]} : vector<16xi32> to vector<1xi32>
      %squeeze3A_1555 = vector.extract %slice3A_1554[0] : i32 from vector<1xi32>
      %and3A_1556 = arith.constant 127 : i32
      %and3A_1557 = arith.andi %squeeze3A_1555, %and3A_1556 : i32
      %shift_right_logical3A_1558 = arith.constant 4 : i32
      %shift_right_logical3A_1559 = arith.shrui %and3A_1557, %shift_right_logical3A_1558 : i32
      %shift_left3A_1560 = arith.constant 4 : i32
      %shift_left3A_1561 = arith.shli %shift_right_logical3A_1559, %shift_left3A_1560 : i32
      %get3A_1562 = arith.constant 21 : i32
      %get3A_1563 = arith.constant 5 : i32
      %get3A_1564 = arith.index_cast %get3A_1562 : i32 to index
      %get3A_1565 = arith.index_cast %get3A_1563 : i32 to index
      %get3A_1566 = arith.index_cast %shift_left3A_1561 : i32 to index
      %get3A_1567 = tpu.vector_load %arg6[%get3A_1564, %get3A_1565, %get3A_1566] {strides = array<i32>} : memref<32x8x128xf32, #tpu.memory_space<vmem>>, vector<1x1x16xf32>,
      %get3A_1568 = vector.shape_cast %get3A_1567 : vector<1x1x16xf32> to vector<16xf32>
      %and3A_1569 = arith.constant 15 : i32
      %and3A_1570 = arith.andi %squeeze3A_1555, %and3A_1569 : i32
      %eq3A_1571 = vector.broadcast %and3A_1570 : i32 to vector<16xi32>
      %eq3A_1572 = arith.cmpi eq, %iota3A, %eq3A_1571 : vector<16xi32>
      %jit3A_1573 = arith.constant 0.000000e+00 : f32
      %broadcast_in_dim3A_1574 = vector.broadcast %jit3A_1573 : f32 to vector<16xf32>
      %select_n3A_1575 = arith.select %eq3A_1572, %get3A_1568, %broadcast_in_dim3A_1574 : vector<16xi1>, vector<16xf32>
      %add3A_1576 = arith.addf %add3A_1553, %select_n3A_1575 : vector<16xf32>
      %slice3A_1577 = vector.extract_strided_slice %get3A_24 {offsets = [6], sizes = [1], strides = [1]} : vector<16xi32> to vector<1xi32>
      %squeeze3A_1578 = vector.extract %slice3A_1577[0] : i32 from vector<1xi32>
      %and3A_1579 = arith.constant 127 : i32
      %and3A_1580 = arith.andi %squeeze3A_1578, %and3A_1579 : i32
      %shift_right_logical3A_1581 = arith.constant 4 : i32
      %shift_right_logical3A_1582 = arith.shrui %and3A_1580, %shift_right_logical3A_1581 : i32
      %shift_left3A_1583 = arith.constant 4 : i32
      %shift_left3A_1584 = arith.shli %shift_right_logical3A_1582, %shift_left3A_1583 : i32
      %get3A_1585 = arith.constant 22 : i32
      %get3A_1586 = arith.constant 6 : i32
      %get3A_1587 = arith.index_cast %get3A_1585 : i32 to index
      %get3A_1588 = arith.index_cast %get3A_1586 : i32 to index
      %get3A_1589 = arith.index_cast %shift_left3A_1584 : i32 to index
      %get3A_1590 = tpu.vector_load %arg6[%get3A_1587, %get3A_1588, %get3A_1589] {strides = array<i32>} : memref<32x8x128xf32, #tpu.memory_space<vmem>>, vector<1x1x16xf32>,
      %get3A_1591 = vector.shape_cast %get3A_1590 : vector<1x1x16xf32> to vector<16xf32>
      %and3A_1592 = arith.constant 15 : i32
      %and3A_1593 = arith.andi %squeeze3A_1578, %and3A_1592 : i32
      %eq3A_1594 = vector.broadcast %and3A_1593 : i32 to vector<16xi32>
      %eq3A_1595 = arith.cmpi eq, %iota3A, %eq3A_1594 : vector<16xi32>
      %jit3A_1596 = arith.constant 0.000000e+00 : f32
      %broadcast_in_dim3A_1597 = vector.broadcast %jit3A_1596 : f32 to vector<16xf32>
      %select_n3A_1598 = arith.select %eq3A_1595, %get3A_1591, %broadcast_in_dim3A_1597 : vector<16xi1>, vector<16xf32>
      %add3A_1599 = arith.addf %add3A_1576, %select_n3A_1598 : vector<16xf32>
      %slice3A_1600 = vector.extract_strided_slice %get3A_24 {offsets = [7], sizes = [1], strides = [1]} : vector<16xi32> to vector<1xi32>
      %squeeze3A_1601 = vector.extract %slice3A_1600[0] : i32 from vector<1xi32>
      %and3A_1602 = arith.constant 127 : i32
      %and3A_1603 = arith.andi %squeeze3A_1601, %and3A_1602 : i32
      %shift_right_logical3A_1604 = arith.constant 4 : i32
      %shift_right_logical3A_1605 = arith.shrui %and3A_1603, %shift_right_logical3A_1604 : i32
      %shift_left3A_1606 = arith.constant 4 : i32
      %shift_left3A_1607 = arith.shli %shift_right_logical3A_1605, %shift_left3A_1606 : i32
      %get3A_1608 = arith.constant 23 : i32
      %get3A_1609 = arith.constant 7 : i32
      %get3A_1610 = arith.index_cast %get3A_1608 : i32 to index
      %get3A_1611 = arith.index_cast %get3A_1609 : i32 to index
      %get3A_1612 = arith.index_cast %shift_left3A_1607 : i32 to index
      %get3A_1613 = tpu.vector_load %arg6[%get3A_1610, %get3A_1611, %get3A_1612] {strides = array<i32>} : memref<32x8x128xf32, #tpu.memory_space<vmem>>, vector<1x1x16xf32>,
      %get3A_1614 = vector.shape_cast %get3A_1613 : vector<1x1x16xf32> to vector<16xf32>
      %and3A_1615 = arith.constant 15 : i32
      %and3A_1616 = arith.andi %squeeze3A_1601, %and3A_1615 : i32
      %eq3A_1617 = vector.broadcast %and3A_1616 : i32 to vector<16xi32>
      %eq3A_1618 = arith.cmpi eq, %iota3A, %eq3A_1617 : vector<16xi32>
      %jit3A_1619 = arith.constant 0.000000e+00 : f32
      %broadcast_in_dim3A_1620 = vector.broadcast %jit3A_1619 : f32 to vector<16xf32>
      %select_n3A_1621 = arith.select %eq3A_1618, %get3A_1614, %broadcast_in_dim3A_1620 : vector<16xi1>, vector<16xf32>
      %add3A_1622 = arith.addf %add3A_1599, %select_n3A_1621 : vector<16xf32>
      %slice3A_1623 = vector.extract_strided_slice %get3A_24 {offsets = [8], sizes = [1], strides = [1]} : vector<16xi32> to vector<1xi32>
      %squeeze3A_1624 = vector.extract %slice3A_1623[0] : i32 from vector<1xi32>
      %and3A_1625 = arith.constant 127 : i32
      %and3A_1626 = arith.andi %squeeze3A_1624, %and3A_1625 : i32
      %shift_right_logical3A_1627 = arith.constant 4 : i32
      %shift_right_logical3A_1628 = arith.shrui %and3A_1626, %shift_right_logical3A_1627 : i32
      %shift_left3A_1629 = arith.constant 4 : i32
      %shift_left3A_1630 = arith.shli %shift_right_logical3A_1628, %shift_left3A_1629 : i32
      %get3A_1631 = arith.constant 24 : i32
      %get3A_1632 = arith.constant 0 : i32
      %get3A_1633 = arith.index_cast %get3A_1631 : i32 to index
      %get3A_1634 = arith.index_cast %get3A_1632 : i32 to index
      %get3A_1635 = arith.index_cast %shift_left3A_1630 : i32 to index
      %get3A_1636 = tpu.vector_load %arg6[%get3A_1633, %get3A_1634, %get3A_1635] {strides = array<i32>} : memref<32x8x128xf32, #tpu.memory_space<vmem>>, vector<1x1x16xf32>,
      %get3A_1637 = vector.shape_cast %get3A_1636 : vector<1x1x16xf32> to vector<16xf32>
      %and3A_1638 = arith.constant 15 : i32
      %and3A_1639 = arith.andi %squeeze3A_1624, %and3A_1638 : i32
      %eq3A_1640 = vector.broadcast %and3A_1639 : i32 to vector<16xi32>
      %eq3A_1641 = arith.cmpi eq, %iota3A, %eq3A_1640 : vector<16xi32>
      %jit3A_1642 = arith.constant 0.000000e+00 : f32
      %broadcast_in_dim3A_1643 = vector.broadcast %jit3A_1642 : f32 to vector<16xf32>
      %select_n3A_1644 = arith.select %eq3A_1641, %get3A_1637, %broadcast_in_dim3A_1643 : vector<16xi1>, vector<16xf32>
      %add3A_1645 = arith.addf %add3A_1622, %select_n3A_1644 : vector<16xf32>
      %slice3A_1646 = vector.extract_strided_slice %get3A_24 {offsets = [9], sizes = [1], strides = [1]} : vector<16xi32> to vector<1xi32>
      %squeeze3A_1647 = vector.extract %slice3A_1646[0] : i32 from vector<1xi32>
      %and3A_1648 = arith.constant 127 : i32
      %and3A_1649 = arith.andi %squeeze3A_1647, %and3A_1648 : i32
      %shift_right_logical3A_1650 = arith.constant 4 : i32
      %shift_right_logical3A_1651 = arith.shrui %and3A_1649, %shift_right_logical3A_1650 : i32
      %shift_left3A_1652 = arith.constant 4 : i32
      %shift_left3A_1653 = arith.shli %shift_right_logical3A_1651, %shift_left3A_1652 : i32
      %get3A_1654 = arith.constant 25 : i32
      %get3A_1655 = arith.constant 1 : i32
      %get3A_1656 = arith.index_cast %get3A_1654 : i32 to index
      %get3A_1657 = arith.index_cast %get3A_1655 : i32 to index
      %get3A_1658 = arith.index_cast %shift_left3A_1653 : i32 to index
      %get3A_1659 = tpu.vector_load %arg6[%get3A_1656, %get3A_1657, %get3A_1658] {strides = array<i32>} : memref<32x8x128xf32, #tpu.memory_space<vmem>>, vector<1x1x16xf32>,
      %get3A_1660 = vector.shape_cast %get3A_1659 : vector<1x1x16xf32> to vector<16xf32>
      %and3A_1661 = arith.constant 15 : i32
      %and3A_1662 = arith.andi %squeeze3A_1647, %and3A_1661 : i32
      %eq3A_1663 = vector.broadcast %and3A_1662 : i32 to vector<16xi32>
      %eq3A_1664 = arith.cmpi eq, %iota3A, %eq3A_1663 : vector<16xi32>
      %jit3A_1665 = arith.constant 0.000000e+00 : f32
      %broadcast_in_dim3A_1666 = vector.broadcast %jit3A_1665 : f32 to vector<16xf32>
      %select_n3A_1667 = arith.select %eq3A_1664, %get3A_1660, %broadcast_in_dim3A_1666 : vector<16xi1>, vector<16xf32>
      %add3A_1668 = arith.addf %add3A_1645, %select_n3A_1667 : vector<16xf32>
      %slice3A_1669 = vector.extract_strided_slice %get3A_24 {offsets = [10], sizes = [1], strides = [1]} : vector<16xi32> to vector<1xi32>
      %squeeze3A_1670 = vector.extract %slice3A_1669[0] : i32 from vector<1xi32>
      %and3A_1671 = arith.constant 127 : i32
      %and3A_1672 = arith.andi %squeeze3A_1670, %and3A_1671 : i32
      %shift_right_logical3A_1673 = arith.constant 4 : i32
      %shift_right_logical3A_1674 = arith.shrui %and3A_1672, %shift_right_logical3A_1673 : i32
      %shift_left3A_1675 = arith.constant 4 : i32
      %shift_left3A_1676 = arith.shli %shift_right_logical3A_1674, %shift_left3A_1675 : i32
      %get3A_1677 = arith.constant 26 : i32
      %get3A_1678 = arith.constant 2 : i32
      %get3A_1679 = arith.index_cast %get3A_1677 : i32 to index
      %get3A_1680 = arith.index_cast %get3A_1678 : i32 to index
      %get3A_1681 = arith.index_cast %shift_left3A_1676 : i32 to index
      %get3A_1682 = tpu.vector_load %arg6[%get3A_1679, %get3A_1680, %get3A_1681] {strides = array<i32>} : memref<32x8x128xf32, #tpu.memory_space<vmem>>, vector<1x1x16xf32>,
      %get3A_1683 = vector.shape_cast %get3A_1682 : vector<1x1x16xf32> to vector<16xf32>
      %and3A_1684 = arith.constant 15 : i32
      %and3A_1685 = arith.andi %squeeze3A_1670, %and3A_1684 : i32
      %eq3A_1686 = vector.broadcast %and3A_1685 : i32 to vector<16xi32>
      %eq3A_1687 = arith.cmpi eq, %iota3A, %eq3A_1686 : vector<16xi32>
      %jit3A_1688 = arith.constant 0.000000e+00 : f32
      %broadcast_in_dim3A_1689 = vector.broadcast %jit3A_1688 : f32 to vector<16xf32>
      %select_n3A_1690 = arith.select %eq3A_1687, %get3A_1683, %broadcast_in_dim3A_1689 : vector<16xi1>, vector<16xf32>
      %add3A_1691 = arith.addf %add3A_1668, %select_n3A_1690 : vector<16xf32>
      %slice3A_1692 = vector.extract_strided_slice %get3A_24 {offsets = [11], sizes = [1], strides = [1]} : vector<16xi32> to vector<1xi32>
      %squeeze3A_1693 = vector.extract %slice3A_1692[0] : i32 from vector<1xi32>
      %and3A_1694 = arith.constant 127 : i32
      %and3A_1695 = arith.andi %squeeze3A_1693, %and3A_1694 : i32
      %shift_right_logical3A_1696 = arith.constant 4 : i32
      %shift_right_logical3A_1697 = arith.shrui %and3A_1695, %shift_right_logical3A_1696 : i32
      %shift_left3A_1698 = arith.constant 4 : i32
      %shift_left3A_1699 = arith.shli %shift_right_logical3A_1697, %shift_left3A_1698 : i32
      %get3A_1700 = arith.constant 27 : i32
      %get3A_1701 = arith.constant 3 : i32
      %get3A_1702 = arith.index_cast %get3A_1700 : i32 to index
      %get3A_1703 = arith.index_cast %get3A_1701 : i32 to index
      %get3A_1704 = arith.index_cast %shift_left3A_1699 : i32 to index
      %get3A_1705 = tpu.vector_load %arg6[%get3A_1702, %get3A_1703, %get3A_1704] {strides = array<i32>} : memref<32x8x128xf32, #tpu.memory_space<vmem>>, vector<1x1x16xf32>,
      %get3A_1706 = vector.shape_cast %get3A_1705 : vector<1x1x16xf32> to vector<16xf32>
      %and3A_1707 = arith.constant 15 : i32
      %and3A_1708 = arith.andi %squeeze3A_1693, %and3A_1707 : i32
      %eq3A_1709 = vector.broadcast %and3A_1708 : i32 to vector<16xi32>
      %eq3A_1710 = arith.cmpi eq, %iota3A, %eq3A_1709 : vector<16xi32>
      %jit3A_1711 = arith.constant 0.000000e+00 : f32
      %broadcast_in_dim3A_1712 = vector.broadcast %jit3A_1711 : f32 to vector<16xf32>
      %select_n3A_1713 = arith.select %eq3A_1710, %get3A_1706, %broadcast_in_dim3A_1712 : vector<16xi1>, vector<16xf32>
      %add3A_1714 = arith.addf %add3A_1691, %select_n3A_1713 : vector<16xf32>
      %slice3A_1715 = vector.extract_strided_slice %get3A_24 {offsets = [12], sizes = [1], strides = [1]} : vector<16xi32> to vector<1xi32>
      %squeeze3A_1716 = vector.extract %slice3A_1715[0] : i32 from vector<1xi32>
      %and3A_1717 = arith.constant 127 : i32
      %and3A_1718 = arith.andi %squeeze3A_1716, %and3A_1717 : i32
      %shift_right_logical3A_1719 = arith.constant 4 : i32
      %shift_right_logical3A_1720 = arith.shrui %and3A_1718, %shift_right_logical3A_1719 : i32
      %shift_left3A_1721 = arith.constant 4 : i32
      %shift_left3A_1722 = arith.shli %shift_right_logical3A_1720, %shift_left3A_1721 : i32
      %get3A_1723 = arith.constant 28 : i32
      %get3A_1724 = arith.constant 4 : i32
      %get3A_1725 = arith.index_cast %get3A_1723 : i32 to index
      %get3A_1726 = arith.index_cast %get3A_1724 : i32 to index
      %get3A_1727 = arith.index_cast %shift_left3A_1722 : i32 to index
      %get3A_1728 = tpu.vector_load %arg6[%get3A_1725, %get3A_1726, %get3A_1727] {strides = array<i32>} : memref<32x8x128xf32, #tpu.memory_space<vmem>>, vector<1x1x16xf32>,
      %get3A_1729 = vector.shape_cast %get3A_1728 : vector<1x1x16xf32> to vector<16xf32>
      %and3A_1730 = arith.constant 15 : i32
      %and3A_1731 = arith.andi %squeeze3A_1716, %and3A_1730 : i32
      %eq3A_1732 = vector.broadcast %and3A_1731 : i32 to vector<16xi32>
      %eq3A_1733 = arith.cmpi eq, %iota3A, %eq3A_1732 : vector<16xi32>
      %jit3A_1734 = arith.constant 0.000000e+00 : f32
      %broadcast_in_dim3A_1735 = vector.broadcast %jit3A_1734 : f32 to vector<16xf32>
      %select_n3A_1736 = arith.select %eq3A_1733, %get3A_1729, %broadcast_in_dim3A_1735 : vector<16xi1>, vector<16xf32>
      %add3A_1737 = arith.addf %add3A_1714, %select_n3A_1736 : vector<16xf32>
      %slice3A_1738 = vector.extract_strided_slice %get3A_24 {offsets = [13], sizes = [1], strides = [1]} : vector<16xi32> to vector<1xi32>
      %squeeze3A_1739 = vector.extract %slice3A_1738[0] : i32 from vector<1xi32>
      %and3A_1740 = arith.constant 127 : i32
      %and3A_1741 = arith.andi %squeeze3A_1739, %and3A_1740 : i32
      %shift_right_logical3A_1742 = arith.constant 4 : i32
      %shift_right_logical3A_1743 = arith.shrui %and3A_1741, %shift_right_logical3A_1742 : i32
      %shift_left3A_1744 = arith.constant 4 : i32
      %shift_left3A_1745 = arith.shli %shift_right_logical3A_1743, %shift_left3A_1744 : i32
      %get3A_1746 = arith.constant 29 : i32
      %get3A_1747 = arith.constant 5 : i32
      %get3A_1748 = arith.index_cast %get3A_1746 : i32 to index
      %get3A_1749 = arith.index_cast %get3A_1747 : i32 to index
      %get3A_1750 = arith.index_cast %shift_left3A_1745 : i32 to index
      %get3A_1751 = tpu.vector_load %arg6[%get3A_1748, %get3A_1749, %get3A_1750] {strides = array<i32>} : memref<32x8x128xf32, #tpu.memory_space<vmem>>, vector<1x1x16xf32>,
      %get3A_1752 = vector.shape_cast %get3A_1751 : vector<1x1x16xf32> to vector<16xf32>
      %and3A_1753 = arith.constant 15 : i32
      %and3A_1754 = arith.andi %squeeze3A_1739, %and3A_1753 : i32
      %eq3A_1755 = vector.broadcast %and3A_1754 : i32 to vector<16xi32>
      %eq3A_1756 = arith.cmpi eq, %iota3A, %eq3A_1755 : vector<16xi32>
      %jit3A_1757 = arith.constant 0.000000e+00 : f32
      %broadcast_in_dim3A_1758 = vector.broadcast %jit3A_1757 : f32 to vector<16xf32>
      %select_n3A_1759 = arith.select %eq3A_1756, %get3A_1752, %broadcast_in_dim3A_1758 : vector<16xi1>, vector<16xf32>
      %add3A_1760 = arith.addf %add3A_1737, %select_n3A_1759 : vector<16xf32>
      %slice3A_1761 = vector.extract_strided_slice %get3A_24 {offsets = [14], sizes = [1], strides = [1]} : vector<16xi32> to vector<1xi32>
      %squeeze3A_1762 = vector.extract %slice3A_1761[0] : i32 from vector<1xi32>
      %and3A_1763 = arith.constant 127 : i32
      %and3A_1764 = arith.andi %squeeze3A_1762, %and3A_1763 : i32
      %shift_right_logical3A_1765 = arith.constant 4 : i32
      %shift_right_logical3A_1766 = arith.shrui %and3A_1764, %shift_right_logical3A_1765 : i32
      %shift_left3A_1767 = arith.constant 4 : i32
      %shift_left3A_1768 = arith.shli %shift_right_logical3A_1766, %shift_left3A_1767 : i32
      %get3A_1769 = arith.constant 30 : i32
      %get3A_1770 = arith.constant 6 : i32
      %get3A_1771 = arith.index_cast %get3A_1769 : i32 to index
      %get3A_1772 = arith.index_cast %get3A_1770 : i32 to index
      %get3A_1773 = arith.index_cast %shift_left3A_1768 : i32 to index
      %get3A_1774 = tpu.vector_load %arg6[%get3A_1771, %get3A_1772, %get3A_1773] {strides = array<i32>} : memref<32x8x128xf32, #tpu.memory_space<vmem>>, vector<1x1x16xf32>,
      %get3A_1775 = vector.shape_cast %get3A_1774 : vector<1x1x16xf32> to vector<16xf32>
      %and3A_1776 = arith.constant 15 : i32
      %and3A_1777 = arith.andi %squeeze3A_1762, %and3A_1776 : i32
      %eq3A_1778 = vector.broadcast %and3A_1777 : i32 to vector<16xi32>
      %eq3A_1779 = arith.cmpi eq, %iota3A, %eq3A_1778 : vector<16xi32>
      %jit3A_1780 = arith.constant 0.000000e+00 : f32
      %broadcast_in_dim3A_1781 = vector.broadcast %jit3A_1780 : f32 to vector<16xf32>
      %select_n3A_1782 = arith.select %eq3A_1779, %get3A_1775, %broadcast_in_dim3A_1781 : vector<16xi1>, vector<16xf32>
      %add3A_1783 = arith.addf %add3A_1760, %select_n3A_1782 : vector<16xf32>
      %slice3A_1784 = vector.extract_strided_slice %get3A_24 {offsets = [15], sizes = [1], strides = [1]} : vector<16xi32> to vector<1xi32>
      %squeeze3A_1785 = vector.extract %slice3A_1784[0] : i32 from vector<1xi32>
      %and3A_1786 = arith.constant 127 : i32
      %and3A_1787 = arith.andi %squeeze3A_1785, %and3A_1786 : i32
      %shift_right_logical3A_1788 = arith.constant 4 : i32
      %shift_right_logical3A_1789 = arith.shrui %and3A_1787, %shift_right_logical3A_1788 : i32
      %shift_left3A_1790 = arith.constant 4 : i32
      %shift_left3A_1791 = arith.shli %shift_right_logical3A_1789, %shift_left3A_1790 : i32
      %get3A_1792 = arith.constant 31 : i32
      %get3A_1793 = arith.constant 7 : i32
      %get3A_1794 = arith.index_cast %get3A_1792 : i32 to index
      %get3A_1795 = arith.index_cast %get3A_1793 : i32 to index
      %get3A_1796 = arith.index_cast %shift_left3A_1791 : i32 to index
      %get3A_1797 = tpu.vector_load %arg6[%get3A_1794, %get3A_1795, %get3A_1796] {strides = array<i32>} : memref<32x8x128xf32, #tpu.memory_space<vmem>>, vector<1x1x16xf32>,
      %get3A_1798 = vector.shape_cast %get3A_1797 : vector<1x1x16xf32> to vector<16xf32>
      %and3A_1799 = arith.constant 15 : i32
      %and3A_1800 = arith.andi %squeeze3A_1785, %and3A_1799 : i32
      %eq3A_1801 = vector.broadcast %and3A_1800 : i32 to vector<16xi32>
      %eq3A_1802 = arith.cmpi eq, %iota3A, %eq3A_1801 : vector<16xi32>
      %jit3A_1803 = arith.constant 0.000000e+00 : f32
      %broadcast_in_dim3A_1804 = vector.broadcast %jit3A_1803 : f32 to vector<16xf32>
      %select_n3A_1805 = arith.select %eq3A_1802, %get3A_1798, %broadcast_in_dim3A_1804 : vector<16xi1>, vector<16xf32>
      %add3A_1806 = arith.addf %add3A_1783, %select_n3A_1805 : vector<16xf32>
      scf.yield %add3A_1806 : vector<16xf32>
    }
    %scan3A_8 = arith.constant 8 : i32
    %swap3A = arith.constant 0 : index
    %swap3A_9 = tpu.vector_load %arg7[%swap3A] {strides = array<i32>} : memref<16xf32, #tpu.memory_space<vmem>>, vector<16xf32>,
    %swap3A_10 = vector.shape_cast %swap3A_9 : vector<16xf32> to vector<16xf32>
    %swap3A_11 = vector.shape_cast %scan3A_7 : vector<16xf32> to vector<16xf32>
    tpu.vector_store %arg7[%swap3A], %swap3A_11 {strides = array<i32>} : memref<16xf32, #tpu.memory_space<vmem>>, vector<16xf32>,
    "tpu.region"() ({
      %run_scoped3A = tpu.sem_alloc : memref<!tpu.dma_semaphore, #tpu.memory_space<semaphore_mem>>
      %dma_start3A = arith.constant 0 : i32
      %dma_start3A_12 = tpu.memref_slice %arg4[%add3A, %dma_start3A] : memref<16x16xf32, #tpu.memory_space<hbm>> -> memref<1x16xf32, #tpu.memory_space<hbm>>
      %dma_start3A_13 = tpu.memref_squeeze %dma_start3A_12 : memref<1x16xf32, #tpu.memory_space<hbm>> -> memref<16xf32, #tpu.memory_space<hbm>>
      %dma_start3A_14 = arith.constant 0 : i32
      %dma_start3A_15 = tpu.memref_slice %arg4[%add3A, %dma_start3A_14] : memref<16x16xf32, #tpu.memory_space<hbm>> -> memref<1x16xf32, #tpu.memory_space<hbm>>
      %dma_start3A_16 = tpu.memref_squeeze %dma_start3A_15 : memref<1x16xf32, #tpu.memory_space<hbm>> -> memref<16xf32, #tpu.memory_space<hbm>>
      tpu.enqueue_dma source(%arg7 : memref<16xf32, #tpu.memory_space<vmem>>) target(%dma_start3A_16 : memref<16xf32, #tpu.memory_space<hbm>>) target_semaphore(%run_scoped3A : memref<!tpu.dma_semaphore, #tpu.memory_space<semaphore_mem>>)
      %dma_wait3A = arith.constant 0 : i32
      %dma_wait3A_17 = tpu.memref_slice %arg4[%add3A, %dma_wait3A] : memref<16x16xf32, #tpu.memory_space<hbm>> -> memref<1x16xf32, #tpu.memory_space<hbm>>
      %dma_wait3A_18 = tpu.memref_squeeze %dma_wait3A_17 : memref<1x16xf32, #tpu.memory_space<hbm>> -> memref<16xf32, #tpu.memory_space<hbm>>
      %dma_wait3A_19 = arith.constant 0 : i32
      %dma_wait3A_20 = tpu.memref_slice %arg4[%add3A, %dma_wait3A_19] : memref<16x16xf32, #tpu.memory_space<hbm>> -> memref<1x16xf32, #tpu.memory_space<hbm>>
      %dma_wait3A_21 = tpu.memref_squeeze %dma_wait3A_20 : memref<1x16xf32, #tpu.memory_space<hbm>> -> memref<16xf32, #tpu.memory_space<hbm>>
      tpu.wait_dma2 semaphore(%run_scoped3A : memref<!tpu.dma_semaphore, #tpu.memory_space<semaphore_mem>>) src(%arg7 : memref<16xf32, #tpu.memory_space<vmem>>) dst(%dma_wait3A_21 : memref<16xf32, #tpu.memory_space<hbm>>)
      tpu.yield
    }) : () -> ()
    return
  }
}

module attributes {stable_mosaic.version = 14 : i64} {
  func.func @_lse_body(%arg0: i32, %arg1: i32, %arg2: memref<1x256x16384xf32, #tpu.memory_space<vmem>>, %arg3: memref<1x1x1xf32, #tpu.memory_space<vmem>>) attributes {dimension_semantics = [#tpu.dimension_semantics<arbitrary>, #tpu.dimension_semantics<arbitrary>], iteration_bounds = array<i64: 2, 8>, scalar_prefetch = 0 : i64, scratch_operands = 0 : i64, tpu.core_type = #tpu.core_type<tc>, window_params = [{transform_indices = @transform_0, window_bounds = array<i64: 1, 256, 16384>}, {transform_indices = @transform_1, window_bounds = array<i64: 1, 1, 1>}]} {
    %get3A = arith.constant 0 : index
    %get3A_0 = arith.constant 0 : index
    %get3A_1 = arith.constant 0 : index
    %get3A_2 = vector.load %arg2[%get3A, %get3A_0, %get3A_1] : memref<1x256x16384xf32, #tpu.memory_space<vmem>>, vector<1x256x16384xf32>
    %get3A_3 = vector.shape_cast %get3A_2 : vector<1x256x16384xf32> to vector<256x16384xf32>
    %exp3A = math.exp %get3A_3 : vector<256x16384xf32>
    %reduce_sum3A = arith.constant dense<0.000000e+00> : vector<256xf32>
    %reduce_sum3A_4 = vector.multi_reduction <add>, %exp3A, %reduce_sum3A [1] : vector<256x16384xf32> to vector<256xf32>
    %broadcast_in_dim3A = vector.shape_cast %reduce_sum3A_4 : vector<256xf32> to vector<256x1xf32>
    %log3A = math.log %broadcast_in_dim3A : vector<256x1xf32>
    %reduce_sum3A_5 = vector.shape_cast %log3A : vector<256x1xf32> to vector<1x256x1xf32>
    %reduce_sum3A_6 = arith.constant dense<0.000000e+00> : vector<1xf32>
    %reduce_sum3A_7 = vector.multi_reduction <add>, %reduce_sum3A_5, %reduce_sum3A_6 [1, 2] : vector<1x256x1xf32> to vector<1xf32>
    %reduce_sum3A_8 = vector.shape_cast %reduce_sum3A_7 : vector<1xf32> to vector<1x1x1xf32>
    %reduce_sum3A_9 = vector.extract %reduce_sum3A_8[0, 0, 0] : f32 from vector<1x1x1xf32>
    %reshape3A = vector.broadcast %reduce_sum3A_9 : f32 to vector<1x1xf32>
    %eq3A = arith.constant 0 : i32
    %eq3A_10 = arith.cmpi eq, %arg1, %eq3A : i32
    %convert_element_type3A = arith.extui %eq3A_10 : i1 to i32
    %cond3A = arith.constant 0 : i32
    %cond3A_11 = arith.cmpi ne, %convert_element_type3A, %cond3A : i32
    scf.if %cond3A_11 {
      %broadcast_in_dim3A_22 = arith.constant 0.000000e+00 : f32
      %broadcast_in_dim3A_23 = vector.broadcast %broadcast_in_dim3A_22 : f32 to vector<1x1xf32>
      %swap3A_24 = arith.constant 0 : index
      %swap3A_25 = arith.constant 0 : index
      %swap3A_26 = arith.constant 0 : index
      %swap3A_27 = vector.load %arg3[%swap3A_24, %swap3A_25, %swap3A_26] : memref<1x1x1xf32, #tpu.memory_space<vmem>>, vector<1x1x1xf32>
      %swap3A_28 = vector.shape_cast %swap3A_27 : vector<1x1x1xf32> to vector<1x1xf32>
      %swap3A_29 = vector.shape_cast %broadcast_in_dim3A_23 : vector<1x1xf32> to vector<1x1x1xf32>
      tpu.vector_store %arg3[%swap3A_24, %swap3A_25, %swap3A_26], %swap3A_29 {strides = array<i32>} : memref<1x1x1xf32, #tpu.memory_space<vmem>>, vector<1x1x1xf32>,
    } else {
    }
    %get3A_12 = arith.constant 0 : index
    %get3A_13 = arith.constant 0 : index
    %get3A_14 = arith.constant 0 : index
    %get3A_15 = vector.load %arg3[%get3A_12, %get3A_13, %get3A_14] : memref<1x1x1xf32, #tpu.memory_space<vmem>>, vector<1x1x1xf32>
    %get3A_16 = vector.shape_cast %get3A_15 : vector<1x1x1xf32> to vector<1x1xf32>
    %add3A = arith.addf %get3A_16, %reshape3A : vector<1x1xf32>
    %swap3A = arith.constant 0 : index
    %swap3A_17 = arith.constant 0 : index
    %swap3A_18 = arith.constant 0 : index
    %swap3A_19 = vector.load %arg3[%swap3A, %swap3A_17, %swap3A_18] : memref<1x1x1xf32, #tpu.memory_space<vmem>>, vector<1x1x1xf32>
    %swap3A_20 = vector.shape_cast %swap3A_19 : vector<1x1x1xf32> to vector<1x1xf32>
    %swap3A_21 = vector.shape_cast %add3A : vector<1x1xf32> to vector<1x1x1xf32>
    tpu.vector_store %arg3[%swap3A, %swap3A_17, %swap3A_18], %swap3A_21 {strides = array<i32>} : memref<1x1x1xf32, #tpu.memory_space<vmem>>, vector<1x1x1xf32>,
    return
  }
  func.func @transform_0(%arg0: i32, %arg1: i32) -> (i32, i32, i32) {
    %c0_i32 = arith.constant 0 : i32
    %c0_i32_0 = arith.constant 0 : i32
    return %arg0, %arg1, %c0_i32 : i32, i32, i32
  }
  func.func @transform_1(%arg0: i32, %arg1: i32) -> (i32, i32, i32) {
    %c0_i32 = arith.constant 0 : i32
    %c0_i32_0 = arith.constant 0 : i32
    %c0_i32_1 = arith.constant 0 : i32
    return %arg0, %c0_i32, %c0_i32_0 : i32, i32, i32
  }
}

</mosaic_0001>

<sc_bundles>
// kernel: kernel.4.cloned.1.call-start
scs
__scs_entry_jumppad:
0x0: {  	(pc) =	sbr.rel $0x88, $3  }
0x1: {  	(tag) =	ssettag $0x0;
	lr =	simm.s32 $0x1  }
0x2: {  	[smem:$0x3F9F] =	sst lr;
	_ =	strace $0xD0000000  }
0x3: {  	_ = 	snop  }
0x4: {  	_ = 	snop  }
0x5: {  	_ = 	snop  }
0x6: {  	_ = 	snop  }
0x7: {  	_ = 	snop  }
__scs_overlays_trampoline_lowered:
0x8: {  	[smem:$0x3FAE] =	sst s0  }
0x9: {  	[smem:$0x3FAF] =	sst s1  }
0xa: {  	[smem:$0x3FB0] =	sst s2  }
0xb: {  	[smem:$0x3FB1] =	sst s3  }
0xc: {  	[smem:$0x3FB2] =	sst s4  }
0xd: {  	[smem:$0x3FB3] =	sst s5  }
0xe: {  	[smem:$0x3FB4] =	sst s6  }
0xf: {  	[smem:$0x3FB5] =	sst s7  }
0x10: {  	[smem:$0x3FB6] =	sst s8  }
0x11: {  	[smem:$0x3FB7] =	sst s9;
	s0 =	simm.s32 @!p0 $0x0  }
0x12: {  	s1 =	sld [smem:$0x3F9D];
	s0 =	simm.s32 @p0 $0x1  }
0x13: {  	[smem:$0x3FB8] =	sst s0;
	s0 =	simm.s32 @!p1 $0x0  }
0x14: {  	s2 =	sld [smem:$0x3F9C];
	s0 =	simm.s32 @p1 $0x1  }
0x15: {  	[smem:$0x3FB9] =	sst s0;
	s0 =	simm.s32 @!p2 $0x0  }
0x16: {  	s3 =	sld [smem:$0x3FDB];
	s0 =	simm.s32 @p2 $0x1  }
0x17: {  	s4 =	simm.s32 $0x1BF5;
	[smem:$0x3FBB] =	sst s0  }
0x18: {  	s0 =	sld [smem:$0x3F9E];
	_ =	swait.ge [sflag:s4], $0x0  }
0x19: {  	s7 =	sld [smem:$0x3F9F]  }
0x1a: {  	s8 =	sadd.s32 $0xFFFFE003, lr  }
0x1b: {  	s9 =	sadd.s32 $0xFFFFFEF7, lr;
	s5 =	simm.s32 $0xFFFFFFFF;
	p2 =	slt.u32 s8, $0xFFFFF086  }
0x1c: {  	p1 =	slt.u32 s9, $0xF7A;
	s5 =	simm.s32 @!p2 $0x0  }
0x1d: {  	s5 =	simm.s32 @p1 $0x1;
	p0 =	seq.s32 s7, s2  }
0x1e: {  	s7 =	smul.u32 @!p0 $0xF7A, s2;
	p2 =	seq.s32 @!p0 s5, $0x0  }
0x1f: {  	s9 =	smul.u32 $0xF7A, s1;
	s8 =	simm.s32 @!p0 $0x1BF5;
	p2 =	por !p2, p0  }
0x20: {  	[sflag:s8] =	ssyncset.s32 @!p0 $0xFFFFF086;
	s6 =	sadd.s32 @!p0 s3, s7;
	s7 =	simm.s32 @!p0 $0x108  }
0x21: {  	s3 =	sadd.s32 s3, s9;
	s6 =	sadd.s32 @!p0 $0x88, s6;
	s7 =	simm.s32 @p2 $0x1082  }
0x22: {  	[simem:s7], [sflag:s8] =	dma.local @!p0 [hbm:s6], $0xF7A  }
0x23: {  	s9 =	sor.u32 $0xD0000000, s2;
	s6 =	simm.s32 $0x108;
	_ =	swait.ge @!p0 [sflag:s8], $0x0  }
0x24: {  	s3 =	sadd.s32 $0x88, s3;
	s6 =	simm.s32 @!p1 $0x1082;
	[sflag:s4] =	ssyncset.s32 $0xFFFFF086  }
0x25: {  	[simem:s6], [sflag:s4] =	dma.local [hbm:s3], $0xF7A  }
0x26: {  	[smem:$0x3F9F] =	sst s1;
	(tag) =	ssettag s2;
	_ =	strace s9  }
0x27: {  	s1 =	sld [smem:$0x3FAF]  }
0x28: {  	s2 =	sld [smem:$0x3FB0]  }
0x29: {  	s4 =	sld [smem:$0x3FB2]  }
0x2a: {  	p0 =	seq.s32 s5, $0x0;
	s5 =	sld [smem:$0x3FB3]  }
0x2b: {  	s6 =	sld [smem:$0x3FB4]  }
0x2c: {  	s7 =	sld [smem:$0x3FB5]  }
0x2d: {  	s3 =	simm.s32 $0x108;
	s8 =	sld [smem:$0x3FB6]  }
0x2e: {  	s3 =	simm.s32 @!p0 $0x1082;
	s9 =	sld [smem:$0x3FB7]  }
0x2f: {  	lr =	sadd.s32 s0, s3;
	s0 =	sld [smem:$0x3FAE]  }
0x30: {  	s3 =	sld [smem:$0x3FB1]  }
0x31: {  	[smem:$0x3FBA] =	sst s10  }
0x32: {  	s10 =	sld [smem:$0x3FB8];
	_ =	sdelay $0x3  }
0x33: {  	p0 =	seq.s32 s10, $0x1;
	s10 =	sld [smem:$0x3FBA];
	_ =	sdelay $0x3  }
0x34: {  	[smem:$0x3FBA] =	sst s10  }
0x35: {  	s10 =	sld [smem:$0x3FB9];
	_ =	sdelay $0x3  }
0x36: {  	p1 =	seq.s32 s10, $0x1;
	s10 =	sld [smem:$0x3FBA];
	_ =	sdelay $0x3  }
0x37: {  	[smem:$0x3FBA] =	sst s10  }
0x38: {  	s10 =	sld [smem:$0x3FBB]  }
0x39: {  	_ = 	snop;
	(pc) =	sbr.ind lr, $3  }
0x3a: {  	_ = 	snop  }
0x3b: {  	_ = 	snop  }
0x3c: {  	p2 =	seq.s32 s10, $0x1;
	s10 =	sld [smem:$0x3FBA]  }
0x3d: {  	_ =	shalt  }
0x3e: {  	_ =	shalt  }
0x3f: {  	_ =	shalt  }
0x40: {  	_ =	shalt  }
0x41: {  	_ =	shalt  }
0x42: {  	_ =	shalt  }
0x43: {  	_ =	shalt  }
0x44: {  	_ =	shalt  }
0x45: {  	_ =	shalt  }
0x46: {  	_ =	shalt  }
0x47: {  	_ =	shalt  }
0x48: {  	_ =	shalt  }
0x49: {  	_ =	shalt  }
0x4a: {  	_ =	shalt  }
0x4b: {  	_ =	shalt  }
0x4c: {  	_ =	shalt  }
0x4d: {  	_ =	shalt  }
0x4e: {  	_ =	shalt  }
0x4f: {  	_ =	shalt  }
0x50: {  	_ =	shalt  }
0x51: {  	_ =	shalt  }
0x52: {  	_ =	shalt  }
0x53: {  	_ =	shalt  }
0x54: {  	_ =	shalt  }
0x55: {  	_ =	shalt  }
0x56: {  	_ =	shalt  }
0x57: {  	_ =	shalt  }
0x58: {  	_ =	shalt  }
0x59: {  	_ =	shalt  }
0x5a: {  	_ =	shalt  }
0x5b: {  	_ =	shalt  }
0x5c: {  	_ =	shalt  }
0x5d: {  	_ =	shalt  }
0x5e: {  	_ =	shalt  }
0x5f: {  	_ =	shalt  }
0x60: {  	_ =	shalt  }
0x61: {  	_ =	shalt  }
0x62: {  	_ =	shalt  }
0x63: {  	_ =	shalt  }
0x64: {  	_ =	shalt  }
0x65: {  	_ =	shalt  }
0x66: {  	_ =	shalt  }
0x67: {  	_ =	shalt  }
0x68: {  	_ =	shalt  }
0x69: {  	_ =	shalt  }
0x6a: {  	_ =	shalt  }
0x6b: {  	_ =	shalt  }
0x6c: {  	_ =	shalt  }
0x6d: {  	_ =	shalt  }
0x6e: {  	_ =	shalt  }
0x6f: {  	_ =	shalt  }
0x70: {  	_ =	shalt  }
0x71: {  	_ =	shalt  }
0x72: {  	_ =	shalt  }
0x73: {  	_ =	shalt  }
0x74: {  	_ =	shalt  }
0x75: {  	_ =	shalt  }
0x76: {  	_ =	shalt  }
0x77: {  	_ =	shalt  }
0x78: {  	_ =	shalt  }
0x79: {  	_ =	shalt  }
0x7a: {  	_ =	shalt  }
0x7b: {  	_ =	shalt  }
0x7c: {  	_ =	shalt  }
0x7d: {  	_ =	shalt  }
0x7e: {  	_ =	shalt  }
0x7f: {  	_ =	shalt  }
0x80: {  	_ =	shalt  }
0x81: {  	_ =	shalt  }
0x82: {  	_ =	shalt  }
0x83: {  	_ =	shalt  }
0x84: {  	_ =	shalt  }
0x85: {  	_ =	shalt  }
0x86: {  	_ =	shalt  }
0x87: {  	_ =	shalt  }
.Lfunc_end0:
.L_simem_size_0:
called_computation_lowered:
.L_overlay_start_0:
0x88: {  	s0 =	sld [smem:$0x3FD9]  }
0x89: {  	s1 =	sld [smem:$0x3FFE];
	_ =	sdelay $0x3  }
0x8a: {  	s0 =	sadd.s32 s1, s0  }
0x8b: {  	[smem:$0x3FC6] =	sst s0  }
0x8c: {  	_ = 	snop  }
0x8d: {  	s0 =	sld [smem:$0x3FC9];
	(tm) =	ssettm $0x1  }
0x8e: {  	s16 =	sld [smem:$0x3FFB];
	_ =	sdelay $0x3  }
0x8f: {  	_ =	strace s16  }
0x90: {  	s1 =	sld [smem:$0x3FFC];
	_ =	sdelay $0x3  }
0x91: {  	_ =	strace s1  }
0x92: {  	s1 =	sld [smem:$0x3FFD];
	_ =	sdelay $0x3  }
0x93: {  	_ =	strace s1  }
0x94: {  	_ =	strace $0x8FFFFFFF  }
0x95: {  	s17 =	sld [smem:$0x3FDB];
	_ =	sdelay $0x1  }
0x96: {  	s2 =	simm.s32 $_scs_section_size  }
0x97: {  	s3 =	simm.s32 $_size__tile_overlayer_lowered;
	s4 =	simm.s32 $_tile_overlayer_lowered  }
0x98: {  	s20 =	simm.s32 $0x1BFF;
	s19 =	sshll.u32 s4, $0x1;
	s1 =	sadd.s32 s2, s17  }
0x99: {  	s5 =	simm.s32 $0x0;
	s18 =	sshll.u32 s3, $0x1;
	s3 =	sadd.s32 s19, s1  }
0x9a: {  	[timem:s5], [sflag:s20] =	dma.local [hbm:s3], s18  }
0x9b: {  	_ =	swait.ge [sflag:s20], s18  }
0x9c: {  	s2 =	ssub.s32 $0x0, s18;
	[sflag:s20] =	ssyncset.done $0x0  }
0x9d: {  	[sflag:s20] =	ssyncadd.s32 s2;
	_ =	sdelay $0x1  }
0x9e: {  	s21 =	simm.s32 $0x1B8B  }
0x9f: {  	_ =	swait.ge [sflag:s21], $0x1  }
0xa0: {  	[sflag:s21] =	ssyncset.done $0x0  }
0xa1: {  	s23 =	simm.s32 $0x1B8E;
	s22 =	sld [smem:$0x3FFE];
	[sflag:s21] =	ssyncadd.s32 $0xFFFFFFFF  }
0xa2: {  	s24 =	simm.s32 $execute0_lowered;
	[smem:$0x3FD2] =	sst s23  }
0xa3: {  	s3 =	sshll.u32 s24, $0x1;
	_ =	strace $0x80000046;
	[dreg:$0x1] =	wrdreg $0xFFFFFFFF  }
0xa4: {  	s25 =	simm.s32 $_size_execute0_lowered;
	s1 =	sadd.s32 s1, s3;
	[dreg:$0x0] =	wrdreg $0x0  }
0xa5: {  	s3 =	sshll.u32 s25, $0x1;
	[dreg:$0x2] =	wrdreg s1  }
0xa6: {  	[dreg:$0x3] =	wrdreg s3  }
0xa7: {  	[dreg:$0x4] =	wrdreg $0xC0  }
0xa8: {  	_ =	task [dreg:s5], $0x5FFFF  }
0xa9: {  	[dreg:$0x1] =	wrdreg $0xFFFFFFFF  }
0xaa: {  	[dreg:$0x0] =	wrdreg $0x60  }
0xab: {  	[dreg:$0x2] =	wrdreg s0  }
0xac: {  	[dreg:$0x3] =	wrdreg s22  }
0xad: {  	[dreg:$0x4] =	wrdreg $0x9  }
0xae: {  	_ =	task.clear_ibuf [dreg:s5], $0x5FFFF;
	_ =	strace $0x90000046  }
0xaf: {  	s26 =	simm.s32 $0x9;
	_ =	strace $0x80000048  }
0xb0: {  	_ =	swait.ge [sflag:s26], $0x1  }
0xb1: {  	[sflag:s26] =	ssyncadd.s32 $0xFFFFFFFF  }
0xb2: {  	_ =	strace $0x90000048  }
0xb3: {  	_ =	sfence  }
0xb4: {  	s28 =	sld [smem:$0x0];
	_ =	sdelay $0x1  }
0xb5: {  	s29 =	srdreg.scid  }
0xb6: {  	s30 =	sshll.u32 s29, $0xD;
	s31 =	sshrl.u32 s29, $0x2  }
0xb7: {  	s2 =	sand.u32 $0x4000, s30;
	s1 =	sand.u32 $0x1, s29;
	s0 =	sadd.s32 s31, s28  }
0xb8: {  	s1 =	sor.u32 s2, s1;
	s0 =	sshll.u32 s0, $0x11  }
0xb9: {  	s0 =	sor.u32 s0, s1  }
0xba: {  	s0 =	sadd.s32 $0x8F2B, s0  }
0xbb: {  	[sflag:s0] =	ssyncadd.remote.s32 $0x1  }
0xbc: {  	_ =	sfence.sel $0xFFFF  }
0xbd: {  	[dreg:$0x0] =	wrdreg $0xFFFFFFFF;
	(pc) =	sbr.abs _section_cstart, $3  }
0xbe: {  	[dreg:$0x1] =	wrdreg $0xFFFFFFFF  }
0xbf: {  	_ =	task.clear_ibuf [dreg:s5], $0x2FFFF;
	_ =	strace $0x9FFFFFFF  }
0xc0: {  	(tm) =	ssettm $0x7FFFFFFF  }
0xc1: {  	_ =	shalt  }
tec
execute0_lowered:
.L_overlay_start_1:
0x0: {  	(tag) =	ssettag $0x1  }
0x1: {  	s2 =	rddreg [dreg:$0x0]  }
0x2: {  	s0 =	rddreg [dreg:$0x1];
	s3 =	simm.s32 $0x0;
	s4 =	stileid.u32  }
0x3: {  	[smem:$0x7FF] =	sst s3;
	s1 =	sshll.u32 s4, $0x5  }
0x4: {  	s4 =	sshll.u32 s4, $0x16;
	_ =	strace $0x80000047;
	s1 =	sadd.s32 s0, s1  }
0x5: {  	[tilespmem:s3], [sflag:$0x2] =	stream.linear.gather [hbm4b:s1+s3], $0x100, $0x38;
	[tilespmem:$0x8180] =	vst v63  }
0x6: {  	s25 =	simm.s32 $0x100;
	[dreg:$0x3] =	wrdreg s4;
	s1 =	simm.s32 $0x2  }
0x7: {  	s26 =	simm.s32 $0x500;
	_ =	swait.ge [sflag:s1], $0x100;
	[dreg:$0x4] =	wrdreg s25  }
0x8: {  	s28 =	simm.s32 $0x900;
	[dreg:$0x5] =	wrdreg s26  }
0x9: {  	s29 =	simm.s32 $0xD00;
	[dreg:$0x6] =	wrdreg s28  }
0xa: {  	s30 =	simm.s32 $0x1100;
	[dreg:$0x7] =	wrdreg s29  }
0xb: {  	s31 =	simm.s32 $0x1500;
	[dreg:$0x8] =	wrdreg s30  }
0xc: {  	s5 =	simm.s32 $0x1900;
	[dreg:$0x9] =	wrdreg s31  }
0xd: {  	s6 =	simm.s32 $0x1D00;
	[dreg:$0xa] =	wrdreg s5  }
0xe: {  	s7 =	simm.s32 $0x2100;
	[dreg:$0xb] =	wrdreg s6  }
0xf: {  	s8 =	simm.s32 $0x2500;
	[dreg:$0xc] =	wrdreg s7  }
0x10: {  	s9 =	simm.s32 $0x2900;
	[dreg:$0xd] =	wrdreg s8  }
0x11: {  	s10 =	simm.s32 $0x2D00;
	[dreg:$0xe] =	wrdreg s9  }
0x12: {  	s11 =	simm.s32 $0x3100;
	[dreg:$0xf] =	wrdreg s10  }
0x13: {  	s12 =	simm.s32 $0x3500;
	[dreg:$0x10] =	wrdreg s11  }
0x14: {  	s13 =	simm.s32 $0x3900;
	[dreg:$0x11] =	wrdreg s12  }
0x15: {  	s14 =	simm.s32 $0x3D00;
	[dreg:$0x12] =	wrdreg s13  }
0x16: {  	s15 =	simm.s32 $0x4100;
	[dreg:$0x13] =	wrdreg s14  }
0x17: {  	s16 =	simm.s32 $0x4500;
	[dreg:$0x14] =	wrdreg s15  }
0x18: {  	s17 =	simm.s32 $0x4900;
	[dreg:$0x15] =	wrdreg s16  }
0x19: {  	s18 =	simm.s32 $0x4D00;
	[dreg:$0x16] =	wrdreg s17  }
0x1a: {  	s19 =	simm.s32 $0x5100;
	[dreg:$0x17] =	wrdreg s18  }
0x1b: {  	s20 =	simm.s32 $0x5500;
	[dreg:$0x18] =	wrdreg s19  }
0x1c: {  	s21 =	simm.s32 $0x5900;
	[dreg:$0x19] =	wrdreg s20  }
0x1d: {  	s22 =	simm.s32 $0x5D00;
	[dreg:$0x1a] =	wrdreg s21  }
0x1e: {  	s23 =	simm.s32 $0x6100;
	[dreg:$0x1b] =	wrdreg s22  }
0x1f: {  	s24 =	simm.s32 $0x6500;
	[dreg:$0x1c] =	wrdreg s23  }
0x20: {  	[dreg:$0x1d] =	wrdreg s24;
	s25 =	simm.s32 $0x6900  }
0x21: {  	s0 =	sadd.s32 $0x200, s0;
	[dreg:$0x1e] =	wrdreg s25  }
0x22: {  	s26 =	simm.s32 $0x6D00;
	[smem:$0x7F9] =	sst s0  }
0x23: {  	s28 =	simm.s32 $0x7100;
	[dreg:$0x1f] =	wrdreg s26  }
0x24: {  	s29 =	simm.s32 $0x7500;
	s30 =	simm.s32 $0x7900;
	[smem:$0x7FA] =	sst s28  }
0x25: {  	s15 =	simm.s32 $0x10;
	s31 =	simm.s32 $0x7D00;
	[smem:$0x7FB] =	sst s29  }
0x26: {  	s6 =	simm.s32 $0x1;
	[sflag:s1] =	ssyncset.done $0x0;
	[smem:$0x7FC] =	sst s30  }
0x27: {  	v1 =	vimm.f32 $0.0e+00;
	v0 =	vlaneseq.u32;
	s7 =	simm.s32 $0x0;
	[smem:$0x7FD] =	sst s31;
	[sflag:s1] =	ssyncadd.s32 $0xFFFFFF00  }
.LBB2_1:
0x28: {  	v3 =	vld [tilespmem:s15+$0xFFFFFFF0];
	_ =	sdelay $0x4  }
0x29: {  	(v2sf) =	vpush v3, $0x0;
	_ =	sdelay $0x5  }
0x2a: {  	(v2sf) =	vpush v3, $0x1;
	_ =	sdelay $0x7  }
0x2b: {  	(v2sf) =	vpush v3, $0x2  }
0x2c: {  	s1 =	spop (v2sf);
	(v2sf) =	vpush v3, $0x3;
	_ =	sdelay $0x5  }
0x2d: {  	s30 =	spop (v2sf);
	(v2sf) =	vpush v3, $0x4  }
0x2e: {  	s0 =	rddreg [dreg:$0x3]  }
0x2f: {  	[smem:$0x7F0] =	sst s1;
	s1 =	sshll.u32 s1, $0x3  }
0x30: {  	s0 =	sadd.s32 s7, s0;
	s1 =	sand.u32 $0x7FFFFC00, s1  }
0x31: {  	s1 =	sadd.s32 s1, s0  }
0x32: {  	s1 =	sshrl.u32 s1, $0x3  }
0x33: {  	s4 =	rddreg [dreg:$0x4];
	s1 =	sadd.s32 s2, s1  }
0x34: {  	v2 =	vld [tilespmem:s15+$0x0];
	[tilespmem:s4], [sflag:$0x1] =	stream.linear.gather [hbm4b:s1+s3], $0x400, $0x38  }
0x35: {  	s5 =	spop (v2sf);
	(v2sf) =	vpush v3, $0x5;
	s1 =	sshll.u32 s30, $0x3  }
0x36: {  	s1 =	sand.u32 $0x7FFFFC00, s1;
	s9 =	spop (v2sf);
	(v2sf) =	vpush v3, $0x6  }
0x37: {  	s1 =	sadd.s32 s1, s0  }
0x38: {  	s1 =	sshrl.u32 s1, $0x3  }
0x39: {  	s31 =	rddreg [dreg:$0x5];
	s1 =	sadd.s32 s2, s1  }
0x3a: {  	[tilespmem:s31], [sflag:$0x1] =	stream.linear.gather [hbm4b:s1+s3], $0x400, $0x38;
	[tilespmem:$0x8180] =	vst v63  }
0x3b: {  	s1 =	sshll.u32 s5, $0x3  }
0x3c: {  	s1 =	sand.u32 $0x7FFFFC00, s1;
	s11 =	spop (v2sf);
	(v2sf) =	vpush v3, $0x7  }
0x3d: {  	s1 =	sadd.s32 s1, s0  }
0x3e: {  	s1 =	sshrl.u32 s1, $0x3  }
0x3f: {  	s8 =	rddreg [dreg:$0x6];
	s1 =	sadd.s32 s2, s1  }
0x40: {  	[tilespmem:s8], [sflag:$0x1] =	stream.linear.gather [hbm4b:s1+s3], $0x400, $0x38;
	[tilespmem:$0x8180] =	vst v63  }
0x41: {  	s1 =	sshll.u32 s9, $0x3  }
0x42: {  	s1 =	sand.u32 $0x7FFFFC00, s1  }
0x43: {  	s1 =	sadd.s32 s1, s0  }
0x44: {  	[smem:$0x7F2] =	sst s5;
	s5 =	spop (v2sf);
	s1 =	sshrl.u32 s1, $0x3  }
0x45: {  	s10 =	rddreg [dreg:$0x7];
	s1 =	sadd.s32 s2, s1;
	s16 =	spop (v2sf);
	(v2sf) =	vpush v3, $0x8  }
0x46: {  	[tilespmem:s10], [sflag:$0x1] =	stream.linear.gather [hbm4b:s1+s3], $0x400, $0x38;
	[tilespmem:$0x8180] =	vst v63  }
0x47: {  	s1 =	sshll.u32 s11, $0x3  }
0x48: {  	s1 =	sand.u32 $0x7FFFFC00, s1  }
0x49: {  	s1 =	sadd.s32 s1, s0  }
0x4a: {  	s12 =	rddreg [dreg:$0x8];
	s1 =	sshrl.u32 s1, $0x3  }
0x4b: {  	s13 =	sshll.u32 s5, $0x3;
	s1 =	sadd.s32 s2, s1;
	s19 =	spop (v2sf);
	(v2sf) =	vpush v3, $0x9  }
0x4c: {  	[tilespmem:s12], [sflag:$0x1] =	stream.linear.gather [hbm4b:s1+s3], $0x400, $0x38;
	[tilespmem:$0x8180] =	vst v63  }
0x4d: {  	s1 =	sand.u32 $0x7FFFFC00, s13  }
0x4e: {  	s1 =	sadd.s32 s1, s0  }
0x4f: {  	s1 =	sshrl.u32 s1, $0x3  }
0x50: {  	s14 =	rddreg [dreg:$0x9];
	s1 =	sadd.s32 s2, s1  }
0x51: {  	[tilespmem:s14], [sflag:$0x1] =	stream.linear.gather [hbm4b:s1+s3], $0x400, $0x38;
	[tilespmem:$0x8180] =	vst v63  }
0x52: {  	s17 =	sshll.u32 s16, $0x3  }
0x53: {  	s1 =	sand.u32 $0x7FFFFC00, s17  }
0x54: {  	s1 =	sadd.s32 s1, s0;
	s21 =	spop (v2sf);
	(v2sf) =	vpush v3, $0xA  }
0x55: {  	s1 =	sshrl.u32 s1, $0x3  }
0x56: {  	s18 =	rddreg [dreg:$0xa];
	s1 =	sadd.s32 s2, s1  }
0x57: {  	[tilespmem:s18], [sflag:$0x1] =	stream.linear.gather [hbm4b:s1+s3], $0x400, $0x38;
	[tilespmem:$0x8180] =	vst v63  }
0x58: {  	s1 =	sshll.u32 s19, $0x3  }
0x59: {  	s1 =	sand.u32 $0x7FFFFC00, s1  }
0x5a: {  	s1 =	sadd.s32 s1, s0;
	s17 =	spop (v2sf);
	(v2sf) =	vpush v3, $0xB  }
0x5b: {  	s1 =	sshrl.u32 s1, $0x3  }
0x5c: {  	s20 =	rddreg [dreg:$0xb];
	s1 =	sadd.s32 s2, s1  }
0x5d: {  	[tilespmem:s20], [sflag:$0x1] =	stream.linear.gather [hbm4b:s1+s3], $0x400, $0x38;
	[tilespmem:$0x8180] =	vst v63  }
0x5e: {  	s1 =	sshll.u32 s21, $0x3  }
0x5f: {  	s1 =	sand.u32 $0x7FFFFC00, s1  }
0x60: {  	s1 =	sadd.s32 s1, s0  }
0x61: {  	s1 =	sadd.s32 $0x20000, s1  }
0x62: {  	s22 =	rddreg [dreg:$0xc];
	s1 =	sshrl.u32 s1, $0x3  }
0x63: {  	s23 =	sshll.u32 s17, $0x3;
	s1 =	sadd.s32 s2, s1;
	s18 =	spop (v2sf);
	(v2sf) =	vpush v3, $0xC  }
0x64: {  	[tilespmem:s22], [sflag:$0x1] =	stream.linear.gather [hbm4b:s1+s3], $0x400, $0x38;
	[tilespmem:$0x8180] =	vst v63  }
0x65: {  	s1 =	sand.u32 $0x7FFFFC00, s23  }
0x66: {  	s1 =	sadd.s32 s1, s0  }
0x67: {  	s1 =	sadd.s32 $0x20000, s1  }
0x68: {  	s24 =	rddreg [dreg:$0xd];
	s1 =	sshrl.u32 s1, $0x3  }
0x69: {  	[smem:$0x7F7] =	sst s19;
	s1 =	sadd.s32 s2, s1;
	s19 =	spop (v2sf);
	(v2sf) =	vpush v3, $0xD  }
0x6a: {  	[tilespmem:s24], [sflag:$0x1] =	stream.linear.gather [hbm4b:s1+s3], $0x400, $0x38;
	[tilespmem:$0x8180] =	vst v63  }
0x6b: {  	s25 =	sshll.u32 s18, $0x3  }
0x6c: {  	s1 =	sand.u32 $0x7FFFFC00, s25  }
0x6d: {  	s1 =	sadd.s32 s1, s0  }
0x6e: {  	s1 =	sadd.s32 $0x20000, s1  }
0x6f: {  	s1 =	sshrl.u32 s1, $0x3  }
0x70: {  	s26 =	rddreg [dreg:$0xe];
	s28 =	sshll.u32 s19, $0x3;
	s1 =	sadd.s32 s2, s1  }
0x71: {  	[tilespmem:s26], [sflag:$0x1] =	stream.linear.gather [hbm4b:s1+s3], $0x400, $0x38;
	[tilespmem:$0x8180] =	vst v63  }
0x72: {  	s1 =	sand.u32 $0x7FFFFC00, s28;
	s20 =	spop (v2sf);
	(v2sf) =	vpush v3, $0xE  }
0x73: {  	s1 =	sadd.s32 s1, s0  }
0x74: {  	s1 =	sadd.s32 $0x20000, s1  }
0x75: {  	s29 =	rddreg [dreg:$0xf];
	s1 =	sshrl.u32 s1, $0x3  }
0x76: {  	[smem:$0x7F1] =	sst s30;
	s1 =	sadd.s32 s2, s1  }
0x77: {  	[tilespmem:s29], [sflag:$0x1] =	stream.linear.gather [hbm4b:s1+s3], $0x400, $0x38;
	[tilespmem:$0x8180] =	vst v63  }
0x78: {  	[smem:$0x7F8] =	sst s21;
	s30 =	sshll.u32 s20, $0x3;
	s21 =	spop (v2sf);
	(v2sf) =	vpush v3, $0xF  }
0x79: {  	s1 =	sand.u32 $0x7FFFFC00, s30  }
0x7a: {  	s1 =	sadd.s32 s1, s0  }
0x7b: {  	s1 =	sadd.s32 $0x20000, s1  }
0x7c: {  	s31 =	rddreg [dreg:$0x10];
	s1 =	sshrl.u32 s1, $0x3  }
0x7d: {  	[smem:$0x7F5] =	sst s5;
	s5 =	sshll.u32 s21, $0x3;
	s1 =	sadd.s32 s2, s1  }
0x7e: {  	[tilespmem:s31], [sflag:$0x1] =	stream.linear.gather [hbm4b:s1+s3], $0x400, $0x38;
	[tilespmem:$0x8180] =	vst v63  }
0x7f: {  	s1 =	sand.u32 $0x7FFFFC00, s5  }
0x80: {  	s1 =	sadd.s32 s1, s0  }
0x81: {  	s1 =	sadd.s32 $0x20000, s1;
	s22 =	spop (v2sf);
	(v2sf) =	vpush v2, $0x0  }
0x82: {  	s1 =	sshrl.u32 s1, $0x3  }
0x83: {  	s8 =	rddreg [dreg:$0x11];
	s1 =	sadd.s32 s2, s1  }
0x84: {  	[tilespmem:s8], [sflag:$0x1] =	stream.linear.gather [hbm4b:s1+s3], $0x400, $0x38;
	[tilespmem:$0x8180] =	vst v63  }
0x85: {  	[smem:$0x7F3] =	sst s9;
	s9 =	sshll.u32 s22, $0x3  }
0x86: {  	s1 =	sand.u32 $0x7FFFFC00, s9  }
0x87: {  	s23 =	spop (v2sf);
	(v2sf) =	vpush v2, $0x1;
	s1 =	sadd.s32 s1, s0  }
0x88: {  	s1 =	sadd.s32 $0x20000, s1  }
0x89: {  	[smem:$0x7F4] =	sst s11;
	s1 =	sshrl.u32 s1, $0x3  }
0x8a: {  	s10 =	rddreg [dreg:$0x12];
	s11 =	sshll.u32 s23, $0x3;
	s1 =	sadd.s32 s2, s1  }
0x8b: {  	[tilespmem:s10], [sflag:$0x1] =	stream.linear.gather [hbm4b:s1+s3], $0x400, $0x38;
	[tilespmem:$0x8180] =	vst v63  }
0x8c: {  	s1 =	sand.u32 $0x7FFFFC00, s11  }
0x8d: {  	s1 =	sadd.s32 s1, s0  }
0x8e: {  	s1 =	sadd.s32 $0x20000, s1  }
0x8f: {  	s1 =	sshrl.u32 s1, $0x3  }
0x90: {  	s12 =	rddreg [dreg:$0x13];
	s1 =	sadd.s32 s2, s1;
	s24 =	spop (v2sf);
	(v2sf) =	vpush v2, $0x2  }
0x91: {  	[tilespmem:s12], [sflag:$0x1] =	stream.linear.gather [hbm4b:s1+s3], $0x400, $0x38;
	[tilespmem:$0x8180] =	vst v63  }
0x92: {  	s13 =	sshll.u32 s24, $0x3  }
0x93: {  	s1 =	sand.u32 $0x7FFFFC00, s13  }
0x94: {  	s1 =	sadd.s32 s1, s0  }
0x95: {  	s1 =	sadd.s32 $0x40000, s1  }
0x96: {  	s14 =	rddreg [dreg:$0x14];
	s25 =	spop (v2sf);
	(v2sf) =	vpush v2, $0x3;
	s1 =	sshrl.u32 s1, $0x3  }
0x97: {  	[smem:$0x7F6] =	sst s16;
	s16 =	sshll.u32 s25, $0x3;
	s1 =	sadd.s32 s2, s1  }
0x98: {  	[tilespmem:s14], [sflag:$0x1] =	stream.linear.gather [hbm4b:s1+s3], $0x400, $0x38;
	[tilespmem:$0x8180] =	vst v63  }
0x99: {  	s1 =	sand.u32 $0x7FFFFC00, s16  }
0x9a: {  	s1 =	sadd.s32 s1, s0  }
0x9b: {  	s1 =	sadd.s32 $0x40000, s1  }
0x9c: {  	s1 =	sshrl.u32 s1, $0x3  }
0x9d: {  	s26 =	rddreg [dreg:$0x15];
	s1 =	sadd.s32 s2, s1  }
0x9e: {  	[tilespmem:s26], [sflag:$0x1] =	stream.linear.gather [hbm4b:s1+s3], $0x400, $0x38;
	[tilespmem:$0x8180] =	vst v63  }
0x9f: {  	s26 =	spop (v2sf);
	(v2sf) =	vpush v2, $0x4;
	_ =	sdelay $0x4  }
0xa0: {  	s28 =	sshll.u32 s26, $0x3  }
0xa1: {  	s1 =	sand.u32 $0x7FFFFC00, s28;
	s28 =	spop (v2sf);
	(v2sf) =	vpush v2, $0x5;
	_ =	sdelay $0x1  }
0xa2: {  	s1 =	sadd.s32 s1, s0  }
0xa3: {  	s1 =	sadd.s32 $0x40000, s1  }
0xa4: {  	s1 =	sshrl.u32 s1, $0x3  }
0xa5: {  	s29 =	rddreg [dreg:$0x16];
	s30 =	sshll.u32 s28, $0x3;
	s1 =	sadd.s32 s2, s1  }
0xa6: {  	[tilespmem:s29], [sflag:$0x1] =	stream.linear.gather [hbm4b:s1+s3], $0x400, $0x38;
	[tilespmem:$0x8180] =	vst v63  }
0xa7: {  	s1 =	sand.u32 $0x7FFFFC00, s30  }
0xa8: {  	s1 =	sadd.s32 s1, s0  }
0xa9: {  	s1 =	sadd.s32 $0x40000, s1;
	s29 =	spop (v2sf);
	(v2sf) =	vpush v2, $0x6  }
0xaa: {  	s1 =	sshrl.u32 s1, $0x3  }
0xab: {  	s31 =	rddreg [dreg:$0x17];
	s1 =	sadd.s32 s2, s1  }
0xac: {  	[tilespmem:s31], [sflag:$0x1] =	stream.linear.gather [hbm4b:s1+s3], $0x400, $0x38;
	[tilespmem:$0x8180] =	vst v63  }
0xad: {  	s5 =	sshll.u32 s29, $0x3  }
0xae: {  	s1 =	sand.u32 $0x7FFFFC00, s5  }
0xaf: {  	s30 =	spop (v2sf);
	(v2sf) =	vpush v2, $0x7;
	s1 =	sadd.s32 s1, s0  }
0xb0: {  	s1 =	sadd.s32 $0x40000, s1  }
0xb1: {  	s1 =	sshrl.u32 s1, $0x3  }
0xb2: {  	s8 =	rddreg [dreg:$0x18];
	s9 =	sshll.u32 s30, $0x3;
	s1 =	sadd.s32 s2, s1  }
0xb3: {  	[tilespmem:s8], [sflag:$0x1] =	stream.linear.gather [hbm4b:s1+s3], $0x400, $0x38;
	[tilespmem:$0x8180] =	vst v63  }
0xb4: {  	s1 =	sand.u32 $0x7FFFFC00, s9  }
0xb5: {  	s1 =	sadd.s32 s1, s0  }
0xb6: {  	s1 =	sadd.s32 $0x40000, s1  }
0xb7: {  	s1 =	sshrl.u32 s1, $0x3  }
0xb8: {  	s10 =	rddreg [dreg:$0x19];
	s1 =	sadd.s32 s2, s1;
	s31 =	spop (v2sf);
	(v2sf) =	vpush v2, $0x8  }
0xb9: {  	[tilespmem:s10], [sflag:$0x1] =	stream.linear.gather [hbm4b:s1+s3], $0x400, $0x38;
	[tilespmem:$0x8180] =	vst v63  }
0xba: {  	s11 =	sshll.u32 s31, $0x3  }
0xbb: {  	s1 =	sand.u32 $0x7FFFFC00, s11  }
0xbc: {  	s1 =	sadd.s32 s1, s0  }
0xbd: {  	s1 =	sadd.s32 $0x40000, s1  }
0xbe: {  	s16 =	spop (v2sf);
	(v2sf) =	vpush v2, $0x9;
	s1 =	sshrl.u32 s1, $0x3  }
0xbf: {  	s12 =	rddreg [dreg:$0x1a];
	s13 =	sshll.u32 s16, $0x3;
	s1 =	sadd.s32 s2, s1  }
0xc0: {  	[tilespmem:s12], [sflag:$0x1] =	stream.linear.gather [hbm4b:s1+s3], $0x400, $0x38;
	[tilespmem:$0x8180] =	vst v63  }
0xc1: {  	s1 =	sand.u32 $0x7FFFFC00, s13  }
0xc2: {  	s1 =	sadd.s32 s1, s0  }
0xc3: {  	s1 =	sadd.s32 $0x40000, s1  }
0xc4: {  	s1 =	sshrl.u32 s1, $0x3  }
0xc5: {  	s14 =	rddreg [dreg:$0x1b];
	s1 =	sadd.s32 s2, s1  }
0xc6: {  	[tilespmem:s14], [sflag:$0x1] =	stream.linear.gather [hbm4b:s1+s3], $0x400, $0x38;
	[tilespmem:$0x8180] =	vst v63  }
0xc7: {  	s14 =	spop (v2sf);
	(v2sf) =	vpush v2, $0xA;
	_ =	sdelay $0x1  }
0xc8: {  	s4 =	sshll.u32 s14, $0x3  }
0xc9: {  	s1 =	sand.u32 $0x7FFFFC00, s4  }
0xca: {  	s1 =	sadd.s32 s1, s0  }
0xcb: {  	s1 =	sadd.s32 $0x60000, s1  }
0xcc: {  	s13 =	spop (v2sf);
	s1 =	sshrl.u32 s1, $0x3  }
0xcd: {  	s5 =	rddreg [dreg:$0x1c];
	s8 =	sshll.u32 s13, $0x3;
	s1 =	sadd.s32 s2, s1  }
0xce: {  	(v2sf) =	vpush v2, $0xB;
	[tilespmem:s5], [sflag:$0x1] =	stream.linear.gather [hbm4b:s1+s3], $0x400, $0x38;
	[tilespmem:$0x8180] =	vst v63  }
0xcf: {  	s1 =	sand.u32 $0x7FFFFC00, s8  }
0xd0: {  	s1 =	sadd.s32 s1, s0  }
0xd1: {  	s1 =	sadd.s32 $0x60000, s1  }
0xd2: {  	s1 =	sshrl.u32 s1, $0x3  }
0xd3: {  	s9 =	rddreg [dreg:$0x1d];
	s1 =	sadd.s32 s2, s1  }
0xd4: {  	[tilespmem:s9], [sflag:$0x1] =	stream.linear.gather [hbm4b:s1+s3], $0x400, $0x38;
	[tilespmem:$0x8180] =	vst v63  }
0xd5: {  	s12 =	spop (v2sf)  }
0xd6: {  	(v2sf) =	vpush v2, $0xC;
	s10 =	sshll.u32 s12, $0x3  }
0xd7: {  	s1 =	sand.u32 $0x7FFFFC00, s10  }
0xd8: {  	s1 =	sadd.s32 s1, s0  }
0xd9: {  	s1 =	sadd.s32 $0x60000, s1  }
0xda: {  	s1 =	sshrl.u32 s1, $0x3  }
0xdb: {  	s11 =	rddreg [dreg:$0x1e];
	s1 =	sadd.s32 s2, s1  }
0xdc: {  	[tilespmem:s11], [sflag:$0x1] =	stream.linear.gather [hbm4b:s1+s3], $0x400, $0x38;
	[tilespmem:$0x8180] =	vst v63  }
0xdd: {  	s11 =	spop (v2sf)  }
0xde: {  	(v2sf) =	vpush v2, $0xD;
	s4 =	sshll.u32 s11, $0x3  }
0xdf: {  	s1 =	sand.u32 $0x7FFFFC00, s4  }
0xe0: {  	s1 =	sadd.s32 s1, s0  }
0xe1: {  	s1 =	sadd.s32 $0x60000, s1  }
0xe2: {  	s1 =	sshrl.u32 s1, $0x3  }
0xe3: {  	s5 =	rddreg [dreg:$0x1f];
	s1 =	sadd.s32 s2, s1  }
0xe4: {  	[tilespmem:s5], [sflag:$0x1] =	stream.linear.gather [hbm4b:s1+s3], $0x400, $0x38;
	[tilespmem:$0x8180] =	vst v63  }
0xe5: {  	s10 =	spop (v2sf)  }
0xe6: {  	(v2sf) =	vpush v2, $0xE;
	s8 =	sshll.u32 s10, $0x3  }
0xe7: {  	s1 =	sand.u32 $0x7FFFFC00, s8  }
0xe8: {  	s1 =	sadd.s32 s1, s0  }
0xe9: {  	s9 =	sld [smem:$0x7FA];
	s1 =	sadd.s32 $0x60000, s1  }
0xea: {  	s1 =	sshrl.u32 s1, $0x3  }
0xeb: {  	s1 =	sadd.s32 s2, s1  }
0xec: {  	[tilespmem:s9], [sflag:$0x1] =	stream.linear.gather [hbm4b:s1+s3], $0x400, $0x38;
	[tilespmem:$0x8180] =	vst v63  }
0xed: {  	s9 =	spop (v2sf)  }
0xee: {  	(v2sf) =	vpush v2, $0xF;
	s5 =	sshll.u32 s9, $0x3  }
0xef: {  	s1 =	sand.u32 $0x7FFFFC00, s5  }
0xf0: {  	s1 =	sadd.s32 s1, s0  }
0xf1: {  	s8 =	sld [smem:$0x7FB];
	s1 =	sadd.s32 $0x60000, s1  }
0xf2: {  	s1 =	sshrl.u32 s1, $0x3  }
0xf3: {  	s1 =	sadd.s32 s2, s1  }
0xf4: {  	[tilespmem:s8], [sflag:$0x1] =	stream.linear.gather [hbm4b:s1+s3], $0x400, $0x38;
	[tilespmem:$0x8180] =	vst v63  }
0xf5: {  	s8 =	spop (v2sf)  }
0xf6: {  	s5 =	sshll.u32 s8, $0x3  }
0xf7: {  	s1 =	sand.u32 $0x7FFFFC00, s5  }
0xf8: {  	s1 =	sadd.s32 s1, s0  }
0xf9: {  	s4 =	sld [smem:$0x7FC];
	s1 =	sadd.s32 $0x60000, s1  }
0xfa: {  	s1 =	sshrl.u32 s1, $0x3  }
0xfb: {  	s1 =	sadd.s32 s2, s1  }
0xfc: {  	[tilespmem:s4], [sflag:$0x1] =	stream.linear.gather [hbm4b:s1+s3], $0x400, $0x38;
	[tilespmem:$0x8180] =	vst v63  }
0xfd: {  	s4 =	spop (v2sf)  }
0xfe: {  	s1 =	sshll.u32 s4, $0x3  }
0xff: {  	s5 =	sand.u32 $0x7FFFFC00, s1  }
0x100: {  	s0 =	sadd.s32 s5, s0  }
0x101: {  	s1 =	sld [smem:$0x7FD];
	s0 =	sadd.s32 $0x60000, s0  }
0x102: {  	s0 =	sshrl.u32 s0, $0x3  }
0x103: {  	s0 =	sadd.s32 s2, s0  }
0x104: {  	[tilespmem:s1], [sflag:$0x1] =	stream.linear.gather [hbm4b:s0+s3], $0x400, $0x38;
	[tilespmem:$0x8180] =	vst v63  }
0x105: {  	_ =	swait.ge [sflag:s6], $0x400  }
0x106: {  	[sflag:s6] =	ssyncset.done $0x0  }
0x107: {  	[sflag:s6] =	ssyncadd.s32 $0xFFFFFC00  }
0x108: {  	_ =	swait.ge [sflag:s6], $0x400  }
0x109: {  	[sflag:s6] =	ssyncset.done $0x0  }
0x10a: {  	[sflag:s6] =	ssyncadd.s32 $0xFFFFFC00  }
0x10b: {  	_ =	swait.ge [sflag:s6], $0x400  }
0x10c: {  	[sflag:s6] =	ssyncset.done $0x0  }
0x10d: {  	[sflag:s6] =	ssyncadd.s32 $0xFFFFFC00  }
0x10e: {  	_ =	swait.ge [sflag:s6], $0x400  }
0x10f: {  	[sflag:s6] =	ssyncset.done $0x0  }
0x110: {  	[sflag:s6] =	ssyncadd.s32 $0xFFFFFC00  }
0x111: {  	_ =	swait.ge [sflag:s6], $0x400  }
0x112: {  	[sflag:s6] =	ssyncset.done $0x0  }
0x113: {  	[sflag:s6] =	ssyncadd.s32 $0xFFFFFC00  }
0x114: {  	_ =	swait.ge [sflag:s6], $0x400  }
0x115: {  	[sflag:s6] =	ssyncset.done $0x0  }
0x116: {  	[sflag:s6] =	ssyncadd.s32 $0xFFFFFC00  }
0x117: {  	_ =	swait.ge [sflag:s6], $0x400  }
0x118: {  	[sflag:s6] =	ssyncset.done $0x0  }
0x119: {  	[sflag:s6] =	ssyncadd.s32 $0xFFFFFC00  }
0x11a: {  	_ =	swait.ge [sflag:s6], $0x400  }
0x11b: {  	[sflag:s6] =	ssyncset.done $0x0  }
0x11c: {  	[sflag:s6] =	ssyncadd.s32 $0xFFFFFC00  }
0x11d: {  	_ =	swait.ge [sflag:s6], $0x400  }
0x11e: {  	[sflag:s6] =	ssyncset.done $0x0  }
0x11f: {  	[sflag:s6] =	ssyncadd.s32 $0xFFFFFC00  }
0x120: {  	_ =	swait.ge [sflag:s6], $0x400  }
0x121: {  	[sflag:s6] =	ssyncset.done $0x0  }
0x122: {  	[sflag:s6] =	ssyncadd.s32 $0xFFFFFC00  }
0x123: {  	_ =	swait.ge [sflag:s6], $0x400  }
0x124: {  	[sflag:s6] =	ssyncset.done $0x0  }
0x125: {  	[sflag:s6] =	ssyncadd.s32 $0xFFFFFC00  }
0x126: {  	_ =	swait.ge [sflag:s6], $0x400  }
0x127: {  	[sflag:s6] =	ssyncset.done $0x0  }
0x128: {  	[sflag:s6] =	ssyncadd.s32 $0xFFFFFC00  }
0x129: {  	_ =	swait.ge [sflag:s6], $0x400  }
0x12a: {  	[sflag:s6] =	ssyncset.done $0x0  }
0x12b: {  	[sflag:s6] =	ssyncadd.s32 $0xFFFFFC00  }
0x12c: {  	_ =	swait.ge [sflag:s6], $0x400  }
0x12d: {  	[sflag:s6] =	ssyncset.done $0x0  }
0x12e: {  	[sflag:s6] =	ssyncadd.s32 $0xFFFFFC00  }
0x12f: {  	_ =	swait.ge [sflag:s6], $0x400  }
0x130: {  	[sflag:s6] =	ssyncset.done $0x0  }
0x131: {  	[sflag:s6] =	ssyncadd.s32 $0xFFFFFC00  }
0x132: {  	_ =	swait.ge [sflag:s6], $0x400  }
0x133: {  	[sflag:s6] =	ssyncset.done $0x0  }
0x134: {  	[sflag:s6] =	ssyncadd.s32 $0xFFFFFC00  }
0x135: {  	_ =	swait.ge [sflag:s6], $0x400  }
0x136: {  	[sflag:s6] =	ssyncset.done $0x0  }
0x137: {  	[sflag:s6] =	ssyncadd.s32 $0xFFFFFC00  }
0x138: {  	_ =	swait.ge [sflag:s6], $0x400  }
0x139: {  	[sflag:s6] =	ssyncset.done $0x0  }
0x13a: {  	[sflag:s6] =	ssyncadd.s32 $0xFFFFFC00  }
0x13b: {  	_ =	swait.ge [sflag:s6], $0x400  }
0x13c: {  	[sflag:s6] =	ssyncset.done $0x0  }
0x13d: {  	[sflag:s6] =	ssyncadd.s32 $0xFFFFFC00  }
0x13e: {  	_ =	swait.ge [sflag:s6], $0x400  }
0x13f: {  	[sflag:s6] =	ssyncset.done $0x0  }
0x140: {  	[sflag:s6] =	ssyncadd.s32 $0xFFFFFC00  }
0x141: {  	_ =	swait.ge [sflag:s6], $0x400  }
0x142: {  	[sflag:s6] =	ssyncset.done $0x0  }
0x143: {  	[sflag:s6] =	ssyncadd.s32 $0xFFFFFC00  }
0x144: {  	_ =	swait.ge [sflag:s6], $0x400  }
0x145: {  	[sflag:s6] =	ssyncset.done $0x0  }
0x146: {  	[sflag:s6] =	ssyncadd.s32 $0xFFFFFC00  }
0x147: {  	_ =	swait.ge [sflag:s6], $0x400  }
0x148: {  	[sflag:s6] =	ssyncset.done $0x0  }
0x149: {  	[sflag:s6] =	ssyncadd.s32 $0xFFFFFC00  }
0x14a: {  	_ =	swait.ge [sflag:s6], $0x400  }
0x14b: {  	[sflag:s6] =	ssyncset.done $0x0  }
0x14c: {  	[sflag:s6] =	ssyncadd.s32 $0xFFFFFC00  }
0x14d: {  	_ =	swait.ge [sflag:s6], $0x400  }
0x14e: {  	[sflag:s6] =	ssyncset.done $0x0  }
0x14f: {  	[sflag:s6] =	ssyncadd.s32 $0xFFFFFC00  }
0x150: {  	_ =	swait.ge [sflag:s6], $0x400  }
0x151: {  	[sflag:s6] =	ssyncset.done $0x0  }
0x152: {  	[sflag:s6] =	ssyncadd.s32 $0xFFFFFC00  }
0x153: {  	_ =	swait.ge [sflag:s6], $0x400  }
0x154: {  	[sflag:s6] =	ssyncset.done $0x0  }
0x155: {  	[sflag:s6] =	ssyncadd.s32 $0xFFFFFC00  }
0x156: {  	_ =	swait.ge [sflag:s6], $0x400  }
0x157: {  	[sflag:s6] =	ssyncset.done $0x0  }
0x158: {  	[sflag:s6] =	ssyncadd.s32 $0xFFFFFC00  }
0x159: {  	_ =	swait.ge [sflag:s6], $0x400  }
0x15a: {  	[sflag:s6] =	ssyncset.done $0x0  }
0x15b: {  	[sflag:s6] =	ssyncadd.s32 $0xFFFFFC00  }
0x15c: {  	_ =	swait.ge [sflag:s6], $0x400  }
0x15d: {  	[sflag:s6] =	ssyncset.done $0x0  }
0x15e: {  	[sflag:s6] =	ssyncadd.s32 $0xFFFFFC00  }
0x15f: {  	_ =	swait.ge [sflag:s6], $0x400  }
0x160: {  	[sflag:s6] =	ssyncset.done $0x0  }
0x161: {  	[sflag:s6] =	ssyncadd.s32 $0xFFFFFC00  }
0x162: {  	_ =	swait.ge [sflag:s6], $0x400  }
0x163: {  	s5 =	sld [smem:$0x7F0];
	_ =	sdelay $0x1  }
0x164: {  	[sflag:s6] =	ssyncset.done $0x0  }
0x165: {  	[sflag:s6] =	ssyncadd.s32 $0xFFFFFC00;
	s1 =	sand.u32 $0x70, s5  }
0x166: {  	v2 =	vld [tilespmem:s1+$0x100];
	s1 =	sld [smem:$0x7F1]  }
0x167: {  	s5 =	sand.u32 $0xF, s5  }
0x168: {  	v4 =	vmov s5;
	s5 =	sld [smem:$0x7F2]  }
0x169: {  	s0 =	sand.u32 $0x70, s1;
	s1 =	sand.u32 $0xF, s1  }
0x16a: {  	vm0 =	veq.s32 v4, v0;
	v3 =	vld [tilespmem:s0+$0x580];
	v35 =	vmov s1;
	s1 =	sld [smem:$0x7F3]  }
0x16b: {  	s0 =	sand.u32 $0x70, s5;
	s5 =	sand.u32 $0xF, s5;
	v2 =	vnsel vm0, $0x0, v2  }
0x16c: {  	v5 =	vld [tilespmem:s0+$0xA00];
	v1 =	vadd.f32 v2, v1;
	v2 =	vmov s5;
	s5 =	sld [smem:$0x7F4]  }
0x16d: {  	s0 =	sand.u32 $0x70, s1  }
0x16e: {  	vm9 =	veq.s32 v35, v0;
	v6 =	vld [tilespmem:s0+$0xE80]  }
0x16f: {  	s1 =	sand.u32 $0xF, s1;
	v3 =	vnsel vm9, $0x0, v3;
	s0 =	sand.u32 $0x70, s5  }
0x170: {  	vm10 =	veq.s32 v2, v0;
	v2 =	vmov s1;
	s1 =	sld [smem:$0x7F5];
	v36 =	vld [tilespmem:s0+$0x1300];
	v1 =	vadd.f32 v3, v1  }
0x171: {  	s5 =	sand.u32 $0xF, s5;
	v3 =	vnsel vm10, $0x0, v5  }
0x172: {  	vm11 =	veq.s32 v2, v0;
	v2 =	vmov s5;
	s5 =	sld [smem:$0x7F6];
	v1 =	vadd.f32 v3, v1  }
0x173: {  	s0 =	sand.u32 $0x70, s1;
	s1 =	sand.u32 $0xF, s1;
	v3 =	vnsel vm11, $0x0, v6  }
0x174: {  	vm12 =	veq.s32 v2, v0;
	v37 =	vld [tilespmem:s0+$0x1780];
	v2 =	vmov s1;
	s1 =	sld [smem:$0x7F7];
	v1 =	vadd.f32 v3, v1  }
0x175: {  	s0 =	sand.u32 $0x70, s5;
	s5 =	sand.u32 $0xF, s5;
	v3 =	vnsel vm12, $0x0, v36  }
0x176: {  	v38 =	vld [tilespmem:s0+$0x1C00];
	v1 =	vadd.f32 v3, v1;
	v3 =	vmov s5;
	s5 =	sld [smem:$0x7F8]  }
0x177: {  	s0 =	sand.u32 $0x70, s1  }
0x178: {  	vm13 =	veq.s32 v2, v0;
	v39 =	vld [tilespmem:s0+$0x2080]  }
0x179: {  	v2 =	vnsel vm13, $0x0, v37;
	s0 =	sand.u32 $0x70, s5  }
0x17a: {  	s1 =	sand.u32 $0xF, s1;
	vm14 =	veq.s32 v3, v0;
	v1 =	vadd.f32 v2, v1;
	v40 =	vld [tilespmem:s0+$0x2100]  }
0x17b: {  	v3 =	vmov s1;
	s1 =	sand.u32 $0x70, s17;
	v2 =	vnsel vm14, $0x0, v38  }
0x17c: {  	v41 =	vld [tilespmem:s1+$0x2580];
	vm15 =	veq.s32 v3, v0;
	s5 =	sand.u32 $0xF, s5;
	v1 =	vadd.f32 v2, v1  }
0x17d: {  	s1 =	sand.u32 $0x70, s18;
	v3 =	vmov s5;
	v2 =	vnsel vm15, $0x0, v39  }
0x17e: {  	v42 =	vld [tilespmem:s1+$0x2A00];
	s5 =	sand.u32 $0xF, s17;
	vm4 =	veq.s32 v3, v0;
	v1 =	vadd.f32 v2, v1  }
0x17f: {  	s17 =	sand.u32 $0x70, s19;
	v3 =	vmov s5;
	v2 =	vnsel vm4, $0x0, v40  }
0x180: {  	s18 =	sand.u32 $0xF, s18;
	v43 =	vld [tilespmem:s17+$0x2E80];
	vm5 =	veq.s32 v3, v0;
	v1 =	vadd.f32 v2, v1  }
0x181: {  	s1 =	sand.u32 $0x70, s20;
	v3 =	vmov s18;
	v2 =	vnsel vm5, $0x0, v41  }
0x182: {  	v44 =	vld [tilespmem:s1+$0x3300];
	s5 =	sand.u32 $0xF, s19;
	vm6 =	veq.s32 v3, v0;
	v1 =	vadd.f32 v2, v1  }
0x183: {  	s17 =	sand.u32 $0x70, s21;
	v3 =	vmov s5;
	v2 =	vnsel vm6, $0x0, v42  }
0x184: {  	v45 =	vld [tilespmem:s17+$0x3780];
	s18 =	sand.u32 $0xF, s20;
	vm7 =	veq.s32 v3, v0;
	v1 =	vadd.f32 v2, v1  }
0x185: {  	s19 =	sand.u32 $0x70, s22;
	v3 =	vmov s18;
	v2 =	vnsel vm7, $0x0, v43  }
0x186: {  	v46 =	vld [tilespmem:s19+$0x3C00];
	s20 =	sand.u32 $0xF, s21;
	vm8 =	veq.s32 v3, v0;
	v1 =	vadd.f32 v2, v1  }
0x187: {  	s21 =	sand.u32 $0x70, s23;
	v3 =	vmov s20;
	v2 =	vnsel vm8, $0x0, v44  }
0x188: {  	s22 =	sand.u32 $0xF, s22;
	v47 =	vld [tilespmem:s21+$0x4080];
	vm9 =	veq.s32 v3, v0;
	v1 =	vadd.f32 v2, v1  }
0x189: {  	s1 =	sand.u32 $0x70, s24;
	v3 =	vmov s22;
	v2 =	vnsel vm9, $0x0, v45  }
0x18a: {  	v48 =	vld [tilespmem:s1+$0x4100];
	s5 =	sand.u32 $0xF, s23;
	vm10 =	veq.s32 v3, v0;
	v1 =	vadd.f32 v2, v1  }
0x18b: {  	s17 =	sand.u32 $0x70, s25;
	v3 =	vmov s5;
	v2 =	vnsel vm10, $0x0, v46  }
0x18c: {  	v49 =	vld [tilespmem:s17+$0x4580];
	s18 =	sand.u32 $0xF, s24;
	vm11 =	veq.s32 v3, v0;
	v1 =	vadd.f32 v2, v1  }
0x18d: {  	s19 =	sand.u32 $0x70, s26;
	v3 =	vmov s18;
	v2 =	vnsel vm11, $0x0, v47  }
0x18e: {  	v50 =	vld [tilespmem:s19+$0x4A00];
	s20 =	sand.u32 $0xF, s25;
	vm12 =	veq.s32 v3, v0;
	v1 =	vadd.f32 v2, v1  }
0x18f: {  	s21 =	sand.u32 $0x70, s28;
	v3 =	vmov s20;
	v2 =	vnsel vm12, $0x0, v48  }
0x190: {  	v51 =	vld [tilespmem:s21+$0x4E80];
	s22 =	sand.u32 $0xF, s26;
	vm13 =	veq.s32 v3, v0;
	v1 =	vadd.f32 v2, v1  }
0x191: {  	s23 =	sand.u32 $0x70, s29;
	v3 =	vmov s22;
	v2 =	vnsel vm13, $0x0, v49  }
0x192: {  	v52 =	vld [tilespmem:s23+$0x5300];
	s24 =	sand.u32 $0xF, s28;
	vm14 =	veq.s32 v3, v0;
	v1 =	vadd.f32 v2, v1  }
0x193: {  	s25 =	sand.u32 $0x70, s30;
	v3 =	vmov s24;
	v2 =	vnsel vm14, $0x0, v50  }
0x194: {  	v53 =	vld [tilespmem:s25+$0x5780];
	s26 =	sand.u32 $0xF, s29;
	vm15 =	veq.s32 v3, v0;
	v1 =	vadd.f32 v2, v1  }
0x195: {  	s28 =	sand.u32 $0x70, s31;
	v3 =	vmov s26;
	v2 =	vnsel vm15, $0x0, v51  }
0x196: {  	v54 =	vld [tilespmem:s28+$0x5C00];
	s29 =	sand.u32 $0xF, s30;
	vm4 =	veq.s32 v3, v0;
	v1 =	vadd.f32 v2, v1  }
0x197: {  	s30 =	sand.u32 $0x70, s16;
	v3 =	vmov s29;
	v2 =	vnsel vm4, $0x0, v52  }
0x198: {  	s31 =	sand.u32 $0xF, s31;
	v55 =	vld [tilespmem:s30+$0x6080];
	vm5 =	veq.s32 v3, v0;
	v1 =	vadd.f32 v2, v1  }
0x199: {  	s1 =	sand.u32 $0x70, s14;
	v3 =	vmov s31;
	v2 =	vnsel vm5, $0x0, v53  }
0x19a: {  	v56 =	vld [tilespmem:s1+$0x6100];
	s5 =	sand.u32 $0xF, s16;
	vm6 =	veq.s32 v3, v0;
	v1 =	vadd.f32 v2, v1  }
0x19b: {  	s16 =	sand.u32 $0x70, s13;
	v3 =	vmov s5;
	v2 =	vnsel vm6, $0x0, v54  }
0x19c: {  	s17 =	sand.u32 $0xF, s14;
	v57 =	vld [tilespmem:s16+$0x6580];
	vm7 =	veq.s32 v3, v0;
	v1 =	vadd.f32 v2, v1  }
0x19d: {  	s18 =	sand.u32 $0x70, s12;
	v3 =	vmov s17;
	v2 =	vnsel vm7, $0x0, v55  }
0x19e: {  	s19 =	sand.u32 $0xF, s13;
	v58 =	vld [tilespmem:s18+$0x6A00];
	vm8 =	veq.s32 v3, v0;
	v1 =	vadd.f32 v2, v1  }
0x19f: {  	s20 =	sand.u32 $0x70, s11;
	v3 =	vmov s19;
	v2 =	vnsel vm8, $0x0, v56  }
0x1a0: {  	s21 =	sand.u32 $0xF, s12;
	v59 =	vld [tilespmem:s20+$0x6E80];
	vm9 =	veq.s32 v3, v0;
	v1 =	vadd.f32 v2, v1  }
0x1a1: {  	s22 =	sand.u32 $0x70, s10;
	v3 =	vmov s21;
	v2 =	vnsel vm9, $0x0, v57  }
0x1a2: {  	s23 =	sand.u32 $0xF, s11;
	v60 =	vld [tilespmem:s22+$0x7300];
	vm10 =	veq.s32 v3, v0;
	v1 =	vadd.f32 v2, v1  }
0x1a3: {  	s24 =	sand.u32 $0x70, s9;
	v3 =	vmov s23;
	v2 =	vnsel vm10, $0x0, v58  }
0x1a4: {  	s25 =	sand.u32 $0xF, s10;
	v61 =	vld [tilespmem:s24+$0x7780];
	vm11 =	veq.s32 v3, v0;
	v1 =	vadd.f32 v2, v1  }
0x1a5: {  	s26 =	sand.u32 $0x70, s8;
	v3 =	vmov s25;
	v2 =	vnsel vm11, $0x0, v59  }
0x1a6: {  	s28 =	sand.u32 $0xF, s9;
	v62 =	vld [tilespmem:s26+$0x7C00];
	vm12 =	veq.s32 v3, v0;
	v1 =	vadd.f32 v2, v1  }
0x1a7: {  	s29 =	sand.u32 $0x70, s4;
	v3 =	vmov s28;
	v2 =	vnsel vm12, $0x0, v60  }
0x1a8: {  	s30 =	sand.u32 $0xF, s8;
	v63 =	vld [tilespmem:s29+$0x8080];
	vm13 =	veq.s32 v3, v0;
	v1 =	vadd.f32 v2, v1  }
0x1a9: {  	p0 =	sne.s32 s7, $0x380000;
	v3 =	vnsel vm13, $0x0, v61;
	v2 =	vmov s30  }
.Ltmp0:
0x1aa: {  	s31 =	sand.u32 $0xF, s4;
	vm14 =	veq.s32 v2, v0;
	v1 =	vadd.f32 v3, v1;
	(pc) =	sbr.rel @p0 .LBB2_1-.Ltmp0, $4  }
0x1ab: {  	v2 =	vmov s31;
	v3 =	vnsel vm14, $0x0, v62  }
0x1ac: {  	vm15 =	veq.s32 v2, v0;
	v1 =	vadd.f32 v3, v1  }
0x1ad: {  	v2 =	vnsel vm15, $0x0, v63  }
0x1ae: {  	s15 =	sadd.s32 $0x20, s15;
	s7 =	sadd.s32 $0x80000, s7;
	v1 =	vadd.f32 v2, v1  }
0x1af: {  	s1 =	sld [smem:$0x7F9]  }
0x1b0: {  	s3 =	stileid.u32  }
0x1b1: {  	s30 =	simm.s32 $0x0;
	s0 =	sshll.u32 s3, $0x4  }
0x1b2: {  	s2 =	simm.s32 $0x8100;
	s31 =	simm.s32 $0x2;
	[tilespmem:$0x8100] =	vst v1;
	s0 =	sadd.s32 s1, s0  }
0x1b3: {  	[hbm4b:s0+s30] =	stream.linear.scatter [tilespmem:s2], [sflag:$0x2], $0x80, $0x38;
	[tilespmem:$0x8180] =	vst v63  }
0x1b4: {  	_ =	swait.ge [sflag:s31], $0x80  }
0x1b5: {  	[sflag:s31] =	ssyncset.done $0x0  }
0x1b6: {  	[sflag:s31] =	ssyncadd.s32 $0xFFFFFF80  }
0x1b7: {  	_ =	sfence.sel $0x180000  }
0x1b8: {  	[bflag:$0x0] =	sbarrier.arrive $0xFFFF  }
0x1b9: {  	_ =	strace $0x90000047  }
0x1ba: {  	[bflag:$0x2] =	sbarrier.arrive $0xFFFF  }
0x1bb: {  	p0 =	sne.s32 s3, $0x0;
	s0 =	rddreg [dreg:$0x2]  }
0x1bc: {  	s0 =	sadd.s32 @!p0 $0x100000, s0  }
0x1bd: {  	[sflag:s0] =	ssyncadd.tile.s32 @!p0 $0x1;
	_ =	shalt  }
.Lfunc_end2:
_tile_overlayer_lowered:
.L_overlay_start_2:
0x1be: {  	(tag) =	ssettag $0x2  }
0x1bf: {  	s0 =	rddreg [dreg:$0x0];
	s2 =	stileid.u32  }
0x1c0: {  	s1 =	rddreg [dreg:$0x1];
	p0 =	sne.s32 s2, $0x0  }
0x1c1: {  	s3 =	rddreg [dreg:$0x2];
	[bflag:$0x3] =	sbarrier.arrive $0xFFFF;
	s2 =	simm.s32 @!p0 $0x1C02  }
0x1c2: {  	[timem:s3], [sflag:s2] =	dma.local @!p0 [hbm:s0], s1  }
0x1c3: {  	s0 =	simm.s32 @!p0 $0x2  }
0x1c4: {  	_ =	swait.ge @!p0 [sflag:s0], s1  }
0x1c5: {  	s1 =	ssub.s32 @!p0 $0x0, s1;
	[sflag:s0] =	ssyncset.done @!p0 $0x0  }
0x1c6: {  	[sflag:s0] =	ssyncadd.s32 @!p0 s1  }
0x1c7: {  	[bflag:$0x3] =	sbarrier.arrive $0xFFFF  }
0x1c8: {  	_ =	shalt  }

</sc_bundles>
